<compile_context>
chip_gen: v7x
topology: tpu7x:2x2x1
jax: 0.10.2.dev20260603
libtpu: 0.0.44.dev20260713+nightly
codegen_flags: <defaults>
</compile_context>

<pallas_src>
import functools

import jax
import jax.numpy as jnp
from jax import lax
from jax.experimental import pallas as pl
from jax.experimental.pallas import tpu as pltpu
from jax.experimental.pallas import tpu_sc as plsc

NC = 2
NS = 16
NW = NC * NS
LANES = 16

B = 16384
L = 20
D = 64
DC = D // LANES
CHUNK = B // NW
SB = 32
NSB = CHUNK // SB
IDX_W = 128
NG = (SB * L) // IDX_W


def _sc_scores_body(ctx_idx_hbm, cen_idx_hbm, ctx_tab, cen_tab, out_hbm,
                    idx_v, cidx_v, rows0_v, rows1_v, crows0_v, crows1_v,
                    t0_v, partA_v, partB_v, scores_v, sem0, sem1):
  wid = lax.axis_index("s") * NC + lax.axis_index("c")

  pltpu.sync_copy(ctx_idx_hbm.at[pl.ds(wid * (CHUNK * L), CHUNK * L)], idx_v)
  pltpu.sync_copy(cen_idx_hbm.at[pl.ds(wid * CHUNK, CHUNK)], cidx_v)
  pltpu.sync_copy(ctx_tab.at[pl.ds(0, 8)], t0_v)

  t0c = [t0_v[0, pl.ds(c * LANES, LANES)] for c in range(DC)]
  lane = lax.iota(jnp.int32, LANES)

  def descr(i, rows_v, crows_v, sem):
    return (
        pltpu.make_async_copy(
            ctx_tab.at[idx_v.at[pl.ds(i * (SB * L), SB * L)]], rows_v, sem),
        pltpu.make_async_copy(
            cen_tab.at[cidx_v.at[pl.ds(i * SB, SB)]], crows_v, sem),
    )

  def issue(i, rows_v, crows_v, sem):
    for d in descr(i, rows_v, crows_v, sem):
      d.start()

  def wait(i, rows_v, crows_v, sem):
    for d in descr(i, rows_v, crows_v, sem):
      d.wait()

  def compute(i, rows_v, crows_v):
    def row_body(e, c2):
      base = e * L
      acc = [rows_v[base, pl.ds(c * LANES, LANES)] for c in range(DC)]
      for j in range(1, L):
        for c in range(DC):
          acc[c] = acc[c] + rows_v[base + j, pl.ds(c * LANES, LANES)]
      cen = [crows_v[e, pl.ds(c * LANES, LANES)] for c in range(DC)]
      pA = (acc[0] * cen[0] + acc[1] * cen[1]) + (acc[2] * cen[2] +
                                                  acc[3] * cen[3])
      pB = (t0c[0] * cen[0] + t0c[1] * cen[1]) + (t0c[2] * cen[2] +
                                                   t0c[3] * cen[3])
      partA_v[pl.ds(e * LANES, LANES)] = pA
      partB_v[pl.ds(e * LANES, LANES)] = pB
      return c2

    lax.fori_loop(0, SB, row_body, 0)

    for g in range(SB // LANES):
      n0 = jnp.zeros((LANES,), jnp.int32)
      idbase = (i * SB + g * LANES) * L
      for j in range(L):
        ids = plsc.load_gather(idx_v, [idbase + lane * L + j])
        n0 = n0 + jnp.where(ids == 0, 1, 0).astype(jnp.int32)
      pbase = g * (LANES * LANES) + lane * LANES
      sA = jnp.zeros((LANES,), jnp.float32)
      sB = jnp.zeros((LANES,), jnp.float32)
      for c in range(LANES):
        sA = sA + plsc.load_gather(partA_v, [pbase + c])
        sB = sB + plsc.load_gather(partB_v, [pbase + c])
      n0f = n0.astype(jnp.float32)
      score = (sA - n0f * sB) / (jnp.float32(L) - n0f)
      scores_v[pl.ds(i * SB + g * LANES, LANES)] = score

  issue(0, rows0_v, crows0_v, sem0)

  def sub_block(i, carry):
    def even():
      wait(i, rows0_v, crows0_v, sem0)

      @pl.when(i + 1 < NSB)
      def _():
        issue(i + 1, rows1_v, crows1_v, sem1)

      compute(i, rows0_v, crows0_v)

    def odd():
      wait(i, rows1_v, crows1_v, sem1)

      @pl.when(i + 1 < NSB)
      def _():
        issue(i + 1, rows0_v, crows0_v, sem0)

      compute(i, rows1_v, crows1_v)

    lax.cond(lax.rem(i, 2) == 0, even, odd)
    return carry

  lax.fori_loop(0, NSB, sub_block, 0)
  pltpu.sync_copy(scores_v, out_hbm.at[pl.ds(wid * CHUNK, CHUNK)])


_sc_scores = functools.partial(
    pl.kernel,
    out_type=jax.ShapeDtypeStruct((B,), jnp.float32),
    mesh=plsc.VectorSubcoreMesh(core_axis_name="c", subcore_axis_name="s"),
    compiler_params=pltpu.CompilerParams(
        needs_layout_passes=False, use_tc_tiling_on_sc=False),
    scratch_types=[
        pltpu.VMEM((CHUNK * L,), jnp.int32),
        pltpu.VMEM((CHUNK,), jnp.int32),
        pltpu.VMEM((SB * L, D), jnp.float32),
        pltpu.VMEM((SB * L, D), jnp.float32),
        pltpu.VMEM((SB, D), jnp.float32),
        pltpu.VMEM((SB, D), jnp.float32),
        pltpu.VMEM((8, D), jnp.float32),
        pltpu.VMEM((SB * LANES,), jnp.float32),
        pltpu.VMEM((SB * LANES,), jnp.float32),
        pltpu.VMEM((CHUNK,), jnp.float32),
        pltpu.SemaphoreType.DMA,
        pltpu.SemaphoreType.DMA,
    ],
)(_sc_scores_body)


def _tc_loss_body(scores_ref, labels_ref, out_ref):
  s = scores_ref[...]
  y = labels_ref[...]
  p = jax.nn.sigmoid(s)
  ll = -(y * jnp.log(p + 1e-08) + (1.0 - y) * jnp.log(1.0 - p + 1e-08))
  out_ref[0, 0] = jnp.sum(ll) * (1.0 / B)


def kernel(context_ids, center_ids, labels, context_table, center_table):
  ctx1d = context_ids.astype(jnp.int32).reshape(B * L)
  scores = _sc_scores(ctx1d, center_ids, context_table, center_table)
  loss = pl.pallas_call(
      _tc_loss_body,
      out_shape=jax.ShapeDtypeStruct((1, 1), jnp.float32),
      out_specs=pl.BlockSpec(memory_space=pltpu.SMEM),
  )(scores.reshape(128, 128), labels.reshape(128, 128))
  return loss[0, 0]

# --- scband reference (transcript-rebuilt; emitter-appended) ---
"""Pipeline reference for scband-cbowmodel-16673063043149 (READ-ONLY COPY).

The authoritative reference and input builder live on the scoring server;
editing this copy changes nothing except your own understanding.
"""

import jax, jax.numpy as jnp
import numpy as np

VOCAB = 100000
EMBED = 64
B = 16384
L = 20

def setup_inputs(seed: int = 0) -> dict:
    key = jax.random.key(seed)
    k1, k2, k3, k4, k5 = jax.random.split(key, 5)
    context_ids = jax.random.randint(k1, (B, L), 0, VOCAB, dtype=jnp.int64) if jax.config.jax_enable_x64 else jax.random.randint(k1, (B, L), 0, VOCAB).astype(jnp.int32)
    center_ids = jax.random.randint(k2, (B,), 0, VOCAB).astype(jnp.int32)
    labels = jax.random.uniform(k3, (B,), dtype=jnp.float32)
    context_table = jax.random.normal(k4, (VOCAB, EMBED), dtype=jnp.float32) * 0.02
    center_table = jax.random.normal(k5, (VOCAB, EMBED), dtype=jnp.float32) * 0.02
    return {
        "context_ids": context_ids,
        "center_ids": center_ids,
        "labels": labels,
        "context_table": context_table,
        "center_table": center_table,
    }

def reference(context_ids, center_ids, labels, context_table, center_table):
    # context embedding lookup: [B, L, D]
    context_embeds = jnp.take(context_table, context_ids, axis=0)
    # mask out padding id 0
    mask = (context_ids != 0).astype(jnp.float32)[..., None]  # [B, L, 1]
    masked_embeds = context_embeds * mask
    context_mean = jnp.sum(masked_embeds, axis=1) / jnp.sum(mask, axis=1)  # [B, D]
    # center embedding lookup: [B, D]
    center_embeds = jnp.take(center_table, center_ids, axis=0)
    scores = jnp.sum(context_mean * center_embeds, axis=1)  # [B]
    probs = jax.nn.sigmoid(scores)
    loss = -(labels * jnp.log(probs + 1e-08) + (1.0 - labels) * jnp.log(1.0 - probs + 1e-08))
    return loss.mean()

if __name__ == "__main__":
    import jax
    _d = setup_inputs()
    print(jax.jit(kernel)(*tuple(_d.values())))

</pallas_src>

<mosaic_0001>
#map = affine_map<(d0, d1) -> (0)>
#map1 = affine_map<(d0, d1) -> (0, 0)>
module attributes {stable_mosaic.version = 14 : i64} {
  func.func @_sc_scores_body(%arg0: i32, %arg1: i32, %arg2: memref<327680xi32, #tpu.memory_space<hbm>>, %arg3: memref<16384xi32, #tpu.memory_space<hbm>>, %arg4: memref<100000x64xf32, #tpu.memory_space<hbm>>, %arg5: memref<100000x64xf32, #tpu.memory_space<hbm>>, %arg6: memref<16384xf32, #tpu.memory_space<hbm>>, %arg7: memref<10240xi32, #tpu.memory_space<vmem>>, %arg8: memref<512xi32, #tpu.memory_space<vmem>>, %arg9: memref<640x64xf32, #tpu.memory_space<vmem>>, %arg10: memref<640x64xf32, #tpu.memory_space<vmem>>, %arg11: memref<32x64xf32, #tpu.memory_space<vmem>>, %arg12: memref<32x64xf32, #tpu.memory_space<vmem>>, %arg13: memref<8x64xf32, #tpu.memory_space<vmem>>, %arg14: memref<512xf32, #tpu.memory_space<vmem>>, %arg15: memref<512xf32, #tpu.memory_space<vmem>>, %arg16: memref<512xf32, #tpu.memory_space<vmem>>, %arg17: memref<!tpu.dma_semaphore, #tpu.memory_space<semaphore_mem>>, %arg18: memref<!tpu.dma_semaphore, #tpu.memory_space<semaphore_mem>>) attributes {dimension_semantics = [#tpu.dimension_semantics<core_parallel>, #tpu.dimension_semantics<subcore_parallel>], iteration_bounds = array<i64: 2, 16>, scalar_prefetch = 0 : i64, scratch_operands = 12 : i64, tpu.core_type = #tpu.core_type<sc_vector_subcore>, window_params = [{transform_indices = #map}, {transform_indices = #map}, {transform_indices = #map1}, {transform_indices = #map1}, {transform_indices = #map}]} {
    %mul3A = arith.constant 2 : i32
    %mul3A_0 = arith.muli %arg1, %mul3A : i32
    %add3A = arith.addi %mul3A_0, %arg0 : i32
    %mul3A_1 = arith.constant 10240 : i32
    %mul3A_2 = arith.muli %add3A, %mul3A_1 : i32
    "tpu.region"() ({
      %run_scoped3A = tpu.sem_alloc : memref<!tpu.dma_semaphore, #tpu.memory_space<semaphore_mem>>
      %dma_start3A_36 = tpu.memref_slice %arg2[%mul3A_2] : memref<327680xi32, #tpu.memory_space<hbm>> -> memref<10240xi32, #tpu.memory_space<hbm>>
      %dma_start3A_37 = tpu.memref_slice %arg2[%mul3A_2] : memref<327680xi32, #tpu.memory_space<hbm>> -> memref<10240xi32, #tpu.memory_space<hbm>>
      tpu.enqueue_dma source(%dma_start3A_37 : memref<10240xi32, #tpu.memory_space<hbm>>) target(%arg7 : memref<10240xi32, #tpu.memory_space<vmem>>) target_semaphore(%run_scoped3A : memref<!tpu.dma_semaphore, #tpu.memory_space<semaphore_mem>>)
      %dma_wait3A = tpu.memref_slice %arg2[%mul3A_2] : memref<327680xi32, #tpu.memory_space<hbm>> -> memref<10240xi32, #tpu.memory_space<hbm>>
      %dma_wait3A_38 = tpu.memref_slice %arg2[%mul3A_2] : memref<327680xi32, #tpu.memory_space<hbm>> -> memref<10240xi32, #tpu.memory_space<hbm>>
      tpu.wait_dma2 semaphore(%run_scoped3A : memref<!tpu.dma_semaphore, #tpu.memory_space<semaphore_mem>>) src(%dma_wait3A_38 : memref<10240xi32, #tpu.memory_space<hbm>>) dst(%arg7 : memref<10240xi32, #tpu.memory_space<vmem>>)
      tpu.yield
    }) : () -> ()
    %mul3A_3 = arith.constant 512 : i32
    %mul3A_4 = arith.muli %add3A, %mul3A_3 : i32
    "tpu.region"() ({
      %run_scoped3A = tpu.sem_alloc : memref<!tpu.dma_semaphore, #tpu.memory_space<semaphore_mem>>
      %dma_start3A_36 = tpu.memref_slice %arg3[%mul3A_4] : memref<16384xi32, #tpu.memory_space<hbm>> -> memref<512xi32, #tpu.memory_space<hbm>>
      %dma_start3A_37 = tpu.memref_slice %arg3[%mul3A_4] : memref<16384xi32, #tpu.memory_space<hbm>> -> memref<512xi32, #tpu.memory_space<hbm>>
      tpu.enqueue_dma source(%dma_start3A_37 : memref<512xi32, #tpu.memory_space<hbm>>) target(%arg8 : memref<512xi32, #tpu.memory_space<vmem>>) target_semaphore(%run_scoped3A : memref<!tpu.dma_semaphore, #tpu.memory_space<semaphore_mem>>)
      %dma_wait3A = tpu.memref_slice %arg3[%mul3A_4] : memref<16384xi32, #tpu.memory_space<hbm>> -> memref<512xi32, #tpu.memory_space<hbm>>
      %dma_wait3A_38 = tpu.memref_slice %arg3[%mul3A_4] : memref<16384xi32, #tpu.memory_space<hbm>> -> memref<512xi32, #tpu.memory_space<hbm>>
      tpu.wait_dma2 semaphore(%run_scoped3A : memref<!tpu.dma_semaphore, #tpu.memory_space<semaphore_mem>>) src(%dma_wait3A_38 : memref<512xi32, #tpu.memory_space<hbm>>) dst(%arg8 : memref<512xi32, #tpu.memory_space<vmem>>)
      tpu.yield
    }) : () -> ()
    "tpu.region"() ({
      %run_scoped3A = tpu.sem_alloc : memref<!tpu.dma_semaphore, #tpu.memory_space<semaphore_mem>>
      %dma_start3A_36 = arith.constant 0 : i32
      %dma_start3A_37 = arith.constant 0 : i32
      %dma_start3A_38 = tpu.memref_slice %arg4[%dma_start3A_36, %dma_start3A_37] : memref<100000x64xf32, #tpu.memory_space<hbm>> -> memref<8x64xf32, #tpu.memory_space<hbm>>
      %dma_start3A_39 = arith.constant 0 : i32
      %dma_start3A_40 = arith.constant 0 : i32
      %dma_start3A_41 = tpu.memref_slice %arg4[%dma_start3A_39, %dma_start3A_40] : memref<100000x64xf32, #tpu.memory_space<hbm>> -> memref<8x64xf32, #tpu.memory_space<hbm>>
      tpu.enqueue_dma source(%dma_start3A_41 : memref<8x64xf32, #tpu.memory_space<hbm>>) target(%arg13 : memref<8x64xf32, #tpu.memory_space<vmem>>) target_semaphore(%run_scoped3A : memref<!tpu.dma_semaphore, #tpu.memory_space<semaphore_mem>>)
      %dma_wait3A = arith.constant 0 : i32
      %dma_wait3A_42 = arith.constant 0 : i32
      %dma_wait3A_43 = tpu.memref_slice %arg4[%dma_wait3A, %dma_wait3A_42] : memref<100000x64xf32, #tpu.memory_space<hbm>> -> memref<8x64xf32, #tpu.memory_space<hbm>>
      %dma_wait3A_44 = arith.constant 0 : i32
      %dma_wait3A_45 = arith.constant 0 : i32
      %dma_wait3A_46 = tpu.memref_slice %arg4[%dma_wait3A_44, %dma_wait3A_45] : memref<100000x64xf32, #tpu.memory_space<hbm>> -> memref<8x64xf32, #tpu.memory_space<hbm>>
      tpu.wait_dma2 semaphore(%run_scoped3A : memref<!tpu.dma_semaphore, #tpu.memory_space<semaphore_mem>>) src(%dma_wait3A_46 : memref<8x64xf32, #tpu.memory_space<hbm>>) dst(%arg13 : memref<8x64xf32, #tpu.memory_space<vmem>>)
      tpu.yield
    }) : () -> ()
    %get3A = arith.constant 0 : i32
    %get3A_5 = arith.index_cast %get3A : i32 to index
    %get3A_6 = arith.constant 0 : index
    %get3A_7 = tpu.vector_load %arg13[%get3A_5, %get3A_6] {strides = array<i32>} : memref<8x64xf32, #tpu.memory_space<vmem>>, vector<16xf32>,
    %get3A_8 = arith.constant 0 : i32
    %get3A_9 = arith.index_cast %get3A_8 : i32 to index
    %get3A_10 = arith.constant 16 : index
    %get3A_11 = tpu.vector_load %arg13[%get3A_9, %get3A_10] {strides = array<i32>} : memref<8x64xf32, #tpu.memory_space<vmem>>, vector<16xf32>,
    %get3A_12 = arith.constant 0 : i32
    %get3A_13 = arith.index_cast %get3A_12 : i32 to index
    %get3A_14 = arith.constant 32 : index
    %get3A_15 = tpu.vector_load %arg13[%get3A_13, %get3A_14] {strides = array<i32>} : memref<8x64xf32, #tpu.memory_space<vmem>>, vector<16xf32>,
    %get3A_16 = arith.constant 0 : i32
    %get3A_17 = arith.index_cast %get3A_16 : i32 to index
    %get3A_18 = arith.constant 48 : index
    %get3A_19 = tpu.vector_load %arg13[%get3A_17, %get3A_18] {strides = array<i32>} : memref<8x64xf32, #tpu.memory_space<vmem>>, vector<16xf32>,
    %iota3A = tpu.iota {dimensions = array<i32: 0>} : vector<16xi32>
    %dma_start3A = arith.constant 0 : i32
    %dma_start3A_20 = tpu.memref_slice %arg7[%dma_start3A] : memref<10240xi32, #tpu.memory_space<vmem>> -> memref<640xi32, #tpu.memory_space<vmem>>
    %dma_start3A_21 = arith.constant 0 : i32
    %dma_start3A_22 = arith.constant 0 : i32
    %dma_start3A_23 = tpu.memref_slice %arg4[%dma_start3A_21, %dma_start3A_22] : memref<100000x64xf32, #tpu.memory_space<hbm>> -> memref<100000x64xf32, #tpu.memory_space<hbm>>
    tpu.enqueue_indirect_dma source(%dma_start3A_23 : memref<100000x64xf32, #tpu.memory_space<hbm>>) target(%arg9 : memref<640x64xf32, #tpu.memory_space<vmem>>) offsets(%dma_start3A_20 : memref<640xi32, #tpu.memory_space<vmem>>) semaphore(%arg17 : memref<!tpu.dma_semaphore, #tpu.memory_space<semaphore_mem>>)
    %dma_start3A_24 = arith.constant 0 : i32
    %dma_start3A_25 = tpu.memref_slice %arg8[%dma_start3A_24] : memref<512xi32, #tpu.memory_space<vmem>> -> memref<32xi32, #tpu.memory_space<vmem>>
    %dma_start3A_26 = arith.constant 0 : i32
    %dma_start3A_27 = arith.constant 0 : i32
    %dma_start3A_28 = tpu.memref_slice %arg5[%dma_start3A_26, %dma_start3A_27] : memref<100000x64xf32, #tpu.memory_space<hbm>> -> memref<100000x64xf32, #tpu.memory_space<hbm>>
    tpu.enqueue_indirect_dma source(%dma_start3A_28 : memref<100000x64xf32, #tpu.memory_space<hbm>>) target(%arg11 : memref<32x64xf32, #tpu.memory_space<vmem>>) offsets(%dma_start3A_25 : memref<32xi32, #tpu.memory_space<vmem>>) semaphore(%arg17 : memref<!tpu.dma_semaphore, #tpu.memory_space<semaphore_mem>>)
    %scan3A = arith.constant 0 : i32
    %scan3A_29 = arith.constant 0 : i32
    %scan3A_30 = arith.constant 16 : i32
    %scan3A_31 = arith.addi %scan3A_29, %scan3A_30 : i32
    %scan3A_32 = arith.constant 1 : i32
    scf.for %scan3A_36 = %scan3A_29 to %scan3A_31 step %scan3A_32  : i32 {
      %rem3A = arith.constant 2 : i32
      %rem3A_37 = arith.remsi %scan3A_36, %rem3A : i32
      %eq3A = arith.constant 0 : i32
      %eq3A_38 = arith.cmpi eq, %rem3A_37, %eq3A : i32
      %convert_element_type3A = arith.extui %eq3A_38 : i1 to i32
      %cond3A = arith.constant 0 : i32
      %cond3A_39 = arith.cmpi ne, %convert_element_type3A, %cond3A : i32
      scf.if %cond3A_39 {
        %mul3A_40 = arith.constant 640 : i32
        %mul3A_41 = arith.muli %scan3A_36, %mul3A_40 : i32
        %mul3A_42 = arith.constant 32 : i32
        %mul3A_43 = arith.muli %scan3A_36, %mul3A_42 : i32
        %dma_wait3A = tpu.memref_slice %arg7[%mul3A_41] : memref<10240xi32, #tpu.memory_space<vmem>> -> memref<640xi32, #tpu.memory_space<vmem>>
        %dma_wait3A_44 = arith.constant 0 : i32
        %dma_wait3A_45 = arith.constant 0 : i32
        %dma_wait3A_46 = tpu.memref_slice %arg4[%dma_wait3A_44, %dma_wait3A_45] : memref<100000x64xf32, #tpu.memory_space<hbm>> -> memref<100000x64xf32, #tpu.memory_space<hbm>>
        tpu.wait_indirect_dma semaphore(%arg17 : memref<!tpu.dma_semaphore, #tpu.memory_space<semaphore_mem>>) src(%dma_wait3A_46 : memref<100000x64xf32, #tpu.memory_space<hbm>>) dst(%arg9 : memref<640x64xf32, #tpu.memory_space<vmem>>)
        %dma_wait3A_47 = tpu.memref_slice %arg8[%mul3A_43] : memref<512xi32, #tpu.memory_space<vmem>> -> memref<32xi32, #tpu.memory_space<vmem>>
        %dma_wait3A_48 = arith.constant 0 : i32
        %dma_wait3A_49 = arith.constant 0 : i32
        %dma_wait3A_50 = tpu.memref_slice %arg5[%dma_wait3A_48, %dma_wait3A_49] : memref<100000x64xf32, #tpu.memory_space<hbm>> -> memref<100000x64xf32, #tpu.memory_space<hbm>>
        tpu.wait_indirect_dma semaphore(%arg17 : memref<!tpu.dma_semaphore, #tpu.memory_space<semaphore_mem>>) src(%dma_wait3A_50 : memref<100000x64xf32, #tpu.memory_space<hbm>>) dst(%arg11 : memref<32x64xf32, #tpu.memory_space<vmem>>)
        %add3A_51 = arith.constant 1 : i32
        %add3A_52 = arith.addi %scan3A_36, %add3A_51 : i32
        %lt3A = arith.constant 16 : i32
        %lt3A_53 = arith.cmpi slt, %add3A_52, %lt3A : i32
        %convert_element_type3A_54 = arith.extui %lt3A_53 : i1 to i32
        %cond3A_55 = arith.constant 0 : i32
        %cond3A_56 = arith.cmpi ne, %convert_element_type3A_54, %cond3A_55 : i32
        scf.if %cond3A_56 {
          %add3A_1158 = arith.constant 1 : i32
          %add3A_1159 = arith.addi %scan3A_36, %add3A_1158 : i32
          %mul3A_1160 = arith.constant 640 : i32
          %mul3A_1161 = arith.muli %add3A_1159, %mul3A_1160 : i32
          %mul3A_1162 = arith.constant 32 : i32
          %mul3A_1163 = arith.muli %add3A_1159, %mul3A_1162 : i32
          %dma_start3A_1164 = tpu.memref_slice %arg7[%mul3A_1161] : memref<10240xi32, #tpu.memory_space<vmem>> -> memref<640xi32, #tpu.memory_space<vmem>>
          %dma_start3A_1165 = arith.constant 0 : i32
          %dma_start3A_1166 = arith.constant 0 : i32
          %dma_start3A_1167 = tpu.memref_slice %arg4[%dma_start3A_1165, %dma_start3A_1166] : memref<100000x64xf32, #tpu.memory_space<hbm>> -> memref<100000x64xf32, #tpu.memory_space<hbm>>
          tpu.enqueue_indirect_dma source(%dma_start3A_1167 : memref<100000x64xf32, #tpu.memory_space<hbm>>) target(%arg10 : memref<640x64xf32, #tpu.memory_space<vmem>>) offsets(%dma_start3A_1164 : memref<640xi32, #tpu.memory_space<vmem>>) semaphore(%arg18 : memref<!tpu.dma_semaphore, #tpu.memory_space<semaphore_mem>>)
          %dma_start3A_1168 = tpu.memref_slice %arg8[%mul3A_1163] : memref<512xi32, #tpu.memory_space<vmem>> -> memref<32xi32, #tpu.memory_space<vmem>>
          %dma_start3A_1169 = arith.constant 0 : i32
          %dma_start3A_1170 = arith.constant 0 : i32
          %dma_start3A_1171 = tpu.memref_slice %arg5[%dma_start3A_1169, %dma_start3A_1170] : memref<100000x64xf32, #tpu.memory_space<hbm>> -> memref<100000x64xf32, #tpu.memory_space<hbm>>
          tpu.enqueue_indirect_dma source(%dma_start3A_1171 : memref<100000x64xf32, #tpu.memory_space<hbm>>) target(%arg12 : memref<32x64xf32, #tpu.memory_space<vmem>>) offsets(%dma_start3A_1168 : memref<32xi32, #tpu.memory_space<vmem>>) semaphore(%arg18 : memref<!tpu.dma_semaphore, #tpu.memory_space<semaphore_mem>>)
        } else {
        }
        %scan3A_57 = arith.constant 0 : i32
        %scan3A_58 = arith.constant 0 : i32
        %scan3A_59 = arith.constant 32 : i32
        %scan3A_60 = arith.addi %scan3A_58, %scan3A_59 : i32
        %scan3A_61 = arith.constant 1 : i32
        scf.for %scan3A_1158 = %scan3A_58 to %scan3A_60 step %scan3A_61  : i32 {
          %mul3A_1159 = arith.constant 20 : i32
          %mul3A_1160 = arith.muli %scan3A_1158, %mul3A_1159 : i32
          %get3A_1161 = arith.index_cast %mul3A_1160 : i32 to index
          %get3A_1162 = arith.constant 0 : index
          %get3A_1163 = tpu.vector_load %arg9[%get3A_1161, %get3A_1162] {strides = array<i32>} : memref<640x64xf32, #tpu.memory_space<vmem>>, vector<16xf32>,
          %get3A_1164 = arith.index_cast %mul3A_1160 : i32 to index
          %get3A_1165 = arith.constant 16 : index
          %get3A_1166 = tpu.vector_load %arg9[%get3A_1164, %get3A_1165] {strides = array<i32>} : memref<640x64xf32, #tpu.memory_space<vmem>>, vector<16xf32>,
          %get3A_1167 = arith.index_cast %mul3A_1160 : i32 to index
          %get3A_1168 = arith.constant 32 : index
          %get3A_1169 = tpu.vector_load %arg9[%get3A_1167, %get3A_1168] {strides = array<i32>} : memref<640x64xf32, #tpu.memory_space<vmem>>, vector<16xf32>,
          %get3A_1170 = arith.index_cast %mul3A_1160 : i32 to index
          %get3A_1171 = arith.constant 48 : index
          %get3A_1172 = tpu.vector_load %arg9[%get3A_1170, %get3A_1171] {strides = array<i32>} : memref<640x64xf32, #tpu.memory_space<vmem>>, vector<16xf32>,
          %add3A_1173 = arith.constant 1 : i32
          %add3A_1174 = arith.addi %mul3A_1160, %add3A_1173 : i32
          %get3A_1175 = arith.index_cast %add3A_1174 : i32 to index
          %get3A_1176 = arith.constant 0 : index
          %get3A_1177 = tpu.vector_load %arg9[%get3A_1175, %get3A_1176] {strides = array<i32>} : memref<640x64xf32, #tpu.memory_space<vmem>>, vector<16xf32>,
          %add3A_1178 = arith.addf %get3A_1163, %get3A_1177 : vector<16xf32>
          %add3A_1179 = arith.constant 1 : i32
          %add3A_1180 = arith.addi %mul3A_1160, %add3A_1179 : i32
          %get3A_1181 = arith.index_cast %add3A_1180 : i32 to index
          %get3A_1182 = arith.constant 16 : index
          %get3A_1183 = tpu.vector_load %arg9[%get3A_1181, %get3A_1182] {strides = array<i32>} : memref<640x64xf32, #tpu.memory_space<vmem>>, vector<16xf32>,
          %add3A_1184 = arith.addf %get3A_1166, %get3A_1183 : vector<16xf32>
          %add3A_1185 = arith.constant 1 : i32
          %add3A_1186 = arith.addi %mul3A_1160, %add3A_1185 : i32
          %get3A_1187 = arith.index_cast %add3A_1186 : i32 to index
          %get3A_1188 = arith.constant 32 : index
          %get3A_1189 = tpu.vector_load %arg9[%get3A_1187, %get3A_1188] {strides = array<i32>} : memref<640x64xf32, #tpu.memory_space<vmem>>, vector<16xf32>,
          %add3A_1190 = arith.addf %get3A_1169, %get3A_1189 : vector<16xf32>
          %add3A_1191 = arith.constant 1 : i32
          %add3A_1192 = arith.addi %mul3A_1160, %add3A_1191 : i32
          %get3A_1193 = arith.index_cast %add3A_1192 : i32 to index
          %get3A_1194 = arith.constant 48 : index
          %get3A_1195 = tpu.vector_load %arg9[%get3A_1193, %get3A_1194] {strides = array<i32>} : memref<640x64xf32, #tpu.memory_space<vmem>>, vector<16xf32>,
          %add3A_1196 = arith.addf %get3A_1172, %get3A_1195 : vector<16xf32>
          %add3A_1197 = arith.constant 2 : i32
          %add3A_1198 = arith.addi %mul3A_1160, %add3A_1197 : i32
          %get3A_1199 = arith.index_cast %add3A_1198 : i32 to index
          %get3A_1200 = arith.constant 0 : index
          %get3A_1201 = tpu.vector_load %arg9[%get3A_1199, %get3A_1200] {strides = array<i32>} : memref<640x64xf32, #tpu.memory_space<vmem>>, vector<16xf32>,
          %add3A_1202 = arith.addf %add3A_1178, %get3A_1201 : vector<16xf32>
          %add3A_1203 = arith.constant 2 : i32
          %add3A_1204 = arith.addi %mul3A_1160, %add3A_1203 : i32
          %get3A_1205 = arith.index_cast %add3A_1204 : i32 to index
          %get3A_1206 = arith.constant 16 : index
          %get3A_1207 = tpu.vector_load %arg9[%get3A_1205, %get3A_1206] {strides = array<i32>} : memref<640x64xf32, #tpu.memory_space<vmem>>, vector<16xf32>,
          %add3A_1208 = arith.addf %add3A_1184, %get3A_1207 : vector<16xf32>
          %add3A_1209 = arith.constant 2 : i32
          %add3A_1210 = arith.addi %mul3A_1160, %add3A_1209 : i32
          %get3A_1211 = arith.index_cast %add3A_1210 : i32 to index
          %get3A_1212 = arith.constant 32 : index
          %get3A_1213 = tpu.vector_load %arg9[%get3A_1211, %get3A_1212] {strides = array<i32>} : memref<640x64xf32, #tpu.memory_space<vmem>>, vector<16xf32>,
          %add3A_1214 = arith.addf %add3A_1190, %get3A_1213 : vector<16xf32>
          %add3A_1215 = arith.constant 2 : i32
          %add3A_1216 = arith.addi %mul3A_1160, %add3A_1215 : i32
          %get3A_1217 = arith.index_cast %add3A_1216 : i32 to index
          %get3A_1218 = arith.constant 48 : index
          %get3A_1219 = tpu.vector_load %arg9[%get3A_1217, %get3A_1218] {strides = array<i32>} : memref<640x64xf32, #tpu.memory_space<vmem>>, vector<16xf32>,
          %add3A_1220 = arith.addf %add3A_1196, %get3A_1219 : vector<16xf32>
          %add3A_1221 = arith.constant 3 : i32
          %add3A_1222 = arith.addi %mul3A_1160, %add3A_1221 : i32
          %get3A_1223 = arith.index_cast %add3A_1222 : i32 to index
          %get3A_1224 = arith.constant 0 : index
          %get3A_1225 = tpu.vector_load %arg9[%get3A_1223, %get3A_1224] {strides = array<i32>} : memref<640x64xf32, #tpu.memory_space<vmem>>, vector<16xf32>,
          %add3A_1226 = arith.addf %add3A_1202, %get3A_1225 : vector<16xf32>
          %add3A_1227 = arith.constant 3 : i32
          %add3A_1228 = arith.addi %mul3A_1160, %add3A_1227 : i32
          %get3A_1229 = arith.index_cast %add3A_1228 : i32 to index
          %get3A_1230 = arith.constant 16 : index
          %get3A_1231 = tpu.vector_load %arg9[%get3A_1229, %get3A_1230] {strides = array<i32>} : memref<640x64xf32, #tpu.memory_space<vmem>>, vector<16xf32>,
          %add3A_1232 = arith.addf %add3A_1208, %get3A_1231 : vector<16xf32>
          %add3A_1233 = arith.constant 3 : i32
          %add3A_1234 = arith.addi %mul3A_1160, %add3A_1233 : i32
          %get3A_1235 = arith.index_cast %add3A_1234 : i32 to index
          %get3A_1236 = arith.constant 32 : index
          %get3A_1237 = tpu.vector_load %arg9[%get3A_1235, %get3A_1236] {strides = array<i32>} : memref<640x64xf32, #tpu.memory_space<vmem>>, vector<16xf32>,
          %add3A_1238 = arith.addf %add3A_1214, %get3A_1237 : vector<16xf32>
          %add3A_1239 = arith.constant 3 : i32
          %add3A_1240 = arith.addi %mul3A_1160, %add3A_1239 : i32
          %get3A_1241 = arith.index_cast %add3A_1240 : i32 to index
          %get3A_1242 = arith.constant 48 : index
          %get3A_1243 = tpu.vector_load %arg9[%get3A_1241, %get3A_1242] {strides = array<i32>} : memref<640x64xf32, #tpu.memory_space<vmem>>, vector<16xf32>,
          %add3A_1244 = arith.addf %add3A_1220, %get3A_1243 : vector<16xf32>
          %add3A_1245 = arith.constant 4 : i32
          %add3A_1246 = arith.addi %mul3A_1160, %add3A_1245 : i32
          %get3A_1247 = arith.index_cast %add3A_1246 : i32 to index
          %get3A_1248 = arith.constant 0 : index
          %get3A_1249 = tpu.vector_load %arg9[%get3A_1247, %get3A_1248] {strides = array<i32>} : memref<640x64xf32, #tpu.memory_space<vmem>>, vector<16xf32>,
          %add3A_1250 = arith.addf %add3A_1226, %get3A_1249 : vector<16xf32>
          %add3A_1251 = arith.constant 4 : i32
          %add3A_1252 = arith.addi %mul3A_1160, %add3A_1251 : i32
          %get3A_1253 = arith.index_cast %add3A_1252 : i32 to index
          %get3A_1254 = arith.constant 16 : index
          %get3A_1255 = tpu.vector_load %arg9[%get3A_1253, %get3A_1254] {strides = array<i32>} : memref<640x64xf32, #tpu.memory_space<vmem>>, vector<16xf32>,
          %add3A_1256 = arith.addf %add3A_1232, %get3A_1255 : vector<16xf32>
          %add3A_1257 = arith.constant 4 : i32
          %add3A_1258 = arith.addi %mul3A_1160, %add3A_1257 : i32
          %get3A_1259 = arith.index_cast %add3A_1258 : i32 to index
          %get3A_1260 = arith.constant 32 : index
          %get3A_1261 = tpu.vector_load %arg9[%get3A_1259, %get3A_1260] {strides = array<i32>} : memref<640x64xf32, #tpu.memory_space<vmem>>, vector<16xf32>,
          %add3A_1262 = arith.addf %add3A_1238, %get3A_1261 : vector<16xf32>
          %add3A_1263 = arith.constant 4 : i32
          %add3A_1264 = arith.addi %mul3A_1160, %add3A_1263 : i32
          %get3A_1265 = arith.index_cast %add3A_1264 : i32 to index
          %get3A_1266 = arith.constant 48 : index
          %get3A_1267 = tpu.vector_load %arg9[%get3A_1265, %get3A_1266] {strides = array<i32>} : memref<640x64xf32, #tpu.memory_space<vmem>>, vector<16xf32>,
          %add3A_1268 = arith.addf %add3A_1244, %get3A_1267 : vector<16xf32>
          %add3A_1269 = arith.constant 5 : i32
          %add3A_1270 = arith.addi %mul3A_1160, %add3A_1269 : i32
          %get3A_1271 = arith.index_cast %add3A_1270 : i32 to index
          %get3A_1272 = arith.constant 0 : index
          %get3A_1273 = tpu.vector_load %arg9[%get3A_1271, %get3A_1272] {strides = array<i32>} : memref<640x64xf32, #tpu.memory_space<vmem>>, vector<16xf32>,
          %add3A_1274 = arith.addf %add3A_1250, %get3A_1273 : vector<16xf32>
          %add3A_1275 = arith.constant 5 : i32
          %add3A_1276 = arith.addi %mul3A_1160, %add3A_1275 : i32
          %get3A_1277 = arith.index_cast %add3A_1276 : i32 to index
          %get3A_1278 = arith.constant 16 : index
          %get3A_1279 = tpu.vector_load %arg9[%get3A_1277, %get3A_1278] {strides = array<i32>} : memref<640x64xf32, #tpu.memory_space<vmem>>, vector<16xf32>,
          %add3A_1280 = arith.addf %add3A_1256, %get3A_1279 : vector<16xf32>
          %add3A_1281 = arith.constant 5 : i32
          %add3A_1282 = arith.addi %mul3A_1160, %add3A_1281 : i32
          %get3A_1283 = arith.index_cast %add3A_1282 : i32 to index
          %get3A_1284 = arith.constant 32 : index
          %get3A_1285 = tpu.vector_load %arg9[%get3A_1283, %get3A_1284] {strides = array<i32>} : memref<640x64xf32, #tpu.memory_space<vmem>>, vector<16xf32>,
          %add3A_1286 = arith.addf %add3A_1262, %get3A_1285 : vector<16xf32>
          %add3A_1287 = arith.constant 5 : i32
          %add3A_1288 = arith.addi %mul3A_1160, %add3A_1287 : i32
          %get3A_1289 = arith.index_cast %add3A_1288 : i32 to index
          %get3A_1290 = arith.constant 48 : index
          %get3A_1291 = tpu.vector_load %arg9[%get3A_1289, %get3A_1290] {strides = array<i32>} : memref<640x64xf32, #tpu.memory_space<vmem>>, vector<16xf32>,
          %add3A_1292 = arith.addf %add3A_1268, %get3A_1291 : vector<16xf32>
          %add3A_1293 = arith.constant 6 : i32
          %add3A_1294 = arith.addi %mul3A_1160, %add3A_1293 : i32
          %get3A_1295 = arith.index_cast %add3A_1294 : i32 to index
          %get3A_1296 = arith.constant 0 : index
          %get3A_1297 = tpu.vector_load %arg9[%get3A_1295, %get3A_1296] {strides = array<i32>} : memref<640x64xf32, #tpu.memory_space<vmem>>, vector<16xf32>,
          %add3A_1298 = arith.addf %add3A_1274, %get3A_1297 : vector<16xf32>
          %add3A_1299 = arith.constant 6 : i32
          %add3A_1300 = arith.addi %mul3A_1160, %add3A_1299 : i32
          %get3A_1301 = arith.index_cast %add3A_1300 : i32 to index
          %get3A_1302 = arith.constant 16 : index
          %get3A_1303 = tpu.vector_load %arg9[%get3A_1301, %get3A_1302] {strides = array<i32>} : memref<640x64xf32, #tpu.memory_space<vmem>>, vector<16xf32>,
          %add3A_1304 = arith.addf %add3A_1280, %get3A_1303 : vector<16xf32>
          %add3A_1305 = arith.constant 6 : i32
          %add3A_1306 = arith.addi %mul3A_1160, %add3A_1305 : i32
          %get3A_1307 = arith.index_cast %add3A_1306 : i32 to index
          %get3A_1308 = arith.constant 32 : index
          %get3A_1309 = tpu.vector_load %arg9[%get3A_1307, %get3A_1308] {strides = array<i32>} : memref<640x64xf32, #tpu.memory_space<vmem>>, vector<16xf32>,
          %add3A_1310 = arith.addf %add3A_1286, %get3A_1309 : vector<16xf32>
          %add3A_1311 = arith.constant 6 : i32
          %add3A_1312 = arith.addi %mul3A_1160, %add3A_1311 : i32
          %get3A_1313 = arith.index_cast %add3A_1312 : i32 to index
          %get3A_1314 = arith.constant 48 : index
          %get3A_1315 = tpu.vector_load %arg9[%get3A_1313, %get3A_1314] {strides = array<i32>} : memref<640x64xf32, #tpu.memory_space<vmem>>, vector<16xf32>,
          %add3A_1316 = arith.addf %add3A_1292, %get3A_1315 : vector<16xf32>
          %add3A_1317 = arith.constant 7 : i32
          %add3A_1318 = arith.addi %mul3A_1160, %add3A_1317 : i32
          %get3A_1319 = arith.index_cast %add3A_1318 : i32 to index
          %get3A_1320 = arith.constant 0 : index
          %get3A_1321 = tpu.vector_load %arg9[%get3A_1319, %get3A_1320] {strides = array<i32>} : memref<640x64xf32, #tpu.memory_space<vmem>>, vector<16xf32>,
          %add3A_1322 = arith.addf %add3A_1298, %get3A_1321 : vector<16xf32>
          %add3A_1323 = arith.constant 7 : i32
          %add3A_1324 = arith.addi %mul3A_1160, %add3A_1323 : i32
          %get3A_1325 = arith.index_cast %add3A_1324 : i32 to index
          %get3A_1326 = arith.constant 16 : index
          %get3A_1327 = tpu.vector_load %arg9[%get3A_1325, %get3A_1326] {strides = array<i32>} : memref<640x64xf32, #tpu.memory_space<vmem>>, vector<16xf32>,
          %add3A_1328 = arith.addf %add3A_1304, %get3A_1327 : vector<16xf32>
          %add3A_1329 = arith.constant 7 : i32
          %add3A_1330 = arith.addi %mul3A_1160, %add3A_1329 : i32
          %get3A_1331 = arith.index_cast %add3A_1330 : i32 to index
          %get3A_1332 = arith.constant 32 : index
          %get3A_1333 = tpu.vector_load %arg9[%get3A_1331, %get3A_1332] {strides = array<i32>} : memref<640x64xf32, #tpu.memory_space<vmem>>, vector<16xf32>,
          %add3A_1334 = arith.addf %add3A_1310, %get3A_1333 : vector<16xf32>
          %add3A_1335 = arith.constant 7 : i32
          %add3A_1336 = arith.addi %mul3A_1160, %add3A_1335 : i32
          %get3A_1337 = arith.index_cast %add3A_1336 : i32 to index
          %get3A_1338 = arith.constant 48 : index
          %get3A_1339 = tpu.vector_load %arg9[%get3A_1337, %get3A_1338] {strides = array<i32>} : memref<640x64xf32, #tpu.memory_space<vmem>>, vector<16xf32>,
          %add3A_1340 = arith.addf %add3A_1316, %get3A_1339 : vector<16xf32>
          %add3A_1341 = arith.constant 8 : i32
          %add3A_1342 = arith.addi %mul3A_1160, %add3A_1341 : i32
          %get3A_1343 = arith.index_cast %add3A_1342 : i32 to index
          %get3A_1344 = arith.constant 0 : index
          %get3A_1345 = tpu.vector_load %arg9[%get3A_1343, %get3A_1344] {strides = array<i32>} : memref<640x64xf32, #tpu.memory_space<vmem>>, vector<16xf32>,
          %add3A_1346 = arith.addf %add3A_1322, %get3A_1345 : vector<16xf32>
          %add3A_1347 = arith.constant 8 : i32
          %add3A_1348 = arith.addi %mul3A_1160, %add3A_1347 : i32
          %get3A_1349 = arith.index_cast %add3A_1348 : i32 to index
          %get3A_1350 = arith.constant 16 : index
          %get3A_1351 = tpu.vector_load %arg9[%get3A_1349, %get3A_1350] {strides = array<i32>} : memref<640x64xf32, #tpu.memory_space<vmem>>, vector<16xf32>,
          %add3A_1352 = arith.addf %add3A_1328, %get3A_1351 : vector<16xf32>
          %add3A_1353 = arith.constant 8 : i32
          %add3A_1354 = arith.addi %mul3A_1160, %add3A_1353 : i32
          %get3A_1355 = arith.index_cast %add3A_1354 : i32 to index
          %get3A_1356 = arith.constant 32 : index
          %get3A_1357 = tpu.vector_load %arg9[%get3A_1355, %get3A_1356] {strides = array<i32>} : memref<640x64xf32, #tpu.memory_space<vmem>>, vector<16xf32>,
          %add3A_1358 = arith.addf %add3A_1334, %get3A_1357 : vector<16xf32>
          %add3A_1359 = arith.constant 8 : i32
          %add3A_1360 = arith.addi %mul3A_1160, %add3A_1359 : i32
          %get3A_1361 = arith.index_cast %add3A_1360 : i32 to index
          %get3A_1362 = arith.constant 48 : index
          %get3A_1363 = tpu.vector_load %arg9[%get3A_1361, %get3A_1362] {strides = array<i32>} : memref<640x64xf32, #tpu.memory_space<vmem>>, vector<16xf32>,
          %add3A_1364 = arith.addf %add3A_1340, %get3A_1363 : vector<16xf32>
          %add3A_1365 = arith.constant 9 : i32
          %add3A_1366 = arith.addi %mul3A_1160, %add3A_1365 : i32
          %get3A_1367 = arith.index_cast %add3A_1366 : i32 to index
          %get3A_1368 = arith.constant 0 : index
          %get3A_1369 = tpu.vector_load %arg9[%get3A_1367, %get3A_1368] {strides = array<i32>} : memref<640x64xf32, #tpu.memory_space<vmem>>, vector<16xf32>,
          %add3A_1370 = arith.addf %add3A_1346, %get3A_1369 : vector<16xf32>
          %add3A_1371 = arith.constant 9 : i32
          %add3A_1372 = arith.addi %mul3A_1160, %add3A_1371 : i32
          %get3A_1373 = arith.index_cast %add3A_1372 : i32 to index
          %get3A_1374 = arith.constant 16 : index
          %get3A_1375 = tpu.vector_load %arg9[%get3A_1373, %get3A_1374] {strides = array<i32>} : memref<640x64xf32, #tpu.memory_space<vmem>>, vector<16xf32>,
          %add3A_1376 = arith.addf %add3A_1352, %get3A_1375 : vector<16xf32>
          %add3A_1377 = arith.constant 9 : i32
          %add3A_1378 = arith.addi %mul3A_1160, %add3A_1377 : i32
          %get3A_1379 = arith.index_cast %add3A_1378 : i32 to index
          %get3A_1380 = arith.constant 32 : index
          %get3A_1381 = tpu.vector_load %arg9[%get3A_1379, %get3A_1380] {strides = array<i32>} : memref<640x64xf32, #tpu.memory_space<vmem>>, vector<16xf32>,
          %add3A_1382 = arith.addf %add3A_1358, %get3A_1381 : vector<16xf32>
          %add3A_1383 = arith.constant 9 : i32
          %add3A_1384 = arith.addi %mul3A_1160, %add3A_1383 : i32
          %get3A_1385 = arith.index_cast %add3A_1384 : i32 to index
          %get3A_1386 = arith.constant 48 : index
          %get3A_1387 = tpu.vector_load %arg9[%get3A_1385, %get3A_1386] {strides = array<i32>} : memref<640x64xf32, #tpu.memory_space<vmem>>, vector<16xf32>,
          %add3A_1388 = arith.addf %add3A_1364, %get3A_1387 : vector<16xf32>
          %add3A_1389 = arith.constant 10 : i32
          %add3A_1390 = arith.addi %mul3A_1160, %add3A_1389 : i32
          %get3A_1391 = arith.index_cast %add3A_1390 : i32 to index
          %get3A_1392 = arith.constant 0 : index
          %get3A_1393 = tpu.vector_load %arg9[%get3A_1391, %get3A_1392] {strides = array<i32>} : memref<640x64xf32, #tpu.memory_space<vmem>>, vector<16xf32>,
          %add3A_1394 = arith.addf %add3A_1370, %get3A_1393 : vector<16xf32>
          %add3A_1395 = arith.constant 10 : i32
          %add3A_1396 = arith.addi %mul3A_1160, %add3A_1395 : i32
          %get3A_1397 = arith.index_cast %add3A_1396 : i32 to index
          %get3A_1398 = arith.constant 16 : index
          %get3A_1399 = tpu.vector_load %arg9[%get3A_1397, %get3A_1398] {strides = array<i32>} : memref<640x64xf32, #tpu.memory_space<vmem>>, vector<16xf32>,
          %add3A_1400 = arith.addf %add3A_1376, %get3A_1399 : vector<16xf32>
          %add3A_1401 = arith.constant 10 : i32
          %add3A_1402 = arith.addi %mul3A_1160, %add3A_1401 : i32
          %get3A_1403 = arith.index_cast %add3A_1402 : i32 to index
          %get3A_1404 = arith.constant 32 : index
          %get3A_1405 = tpu.vector_load %arg9[%get3A_1403, %get3A_1404] {strides = array<i32>} : memref<640x64xf32, #tpu.memory_space<vmem>>, vector<16xf32>,
          %add3A_1406 = arith.addf %add3A_1382, %get3A_1405 : vector<16xf32>
          %add3A_1407 = arith.constant 10 : i32
          %add3A_1408 = arith.addi %mul3A_1160, %add3A_1407 : i32
          %get3A_1409 = arith.index_cast %add3A_1408 : i32 to index
          %get3A_1410 = arith.constant 48 : index
          %get3A_1411 = tpu.vector_load %arg9[%get3A_1409, %get3A_1410] {strides = array<i32>} : memref<640x64xf32, #tpu.memory_space<vmem>>, vector<16xf32>,
          %add3A_1412 = arith.addf %add3A_1388, %get3A_1411 : vector<16xf32>
          %add3A_1413 = arith.constant 11 : i32
          %add3A_1414 = arith.addi %mul3A_1160, %add3A_1413 : i32
          %get3A_1415 = arith.index_cast %add3A_1414 : i32 to index
          %get3A_1416 = arith.constant 0 : index
          %get3A_1417 = tpu.vector_load %arg9[%get3A_1415, %get3A_1416] {strides = array<i32>} : memref<640x64xf32, #tpu.memory_space<vmem>>, vector<16xf32>,
          %add3A_1418 = arith.addf %add3A_1394, %get3A_1417 : vector<16xf32>
          %add3A_1419 = arith.constant 11 : i32
          %add3A_1420 = arith.addi %mul3A_1160, %add3A_1419 : i32
          %get3A_1421 = arith.index_cast %add3A_1420 : i32 to index
          %get3A_1422 = arith.constant 16 : index
          %get3A_1423 = tpu.vector_load %arg9[%get3A_1421, %get3A_1422] {strides = array<i32>} : memref<640x64xf32, #tpu.memory_space<vmem>>, vector<16xf32>,
          %add3A_1424 = arith.addf %add3A_1400, %get3A_1423 : vector<16xf32>
          %add3A_1425 = arith.constant 11 : i32
          %add3A_1426 = arith.addi %mul3A_1160, %add3A_1425 : i32
          %get3A_1427 = arith.index_cast %add3A_1426 : i32 to index
          %get3A_1428 = arith.constant 32 : index
          %get3A_1429 = tpu.vector_load %arg9[%get3A_1427, %get3A_1428] {strides = array<i32>} : memref<640x64xf32, #tpu.memory_space<vmem>>, vector<16xf32>,
          %add3A_1430 = arith.addf %add3A_1406, %get3A_1429 : vector<16xf32>
          %add3A_1431 = arith.constant 11 : i32
          %add3A_1432 = arith.addi %mul3A_1160, %add3A_1431 : i32
          %get3A_1433 = arith.index_cast %add3A_1432 : i32 to index
          %get3A_1434 = arith.constant 48 : index
          %get3A_1435 = tpu.vector_load %arg9[%get3A_1433, %get3A_1434] {strides = array<i32>} : memref<640x64xf32, #tpu.memory_space<vmem>>, vector<16xf32>,
          %add3A_1436 = arith.addf %add3A_1412, %get3A_1435 : vector<16xf32>
          %add3A_1437 = arith.constant 12 : i32
          %add3A_1438 = arith.addi %mul3A_1160, %add3A_1437 : i32
          %get3A_1439 = arith.index_cast %add3A_1438 : i32 to index
          %get3A_1440 = arith.constant 0 : index
          %get3A_1441 = tpu.vector_load %arg9[%get3A_1439, %get3A_1440] {strides = array<i32>} : memref<640x64xf32, #tpu.memory_space<vmem>>, vector<16xf32>,
          %add3A_1442 = arith.addf %add3A_1418, %get3A_1441 : vector<16xf32>
          %add3A_1443 = arith.constant 12 : i32
          %add3A_1444 = arith.addi %mul3A_1160, %add3A_1443 : i32
          %get3A_1445 = arith.index_cast %add3A_1444 : i32 to index
          %get3A_1446 = arith.constant 16 : index
          %get3A_1447 = tpu.vector_load %arg9[%get3A_1445, %get3A_1446] {strides = array<i32>} : memref<640x64xf32, #tpu.memory_space<vmem>>, vector<16xf32>,
          %add3A_1448 = arith.addf %add3A_1424, %get3A_1447 : vector<16xf32>
          %add3A_1449 = arith.constant 12 : i32
          %add3A_1450 = arith.addi %mul3A_1160, %add3A_1449 : i32
          %get3A_1451 = arith.index_cast %add3A_1450 : i32 to index
          %get3A_1452 = arith.constant 32 : index
          %get3A_1453 = tpu.vector_load %arg9[%get3A_1451, %get3A_1452] {strides = array<i32>} : memref<640x64xf32, #tpu.memory_space<vmem>>, vector<16xf32>,
          %add3A_1454 = arith.addf %add3A_1430, %get3A_1453 : vector<16xf32>
          %add3A_1455 = arith.constant 12 : i32
          %add3A_1456 = arith.addi %mul3A_1160, %add3A_1455 : i32
          %get3A_1457 = arith.index_cast %add3A_1456 : i32 to index
          %get3A_1458 = arith.constant 48 : index
          %get3A_1459 = tpu.vector_load %arg9[%get3A_1457, %get3A_1458] {strides = array<i32>} : memref<640x64xf32, #tpu.memory_space<vmem>>, vector<16xf32>,
          %add3A_1460 = arith.addf %add3A_1436, %get3A_1459 : vector<16xf32>
          %add3A_1461 = arith.constant 13 : i32
          %add3A_1462 = arith.addi %mul3A_1160, %add3A_1461 : i32
          %get3A_1463 = arith.index_cast %add3A_1462 : i32 to index
          %get3A_1464 = arith.constant 0 : index
          %get3A_1465 = tpu.vector_load %arg9[%get3A_1463, %get3A_1464] {strides = array<i32>} : memref<640x64xf32, #tpu.memory_space<vmem>>, vector<16xf32>,
          %add3A_1466 = arith.addf %add3A_1442, %get3A_1465 : vector<16xf32>
          %add3A_1467 = arith.constant 13 : i32
          %add3A_1468 = arith.addi %mul3A_1160, %add3A_1467 : i32
          %get3A_1469 = arith.index_cast %add3A_1468 : i32 to index
          %get3A_1470 = arith.constant 16 : index
          %get3A_1471 = tpu.vector_load %arg9[%get3A_1469, %get3A_1470] {strides = array<i32>} : memref<640x64xf32, #tpu.memory_space<vmem>>, vector<16xf32>,
          %add3A_1472 = arith.addf %add3A_1448, %get3A_1471 : vector<16xf32>
          %add3A_1473 = arith.constant 13 : i32
          %add3A_1474 = arith.addi %mul3A_1160, %add3A_1473 : i32
          %get3A_1475 = arith.index_cast %add3A_1474 : i32 to index
          %get3A_1476 = arith.constant 32 : index
          %get3A_1477 = tpu.vector_load %arg9[%get3A_1475, %get3A_1476] {strides = array<i32>} : memref<640x64xf32, #tpu.memory_space<vmem>>, vector<16xf32>,
          %add3A_1478 = arith.addf %add3A_1454, %get3A_1477 : vector<16xf32>
          %add3A_1479 = arith.constant 13 : i32
          %add3A_1480 = arith.addi %mul3A_1160, %add3A_1479 : i32
          %get3A_1481 = arith.index_cast %add3A_1480 : i32 to index
          %get3A_1482 = arith.constant 48 : index
          %get3A_1483 = tpu.vector_load %arg9[%get3A_1481, %get3A_1482] {strides = array<i32>} : memref<640x64xf32, #tpu.memory_space<vmem>>, vector<16xf32>,
          %add3A_1484 = arith.addf %add3A_1460, %get3A_1483 : vector<16xf32>
          %add3A_1485 = arith.constant 14 : i32
          %add3A_1486 = arith.addi %mul3A_1160, %add3A_1485 : i32
          %get3A_1487 = arith.index_cast %add3A_1486 : i32 to index
          %get3A_1488 = arith.constant 0 : index
          %get3A_1489 = tpu.vector_load %arg9[%get3A_1487, %get3A_1488] {strides = array<i32>} : memref<640x64xf32, #tpu.memory_space<vmem>>, vector<16xf32>,
          %add3A_1490 = arith.addf %add3A_1466, %get3A_1489 : vector<16xf32>
          %add3A_1491 = arith.constant 14 : i32
          %add3A_1492 = arith.addi %mul3A_1160, %add3A_1491 : i32
          %get3A_1493 = arith.index_cast %add3A_1492 : i32 to index
          %get3A_1494 = arith.constant 16 : index
          %get3A_1495 = tpu.vector_load %arg9[%get3A_1493, %get3A_1494] {strides = array<i32>} : memref<640x64xf32, #tpu.memory_space<vmem>>, vector<16xf32>,
          %add3A_1496 = arith.addf %add3A_1472, %get3A_1495 : vector<16xf32>
          %add3A_1497 = arith.constant 14 : i32
          %add3A_1498 = arith.addi %mul3A_1160, %add3A_1497 : i32
          %get3A_1499 = arith.index_cast %add3A_1498 : i32 to index
          %get3A_1500 = arith.constant 32 : index
          %get3A_1501 = tpu.vector_load %arg9[%get3A_1499, %get3A_1500] {strides = array<i32>} : memref<640x64xf32, #tpu.memory_space<vmem>>, vector<16xf32>,
          %add3A_1502 = arith.addf %add3A_1478, %get3A_1501 : vector<16xf32>
          %add3A_1503 = arith.constant 14 : i32
          %add3A_1504 = arith.addi %mul3A_1160, %add3A_1503 : i32
          %get3A_1505 = arith.index_cast %add3A_1504 : i32 to index
          %get3A_1506 = arith.constant 48 : index
          %get3A_1507 = tpu.vector_load %arg9[%get3A_1505, %get3A_1506] {strides = array<i32>} : memref<640x64xf32, #tpu.memory_space<vmem>>, vector<16xf32>,
          %add3A_1508 = arith.addf %add3A_1484, %get3A_1507 : vector<16xf32>
          %add3A_1509 = arith.constant 15 : i32
          %add3A_1510 = arith.addi %mul3A_1160, %add3A_1509 : i32
          %get3A_1511 = arith.index_cast %add3A_1510 : i32 to index
          %get3A_1512 = arith.constant 0 : index
          %get3A_1513 = tpu.vector_load %arg9[%get3A_1511, %get3A_1512] {strides = array<i32>} : memref<640x64xf32, #tpu.memory_space<vmem>>, vector<16xf32>,
          %add3A_1514 = arith.addf %add3A_1490, %get3A_1513 : vector<16xf32>
          %add3A_1515 = arith.constant 15 : i32
          %add3A_1516 = arith.addi %mul3A_1160, %add3A_1515 : i32
          %get3A_1517 = arith.index_cast %add3A_1516 : i32 to index
          %get3A_1518 = arith.constant 16 : index
          %get3A_1519 = tpu.vector_load %arg9[%get3A_1517, %get3A_1518] {strides = array<i32>} : memref<640x64xf32, #tpu.memory_space<vmem>>, vector<16xf32>,
          %add3A_1520 = arith.addf %add3A_1496, %get3A_1519 : vector<16xf32>
          %add3A_1521 = arith.constant 15 : i32
          %add3A_1522 = arith.addi %mul3A_1160, %add3A_1521 : i32
          %get3A_1523 = arith.index_cast %add3A_1522 : i32 to index
          %get3A_1524 = arith.constant 32 : index
          %get3A_1525 = tpu.vector_load %arg9[%get3A_1523, %get3A_1524] {strides = array<i32>} : memref<640x64xf32, #tpu.memory_space<vmem>>, vector<16xf32>,
          %add3A_1526 = arith.addf %add3A_1502, %get3A_1525 : vector<16xf32>
          %add3A_1527 = arith.constant 15 : i32
          %add3A_1528 = arith.addi %mul3A_1160, %add3A_1527 : i32
          %get3A_1529 = arith.index_cast %add3A_1528 : i32 to index
          %get3A_1530 = arith.constant 48 : index
          %get3A_1531 = tpu.vector_load %arg9[%get3A_1529, %get3A_1530] {strides = array<i32>} : memref<640x64xf32, #tpu.memory_space<vmem>>, vector<16xf32>,
          %add3A_1532 = arith.addf %add3A_1508, %get3A_1531 : vector<16xf32>
          %add3A_1533 = arith.constant 16 : i32
          %add3A_1534 = arith.addi %mul3A_1160, %add3A_1533 : i32
          %get3A_1535 = arith.index_cast %add3A_1534 : i32 to index
          %get3A_1536 = arith.constant 0 : index
          %get3A_1537 = tpu.vector_load %arg9[%get3A_1535, %get3A_1536] {strides = array<i32>} : memref<640x64xf32, #tpu.memory_space<vmem>>, vector<16xf32>,
          %add3A_1538 = arith.addf %add3A_1514, %get3A_1537 : vector<16xf32>
          %add3A_1539 = arith.constant 16 : i32
          %add3A_1540 = arith.addi %mul3A_1160, %add3A_1539 : i32
          %get3A_1541 = arith.index_cast %add3A_1540 : i32 to index
          %get3A_1542 = arith.constant 16 : index
          %get3A_1543 = tpu.vector_load %arg9[%get3A_1541, %get3A_1542] {strides = array<i32>} : memref<640x64xf32, #tpu.memory_space<vmem>>, vector<16xf32>,
          %add3A_1544 = arith.addf %add3A_1520, %get3A_1543 : vector<16xf32>
          %add3A_1545 = arith.constant 16 : i32
          %add3A_1546 = arith.addi %mul3A_1160, %add3A_1545 : i32
          %get3A_1547 = arith.index_cast %add3A_1546 : i32 to index
          %get3A_1548 = arith.constant 32 : index
          %get3A_1549 = tpu.vector_load %arg9[%get3A_1547, %get3A_1548] {strides = array<i32>} : memref<640x64xf32, #tpu.memory_space<vmem>>, vector<16xf32>,
          %add3A_1550 = arith.addf %add3A_1526, %get3A_1549 : vector<16xf32>
          %add3A_1551 = arith.constant 16 : i32
          %add3A_1552 = arith.addi %mul3A_1160, %add3A_1551 : i32
          %get3A_1553 = arith.index_cast %add3A_1552 : i32 to index
          %get3A_1554 = arith.constant 48 : index
          %get3A_1555 = tpu.vector_load %arg9[%get3A_1553, %get3A_1554] {strides = array<i32>} : memref<640x64xf32, #tpu.memory_space<vmem>>, vector<16xf32>,
          %add3A_1556 = arith.addf %add3A_1532, %get3A_1555 : vector<16xf32>
          %add3A_1557 = arith.constant 17 : i32
          %add3A_1558 = arith.addi %mul3A_1160, %add3A_1557 : i32
          %get3A_1559 = arith.index_cast %add3A_1558 : i32 to index
          %get3A_1560 = arith.constant 0 : index
          %get3A_1561 = tpu.vector_load %arg9[%get3A_1559, %get3A_1560] {strides = array<i32>} : memref<640x64xf32, #tpu.memory_space<vmem>>, vector<16xf32>,
          %add3A_1562 = arith.addf %add3A_1538, %get3A_1561 : vector<16xf32>
          %add3A_1563 = arith.constant 17 : i32
          %add3A_1564 = arith.addi %mul3A_1160, %add3A_1563 : i32
          %get3A_1565 = arith.index_cast %add3A_1564 : i32 to index
          %get3A_1566 = arith.constant 16 : index
          %get3A_1567 = tpu.vector_load %arg9[%get3A_1565, %get3A_1566] {strides = array<i32>} : memref<640x64xf32, #tpu.memory_space<vmem>>, vector<16xf32>,
          %add3A_1568 = arith.addf %add3A_1544, %get3A_1567 : vector<16xf32>
          %add3A_1569 = arith.constant 17 : i32
          %add3A_1570 = arith.addi %mul3A_1160, %add3A_1569 : i32
          %get3A_1571 = arith.index_cast %add3A_1570 : i32 to index
          %get3A_1572 = arith.constant 32 : index
          %get3A_1573 = tpu.vector_load %arg9[%get3A_1571, %get3A_1572] {strides = array<i32>} : memref<640x64xf32, #tpu.memory_space<vmem>>, vector<16xf32>,
          %add3A_1574 = arith.addf %add3A_1550, %get3A_1573 : vector<16xf32>
          %add3A_1575 = arith.constant 17 : i32
          %add3A_1576 = arith.addi %mul3A_1160, %add3A_1575 : i32
          %get3A_1577 = arith.index_cast %add3A_1576 : i32 to index
          %get3A_1578 = arith.constant 48 : index
          %get3A_1579 = tpu.vector_load %arg9[%get3A_1577, %get3A_1578] {strides = array<i32>} : memref<640x64xf32, #tpu.memory_space<vmem>>, vector<16xf32>,
          %add3A_1580 = arith.addf %add3A_1556, %get3A_1579 : vector<16xf32>
          %add3A_1581 = arith.constant 18 : i32
          %add3A_1582 = arith.addi %mul3A_1160, %add3A_1581 : i32
          %get3A_1583 = arith.index_cast %add3A_1582 : i32 to index
          %get3A_1584 = arith.constant 0 : index
          %get3A_1585 = tpu.vector_load %arg9[%get3A_1583, %get3A_1584] {strides = array<i32>} : memref<640x64xf32, #tpu.memory_space<vmem>>, vector<16xf32>,
          %add3A_1586 = arith.addf %add3A_1562, %get3A_1585 : vector<16xf32>
          %add3A_1587 = arith.constant 18 : i32
          %add3A_1588 = arith.addi %mul3A_1160, %add3A_1587 : i32
          %get3A_1589 = arith.index_cast %add3A_1588 : i32 to index
          %get3A_1590 = arith.constant 16 : index
          %get3A_1591 = tpu.vector_load %arg9[%get3A_1589, %get3A_1590] {strides = array<i32>} : memref<640x64xf32, #tpu.memory_space<vmem>>, vector<16xf32>,
          %add3A_1592 = arith.addf %add3A_1568, %get3A_1591 : vector<16xf32>
          %add3A_1593 = arith.constant 18 : i32
          %add3A_1594 = arith.addi %mul3A_1160, %add3A_1593 : i32
          %get3A_1595 = arith.index_cast %add3A_1594 : i32 to index
          %get3A_1596 = arith.constant 32 : index
          %get3A_1597 = tpu.vector_load %arg9[%get3A_1595, %get3A_1596] {strides = array<i32>} : memref<640x64xf32, #tpu.memory_space<vmem>>, vector<16xf32>,
          %add3A_1598 = arith.addf %add3A_1574, %get3A_1597 : vector<16xf32>
          %add3A_1599 = arith.constant 18 : i32
          %add3A_1600 = arith.addi %mul3A_1160, %add3A_1599 : i32
          %get3A_1601 = arith.index_cast %add3A_1600 : i32 to index
          %get3A_1602 = arith.constant 48 : index
          %get3A_1603 = tpu.vector_load %arg9[%get3A_1601, %get3A_1602] {strides = array<i32>} : memref<640x64xf32, #tpu.memory_space<vmem>>, vector<16xf32>,
          %add3A_1604 = arith.addf %add3A_1580, %get3A_1603 : vector<16xf32>
          %add3A_1605 = arith.constant 19 : i32
          %add3A_1606 = arith.addi %mul3A_1160, %add3A_1605 : i32
          %get3A_1607 = arith.index_cast %add3A_1606 : i32 to index
          %get3A_1608 = arith.constant 0 : index
          %get3A_1609 = tpu.vector_load %arg9[%get3A_1607, %get3A_1608] {strides = array<i32>} : memref<640x64xf32, #tpu.memory_space<vmem>>, vector<16xf32>,
          %add3A_1610 = arith.addf %add3A_1586, %get3A_1609 : vector<16xf32>
          %add3A_1611 = arith.constant 19 : i32
          %add3A_1612 = arith.addi %mul3A_1160, %add3A_1611 : i32
          %get3A_1613 = arith.index_cast %add3A_1612 : i32 to index
          %get3A_1614 = arith.constant 16 : index
          %get3A_1615 = tpu.vector_load %arg9[%get3A_1613, %get3A_1614] {strides = array<i32>} : memref<640x64xf32, #tpu.memory_space<vmem>>, vector<16xf32>,
          %add3A_1616 = arith.addf %add3A_1592, %get3A_1615 : vector<16xf32>
          %add3A_1617 = arith.constant 19 : i32
          %add3A_1618 = arith.addi %mul3A_1160, %add3A_1617 : i32
          %get3A_1619 = arith.index_cast %add3A_1618 : i32 to index
          %get3A_1620 = arith.constant 32 : index
          %get3A_1621 = tpu.vector_load %arg9[%get3A_1619, %get3A_1620] {strides = array<i32>} : memref<640x64xf32, #tpu.memory_space<vmem>>, vector<16xf32>,
          %add3A_1622 = arith.addf %add3A_1598, %get3A_1621 : vector<16xf32>
          %add3A_1623 = arith.constant 19 : i32
          %add3A_1624 = arith.addi %mul3A_1160, %add3A_1623 : i32
          %get3A_1625 = arith.index_cast %add3A_1624 : i32 to index
          %get3A_1626 = arith.constant 48 : index
          %get3A_1627 = tpu.vector_load %arg9[%get3A_1625, %get3A_1626] {strides = array<i32>} : memref<640x64xf32, #tpu.memory_space<vmem>>, vector<16xf32>,
          %add3A_1628 = arith.addf %add3A_1604, %get3A_1627 : vector<16xf32>
          %get3A_1629 = arith.index_cast %scan3A_1158 : i32 to index
          %get3A_1630 = arith.constant 0 : index
          %get3A_1631 = tpu.vector_load %arg11[%get3A_1629, %get3A_1630] {strides = array<i32>} : memref<32x64xf32, #tpu.memory_space<vmem>>, vector<16xf32>,
          %get3A_1632 = arith.index_cast %scan3A_1158 : i32 to index
          %get3A_1633 = arith.constant 16 : index
          %get3A_1634 = tpu.vector_load %arg11[%get3A_1632, %get3A_1633] {strides = array<i32>} : memref<32x64xf32, #tpu.memory_space<vmem>>, vector<16xf32>,
          %get3A_1635 = arith.index_cast %scan3A_1158 : i32 to index
          %get3A_1636 = arith.constant 32 : index
          %get3A_1637 = tpu.vector_load %arg11[%get3A_1635, %get3A_1636] {strides = array<i32>} : memref<32x64xf32, #tpu.memory_space<vmem>>, vector<16xf32>,
          %get3A_1638 = arith.index_cast %scan3A_1158 : i32 to index
          %get3A_1639 = arith.constant 48 : index
          %get3A_1640 = tpu.vector_load %arg11[%get3A_1638, %get3A_1639] {strides = array<i32>} : memref<32x64xf32, #tpu.memory_space<vmem>>, vector<16xf32>,
          %mul3A_1641 = arith.mulf %add3A_1610, %get3A_1631 : vector<16xf32>
          %mul3A_1642 = arith.mulf %add3A_1616, %get3A_1634 : vector<16xf32>
          %add3A_1643 = arith.addf %mul3A_1641, %mul3A_1642 : vector<16xf32>
          %mul3A_1644 = arith.mulf %add3A_1622, %get3A_1637 : vector<16xf32>
          %mul3A_1645 = arith.mulf %add3A_1628, %get3A_1640 : vector<16xf32>
          %add3A_1646 = arith.addf %mul3A_1644, %mul3A_1645 : vector<16xf32>
          %add3A_1647 = arith.addf %add3A_1643, %add3A_1646 : vector<16xf32>
          %mul3A_1648 = arith.mulf %get3A_7, %get3A_1631 : vector<16xf32>
          %mul3A_1649 = arith.mulf %get3A_11, %get3A_1634 : vector<16xf32>
          %add3A_1650 = arith.addf %mul3A_1648, %mul3A_1649 : vector<16xf32>
          %mul3A_1651 = arith.mulf %get3A_15, %get3A_1637 : vector<16xf32>
          %mul3A_1652 = arith.mulf %get3A_19, %get3A_1640 : vector<16xf32>
          %add3A_1653 = arith.addf %mul3A_1651, %mul3A_1652 : vector<16xf32>
          %add3A_1654 = arith.addf %add3A_1650, %add3A_1653 : vector<16xf32>
          %mul3A_1655 = arith.constant 16 : i32
          %mul3A_1656 = arith.muli %scan3A_1158, %mul3A_1655 : i32
          %swap3A_1657 = arith.index_cast %mul3A_1656 : i32 to index
          %swap3A_1658 = tpu.vector_load %arg14[%swap3A_1657] {strides = array<i32>} : memref<512xf32, #tpu.memory_space<vmem>>, vector<16xf32>,
          tpu.vector_store %arg14[%swap3A_1657], %add3A_1647 {strides = array<i32>} : memref<512xf32, #tpu.memory_space<vmem>>, vector<16xf32>,
          %mul3A_1659 = arith.constant 16 : i32
          %mul3A_1660 = arith.muli %scan3A_1158, %mul3A_1659 : i32
          %swap3A_1661 = arith.index_cast %mul3A_1660 : i32 to index
          %swap3A_1662 = tpu.vector_load %arg15[%swap3A_1661] {strides = array<i32>} : memref<512xf32, #tpu.memory_space<vmem>>, vector<16xf32>,
          tpu.vector_store %arg15[%swap3A_1661], %add3A_1654 {strides = array<i32>} : memref<512xf32, #tpu.memory_space<vmem>>, vector<16xf32>,
        }
        %scan3A_62 = arith.constant 32 : i32
        %broadcast_in_dim3A = arith.constant 0 : i32
        %broadcast_in_dim3A_63 = vector.broadcast %broadcast_in_dim3A : i32 to vector<16xi32>
        %mul3A_64 = arith.constant 32 : i32
        %mul3A_65 = arith.muli %scan3A_36, %mul3A_64 : i32
        %add3A_66 = arith.constant 0 : i32
        %add3A_67 = arith.addi %mul3A_65, %add3A_66 : i32
        %mul3A_68 = arith.constant 20 : i32
        %mul3A_69 = arith.muli %add3A_67, %mul3A_68 : i32
        %mul3A_70 = arith.constant 20 : i32
        %mul3A_71 = vector.broadcast %mul3A_70 : i32 to vector<16xi32>
        %mul3A_72 = arith.muli %iota3A, %mul3A_71 : vector<16xi32>
        %add3A_73 = vector.broadcast %mul3A_69 : i32 to vector<16xi32>
        %add3A_74 = arith.addi %add3A_73, %mul3A_72 : vector<16xi32>
        %add3A_75 = arith.constant 0 : i32
        %add3A_76 = vector.broadcast %add3A_75 : i32 to vector<16xi32>
        %add3A_77 = arith.addi %add3A_74, %add3A_76 : vector<16xi32>
        %gather3A = tpu.vector_load_idx %arg7[%add3A_77] : memref<10240xi32, #tpu.memory_space<vmem>>[vector<16xi32>], vector<16xi32>,
        %eq3A_78 = arith.constant 0 : i32
        %eq3A_79 = vector.broadcast %eq3A_78 : i32 to vector<16xi32>
        %eq3A_80 = arith.cmpi eq, %gather3A, %eq3A_79 : vector<16xi32>
        %jit3A = arith.constant 1 : i32
        %jit3A_81 = arith.constant 0 : i32
        %broadcast_in_dim3A_82 = vector.broadcast %jit3A : i32 to vector<16xi32>
        %broadcast_in_dim3A_83 = vector.broadcast %jit3A_81 : i32 to vector<16xi32>
        %select_n3A = arith.select %eq3A_80, %broadcast_in_dim3A_82, %broadcast_in_dim3A_83 : vector<16xi1>, vector<16xi32>
        %add3A_84 = arith.addi %broadcast_in_dim3A_63, %select_n3A : vector<16xi32>
        %mul3A_85 = arith.constant 20 : i32
        %mul3A_86 = vector.broadcast %mul3A_85 : i32 to vector<16xi32>
        %mul3A_87 = arith.muli %iota3A, %mul3A_86 : vector<16xi32>
        %add3A_88 = vector.broadcast %mul3A_69 : i32 to vector<16xi32>
        %add3A_89 = arith.addi %add3A_88, %mul3A_87 : vector<16xi32>
        %add3A_90 = arith.constant 1 : i32
        %add3A_91 = vector.broadcast %add3A_90 : i32 to vector<16xi32>
        %add3A_92 = arith.addi %add3A_89, %add3A_91 : vector<16xi32>
        %gather3A_93 = tpu.vector_load_idx %arg7[%add3A_92] : memref<10240xi32, #tpu.memory_space<vmem>>[vector<16xi32>], vector<16xi32>,
        %eq3A_94 = arith.constant 0 : i32
        %eq3A_95 = vector.broadcast %eq3A_94 : i32 to vector<16xi32>
        %eq3A_96 = arith.cmpi eq, %gather3A_93, %eq3A_95 : vector<16xi32>
        %jit3A_97 = arith.constant 1 : i32
        %jit3A_98 = arith.constant 0 : i32
        %broadcast_in_dim3A_99 = vector.broadcast %jit3A_97 : i32 to vector<16xi32>
        %broadcast_in_dim3A_100 = vector.broadcast %jit3A_98 : i32 to vector<16xi32>
        %select_n3A_101 = arith.select %eq3A_96, %broadcast_in_dim3A_99, %broadcast_in_dim3A_100 : vector<16xi1>, vector<16xi32>
        %add3A_102 = arith.addi %add3A_84, %select_n3A_101 : vector<16xi32>
        %mul3A_103 = arith.constant 20 : i32
        %mul3A_104 = vector.broadcast %mul3A_103 : i32 to vector<16xi32>
        %mul3A_105 = arith.muli %iota3A, %mul3A_104 : vector<16xi32>
        %add3A_106 = vector.broadcast %mul3A_69 : i32 to vector<16xi32>
        %add3A_107 = arith.addi %add3A_106, %mul3A_105 : vector<16xi32>
        %add3A_108 = arith.constant 2 : i32
        %add3A_109 = vector.broadcast %add3A_108 : i32 to vector<16xi32>
        %add3A_110 = arith.addi %add3A_107, %add3A_109 : vector<16xi32>
        %gather3A_111 = tpu.vector_load_idx %arg7[%add3A_110] : memref<10240xi32, #tpu.memory_space<vmem>>[vector<16xi32>], vector<16xi32>,
        %eq3A_112 = arith.constant 0 : i32
        %eq3A_113 = vector.broadcast %eq3A_112 : i32 to vector<16xi32>
        %eq3A_114 = arith.cmpi eq, %gather3A_111, %eq3A_113 : vector<16xi32>
        %jit3A_115 = arith.constant 1 : i32
        %jit3A_116 = arith.constant 0 : i32
        %broadcast_in_dim3A_117 = vector.broadcast %jit3A_115 : i32 to vector<16xi32>
        %broadcast_in_dim3A_118 = vector.broadcast %jit3A_116 : i32 to vector<16xi32>
        %select_n3A_119 = arith.select %eq3A_114, %broadcast_in_dim3A_117, %broadcast_in_dim3A_118 : vector<16xi1>, vector<16xi32>
        %add3A_120 = arith.addi %add3A_102, %select_n3A_119 : vector<16xi32>
        %mul3A_121 = arith.constant 20 : i32
        %mul3A_122 = vector.broadcast %mul3A_121 : i32 to vector<16xi32>
        %mul3A_123 = arith.muli %iota3A, %mul3A_122 : vector<16xi32>
        %add3A_124 = vector.broadcast %mul3A_69 : i32 to vector<16xi32>
        %add3A_125 = arith.addi %add3A_124, %mul3A_123 : vector<16xi32>
        %add3A_126 = arith.constant 3 : i32
        %add3A_127 = vector.broadcast %add3A_126 : i32 to vector<16xi32>
        %add3A_128 = arith.addi %add3A_125, %add3A_127 : vector<16xi32>
        %gather3A_129 = tpu.vector_load_idx %arg7[%add3A_128] : memref<10240xi32, #tpu.memory_space<vmem>>[vector<16xi32>], vector<16xi32>,
        %eq3A_130 = arith.constant 0 : i32
        %eq3A_131 = vector.broadcast %eq3A_130 : i32 to vector<16xi32>
        %eq3A_132 = arith.cmpi eq, %gather3A_129, %eq3A_131 : vector<16xi32>
        %jit3A_133 = arith.constant 1 : i32
        %jit3A_134 = arith.constant 0 : i32
        %broadcast_in_dim3A_135 = vector.broadcast %jit3A_133 : i32 to vector<16xi32>
        %broadcast_in_dim3A_136 = vector.broadcast %jit3A_134 : i32 to vector<16xi32>
        %select_n3A_137 = arith.select %eq3A_132, %broadcast_in_dim3A_135, %broadcast_in_dim3A_136 : vector<16xi1>, vector<16xi32>
        %add3A_138 = arith.addi %add3A_120, %select_n3A_137 : vector<16xi32>
        %mul3A_139 = arith.constant 20 : i32
        %mul3A_140 = vector.broadcast %mul3A_139 : i32 to vector<16xi32>
        %mul3A_141 = arith.muli %iota3A, %mul3A_140 : vector<16xi32>
        %add3A_142 = vector.broadcast %mul3A_69 : i32 to vector<16xi32>
        %add3A_143 = arith.addi %add3A_142, %mul3A_141 : vector<16xi32>
        %add3A_144 = arith.constant 4 : i32
        %add3A_145 = vector.broadcast %add3A_144 : i32 to vector<16xi32>
        %add3A_146 = arith.addi %add3A_143, %add3A_145 : vector<16xi32>
        %gather3A_147 = tpu.vector_load_idx %arg7[%add3A_146] : memref<10240xi32, #tpu.memory_space<vmem>>[vector<16xi32>], vector<16xi32>,
        %eq3A_148 = arith.constant 0 : i32
        %eq3A_149 = vector.broadcast %eq3A_148 : i32 to vector<16xi32>
        %eq3A_150 = arith.cmpi eq, %gather3A_147, %eq3A_149 : vector<16xi32>
        %jit3A_151 = arith.constant 1 : i32
        %jit3A_152 = arith.constant 0 : i32
        %broadcast_in_dim3A_153 = vector.broadcast %jit3A_151 : i32 to vector<16xi32>
        %broadcast_in_dim3A_154 = vector.broadcast %jit3A_152 : i32 to vector<16xi32>
        %select_n3A_155 = arith.select %eq3A_150, %broadcast_in_dim3A_153, %broadcast_in_dim3A_154 : vector<16xi1>, vector<16xi32>
        %add3A_156 = arith.addi %add3A_138, %select_n3A_155 : vector<16xi32>
        %mul3A_157 = arith.constant 20 : i32
        %mul3A_158 = vector.broadcast %mul3A_157 : i32 to vector<16xi32>
        %mul3A_159 = arith.muli %iota3A, %mul3A_158 : vector<16xi32>
        %add3A_160 = vector.broadcast %mul3A_69 : i32 to vector<16xi32>
        %add3A_161 = arith.addi %add3A_160, %mul3A_159 : vector<16xi32>
        %add3A_162 = arith.constant 5 : i32
        %add3A_163 = vector.broadcast %add3A_162 : i32 to vector<16xi32>
        %add3A_164 = arith.addi %add3A_161, %add3A_163 : vector<16xi32>
        %gather3A_165 = tpu.vector_load_idx %arg7[%add3A_164] : memref<10240xi32, #tpu.memory_space<vmem>>[vector<16xi32>], vector<16xi32>,
        %eq3A_166 = arith.constant 0 : i32
        %eq3A_167 = vector.broadcast %eq3A_166 : i32 to vector<16xi32>
        %eq3A_168 = arith.cmpi eq, %gather3A_165, %eq3A_167 : vector<16xi32>
        %jit3A_169 = arith.constant 1 : i32
        %jit3A_170 = arith.constant 0 : i32
        %broadcast_in_dim3A_171 = vector.broadcast %jit3A_169 : i32 to vector<16xi32>
        %broadcast_in_dim3A_172 = vector.broadcast %jit3A_170 : i32 to vector<16xi32>
        %select_n3A_173 = arith.select %eq3A_168, %broadcast_in_dim3A_171, %broadcast_in_dim3A_172 : vector<16xi1>, vector<16xi32>
        %add3A_174 = arith.addi %add3A_156, %select_n3A_173 : vector<16xi32>
        %mul3A_175 = arith.constant 20 : i32
        %mul3A_176 = vector.broadcast %mul3A_175 : i32 to vector<16xi32>
        %mul3A_177 = arith.muli %iota3A, %mul3A_176 : vector<16xi32>
        %add3A_178 = vector.broadcast %mul3A_69 : i32 to vector<16xi32>
        %add3A_179 = arith.addi %add3A_178, %mul3A_177 : vector<16xi32>
        %add3A_180 = arith.constant 6 : i32
        %add3A_181 = vector.broadcast %add3A_180 : i32 to vector<16xi32>
        %add3A_182 = arith.addi %add3A_179, %add3A_181 : vector<16xi32>
        %gather3A_183 = tpu.vector_load_idx %arg7[%add3A_182] : memref<10240xi32, #tpu.memory_space<vmem>>[vector<16xi32>], vector<16xi32>,
        %eq3A_184 = arith.constant 0 : i32
        %eq3A_185 = vector.broadcast %eq3A_184 : i32 to vector<16xi32>
        %eq3A_186 = arith.cmpi eq, %gather3A_183, %eq3A_185 : vector<16xi32>
        %jit3A_187 = arith.constant 1 : i32
        %jit3A_188 = arith.constant 0 : i32
        %broadcast_in_dim3A_189 = vector.broadcast %jit3A_187 : i32 to vector<16xi32>
        %broadcast_in_dim3A_190 = vector.broadcast %jit3A_188 : i32 to vector<16xi32>
        %select_n3A_191 = arith.select %eq3A_186, %broadcast_in_dim3A_189, %broadcast_in_dim3A_190 : vector<16xi1>, vector<16xi32>
        %add3A_192 = arith.addi %add3A_174, %select_n3A_191 : vector<16xi32>
        %mul3A_193 = arith.constant 20 : i32
        %mul3A_194 = vector.broadcast %mul3A_193 : i32 to vector<16xi32>
        %mul3A_195 = arith.muli %iota3A, %mul3A_194 : vector<16xi32>
        %add3A_196 = vector.broadcast %mul3A_69 : i32 to vector<16xi32>
        %add3A_197 = arith.addi %add3A_196, %mul3A_195 : vector<16xi32>
        %add3A_198 = arith.constant 7 : i32
        %add3A_199 = vector.broadcast %add3A_198 : i32 to vector<16xi32>
        %add3A_200 = arith.addi %add3A_197, %add3A_199 : vector<16xi32>
        %gather3A_201 = tpu.vector_load_idx %arg7[%add3A_200] : memref<10240xi32, #tpu.memory_space<vmem>>[vector<16xi32>], vector<16xi32>,
        %eq3A_202 = arith.constant 0 : i32
        %eq3A_203 = vector.broadcast %eq3A_202 : i32 to vector<16xi32>
        %eq3A_204 = arith.cmpi eq, %gather3A_201, %eq3A_203 : vector<16xi32>
        %jit3A_205 = arith.constant 1 : i32
        %jit3A_206 = arith.constant 0 : i32
        %broadcast_in_dim3A_207 = vector.broadcast %jit3A_205 : i32 to vector<16xi32>
        %broadcast_in_dim3A_208 = vector.broadcast %jit3A_206 : i32 to vector<16xi32>
        %select_n3A_209 = arith.select %eq3A_204, %broadcast_in_dim3A_207, %broadcast_in_dim3A_208 : vector<16xi1>, vector<16xi32>
        %add3A_210 = arith.addi %add3A_192, %select_n3A_209 : vector<16xi32>
        %mul3A_211 = arith.constant 20 : i32
        %mul3A_212 = vector.broadcast %mul3A_211 : i32 to vector<16xi32>
        %mul3A_213 = arith.muli %iota3A, %mul3A_212 : vector<16xi32>
        %add3A_214 = vector.broadcast %mul3A_69 : i32 to vector<16xi32>
        %add3A_215 = arith.addi %add3A_214, %mul3A_213 : vector<16xi32>
        %add3A_216 = arith.constant 8 : i32
        %add3A_217 = vector.broadcast %add3A_216 : i32 to vector<16xi32>
        %add3A_218 = arith.addi %add3A_215, %add3A_217 : vector<16xi32>
        %gather3A_219 = tpu.vector_load_idx %arg7[%add3A_218] : memref<10240xi32, #tpu.memory_space<vmem>>[vector<16xi32>], vector<16xi32>,
        %eq3A_220 = arith.constant 0 : i32
        %eq3A_221 = vector.broadcast %eq3A_220 : i32 to vector<16xi32>
        %eq3A_222 = arith.cmpi eq, %gather3A_219, %eq3A_221 : vector<16xi32>
        %jit3A_223 = arith.constant 1 : i32
        %jit3A_224 = arith.constant 0 : i32
        %broadcast_in_dim3A_225 = vector.broadcast %jit3A_223 : i32 to vector<16xi32>
        %broadcast_in_dim3A_226 = vector.broadcast %jit3A_224 : i32 to vector<16xi32>
        %select_n3A_227 = arith.select %eq3A_222, %broadcast_in_dim3A_225, %broadcast_in_dim3A_226 : vector<16xi1>, vector<16xi32>
        %add3A_228 = arith.addi %add3A_210, %select_n3A_227 : vector<16xi32>
        %mul3A_229 = arith.constant 20 : i32
        %mul3A_230 = vector.broadcast %mul3A_229 : i32 to vector<16xi32>
        %mul3A_231 = arith.muli %iota3A, %mul3A_230 : vector<16xi32>
        %add3A_232 = vector.broadcast %mul3A_69 : i32 to vector<16xi32>
        %add3A_233 = arith.addi %add3A_232, %mul3A_231 : vector<16xi32>
        %add3A_234 = arith.constant 9 : i32
        %add3A_235 = vector.broadcast %add3A_234 : i32 to vector<16xi32>
        %add3A_236 = arith.addi %add3A_233, %add3A_235 : vector<16xi32>
        %gather3A_237 = tpu.vector_load_idx %arg7[%add3A_236] : memref<10240xi32, #tpu.memory_space<vmem>>[vector<16xi32>], vector<16xi32>,
        %eq3A_238 = arith.constant 0 : i32
        %eq3A_239 = vector.broadcast %eq3A_238 : i32 to vector<16xi32>
        %eq3A_240 = arith.cmpi eq, %gather3A_237, %eq3A_239 : vector<16xi32>
        %jit3A_241 = arith.constant 1 : i32
        %jit3A_242 = arith.constant 0 : i32
        %broadcast_in_dim3A_243 = vector.broadcast %jit3A_241 : i32 to vector<16xi32>
        %broadcast_in_dim3A_244 = vector.broadcast %jit3A_242 : i32 to vector<16xi32>
        %select_n3A_245 = arith.select %eq3A_240, %broadcast_in_dim3A_243, %broadcast_in_dim3A_244 : vector<16xi1>, vector<16xi32>
        %add3A_246 = arith.addi %add3A_228, %select_n3A_245 : vector<16xi32>
        %mul3A_247 = arith.constant 20 : i32
        %mul3A_248 = vector.broadcast %mul3A_247 : i32 to vector<16xi32>
        %mul3A_249 = arith.muli %iota3A, %mul3A_248 : vector<16xi32>
        %add3A_250 = vector.broadcast %mul3A_69 : i32 to vector<16xi32>
        %add3A_251 = arith.addi %add3A_250, %mul3A_249 : vector<16xi32>
        %add3A_252 = arith.constant 10 : i32
        %add3A_253 = vector.broadcast %add3A_252 : i32 to vector<16xi32>
        %add3A_254 = arith.addi %add3A_251, %add3A_253 : vector<16xi32>
        %gather3A_255 = tpu.vector_load_idx %arg7[%add3A_254] : memref<10240xi32, #tpu.memory_space<vmem>>[vector<16xi32>], vector<16xi32>,
        %eq3A_256 = arith.constant 0 : i32
        %eq3A_257 = vector.broadcast %eq3A_256 : i32 to vector<16xi32>
        %eq3A_258 = arith.cmpi eq, %gather3A_255, %eq3A_257 : vector<16xi32>
        %jit3A_259 = arith.constant 1 : i32
        %jit3A_260 = arith.constant 0 : i32
        %broadcast_in_dim3A_261 = vector.broadcast %jit3A_259 : i32 to vector<16xi32>
        %broadcast_in_dim3A_262 = vector.broadcast %jit3A_260 : i32 to vector<16xi32>
        %select_n3A_263 = arith.select %eq3A_258, %broadcast_in_dim3A_261, %broadcast_in_dim3A_262 : vector<16xi1>, vector<16xi32>
        %add3A_264 = arith.addi %add3A_246, %select_n3A_263 : vector<16xi32>
        %mul3A_265 = arith.constant 20 : i32
        %mul3A_266 = vector.broadcast %mul3A_265 : i32 to vector<16xi32>
        %mul3A_267 = arith.muli %iota3A, %mul3A_266 : vector<16xi32>
        %add3A_268 = vector.broadcast %mul3A_69 : i32 to vector<16xi32>
        %add3A_269 = arith.addi %add3A_268, %mul3A_267 : vector<16xi32>
        %add3A_270 = arith.constant 11 : i32
        %add3A_271 = vector.broadcast %add3A_270 : i32 to vector<16xi32>
        %add3A_272 = arith.addi %add3A_269, %add3A_271 : vector<16xi32>
        %gather3A_273 = tpu.vector_load_idx %arg7[%add3A_272] : memref<10240xi32, #tpu.memory_space<vmem>>[vector<16xi32>], vector<16xi32>,
        %eq3A_274 = arith.constant 0 : i32
        %eq3A_275 = vector.broadcast %eq3A_274 : i32 to vector<16xi32>
        %eq3A_276 = arith.cmpi eq, %gather3A_273, %eq3A_275 : vector<16xi32>
        %jit3A_277 = arith.constant 1 : i32
        %jit3A_278 = arith.constant 0 : i32
        %broadcast_in_dim3A_279 = vector.broadcast %jit3A_277 : i32 to vector<16xi32>
        %broadcast_in_dim3A_280 = vector.broadcast %jit3A_278 : i32 to vector<16xi32>
        %select_n3A_281 = arith.select %eq3A_276, %broadcast_in_dim3A_279, %broadcast_in_dim3A_280 : vector<16xi1>, vector<16xi32>
        %add3A_282 = arith.addi %add3A_264, %select_n3A_281 : vector<16xi32>
        %mul3A_283 = arith.constant 20 : i32
        %mul3A_284 = vector.broadcast %mul3A_283 : i32 to vector<16xi32>
        %mul3A_285 = arith.muli %iota3A, %mul3A_284 : vector<16xi32>
        %add3A_286 = vector.broadcast %mul3A_69 : i32 to vector<16xi32>
        %add3A_287 = arith.addi %add3A_286, %mul3A_285 : vector<16xi32>
        %add3A_288 = arith.constant 12 : i32
        %add3A_289 = vector.broadcast %add3A_288 : i32 to vector<16xi32>
        %add3A_290 = arith.addi %add3A_287, %add3A_289 : vector<16xi32>
        %gather3A_291 = tpu.vector_load_idx %arg7[%add3A_290] : memref<10240xi32, #tpu.memory_space<vmem>>[vector<16xi32>], vector<16xi32>,
        %eq3A_292 = arith.constant 0 : i32
        %eq3A_293 = vector.broadcast %eq3A_292 : i32 to vector<16xi32>
        %eq3A_294 = arith.cmpi eq, %gather3A_291, %eq3A_293 : vector<16xi32>
        %jit3A_295 = arith.constant 1 : i32
        %jit3A_296 = arith.constant 0 : i32
        %broadcast_in_dim3A_297 = vector.broadcast %jit3A_295 : i32 to vector<16xi32>
        %broadcast_in_dim3A_298 = vector.broadcast %jit3A_296 : i32 to vector<16xi32>
        %select_n3A_299 = arith.select %eq3A_294, %broadcast_in_dim3A_297, %broadcast_in_dim3A_298 : vector<16xi1>, vector<16xi32>
        %add3A_300 = arith.addi %add3A_282, %select_n3A_299 : vector<16xi32>
        %mul3A_301 = arith.constant 20 : i32
        %mul3A_302 = vector.broadcast %mul3A_301 : i32 to vector<16xi32>
        %mul3A_303 = arith.muli %iota3A, %mul3A_302 : vector<16xi32>
        %add3A_304 = vector.broadcast %mul3A_69 : i32 to vector<16xi32>
        %add3A_305 = arith.addi %add3A_304, %mul3A_303 : vector<16xi32>
        %add3A_306 = arith.constant 13 : i32
        %add3A_307 = vector.broadcast %add3A_306 : i32 to vector<16xi32>
        %add3A_308 = arith.addi %add3A_305, %add3A_307 : vector<16xi32>
        %gather3A_309 = tpu.vector_load_idx %arg7[%add3A_308] : memref<10240xi32, #tpu.memory_space<vmem>>[vector<16xi32>], vector<16xi32>,
        %eq3A_310 = arith.constant 0 : i32
        %eq3A_311 = vector.broadcast %eq3A_310 : i32 to vector<16xi32>
        %eq3A_312 = arith.cmpi eq, %gather3A_309, %eq3A_311 : vector<16xi32>
        %jit3A_313 = arith.constant 1 : i32
        %jit3A_314 = arith.constant 0 : i32
        %broadcast_in_dim3A_315 = vector.broadcast %jit3A_313 : i32 to vector<16xi32>
        %broadcast_in_dim3A_316 = vector.broadcast %jit3A_314 : i32 to vector<16xi32>
        %select_n3A_317 = arith.select %eq3A_312, %broadcast_in_dim3A_315, %broadcast_in_dim3A_316 : vector<16xi1>, vector<16xi32>
        %add3A_318 = arith.addi %add3A_300, %select_n3A_317 : vector<16xi32>
        %mul3A_319 = arith.constant 20 : i32
        %mul3A_320 = vector.broadcast %mul3A_319 : i32 to vector<16xi32>
        %mul3A_321 = arith.muli %iota3A, %mul3A_320 : vector<16xi32>
        %add3A_322 = vector.broadcast %mul3A_69 : i32 to vector<16xi32>
        %add3A_323 = arith.addi %add3A_322, %mul3A_321 : vector<16xi32>
        %add3A_324 = arith.constant 14 : i32
        %add3A_325 = vector.broadcast %add3A_324 : i32 to vector<16xi32>
        %add3A_326 = arith.addi %add3A_323, %add3A_325 : vector<16xi32>
        %gather3A_327 = tpu.vector_load_idx %arg7[%add3A_326] : memref<10240xi32, #tpu.memory_space<vmem>>[vector<16xi32>], vector<16xi32>,
        %eq3A_328 = arith.constant 0 : i32
        %eq3A_329 = vector.broadcast %eq3A_328 : i32 to vector<16xi32>
        %eq3A_330 = arith.cmpi eq, %gather3A_327, %eq3A_329 : vector<16xi32>
        %jit3A_331 = arith.constant 1 : i32
        %jit3A_332 = arith.constant 0 : i32
        %broadcast_in_dim3A_333 = vector.broadcast %jit3A_331 : i32 to vector<16xi32>
        %broadcast_in_dim3A_334 = vector.broadcast %jit3A_332 : i32 to vector<16xi32>
        %select_n3A_335 = arith.select %eq3A_330, %broadcast_in_dim3A_333, %broadcast_in_dim3A_334 : vector<16xi1>, vector<16xi32>
        %add3A_336 = arith.addi %add3A_318, %select_n3A_335 : vector<16xi32>
        %mul3A_337 = arith.constant 20 : i32
        %mul3A_338 = vector.broadcast %mul3A_337 : i32 to vector<16xi32>
        %mul3A_339 = arith.muli %iota3A, %mul3A_338 : vector<16xi32>
        %add3A_340 = vector.broadcast %mul3A_69 : i32 to vector<16xi32>
        %add3A_341 = arith.addi %add3A_340, %mul3A_339 : vector<16xi32>
        %add3A_342 = arith.constant 15 : i32
        %add3A_343 = vector.broadcast %add3A_342 : i32 to vector<16xi32>
        %add3A_344 = arith.addi %add3A_341, %add3A_343 : vector<16xi32>
        %gather3A_345 = tpu.vector_load_idx %arg7[%add3A_344] : memref<10240xi32, #tpu.memory_space<vmem>>[vector<16xi32>], vector<16xi32>,
        %eq3A_346 = arith.constant 0 : i32
        %eq3A_347 = vector.broadcast %eq3A_346 : i32 to vector<16xi32>
        %eq3A_348 = arith.cmpi eq, %gather3A_345, %eq3A_347 : vector<16xi32>
        %jit3A_349 = arith.constant 1 : i32
        %jit3A_350 = arith.constant 0 : i32
        %broadcast_in_dim3A_351 = vector.broadcast %jit3A_349 : i32 to vector<16xi32>
        %broadcast_in_dim3A_352 = vector.broadcast %jit3A_350 : i32 to vector<16xi32>
        %select_n3A_353 = arith.select %eq3A_348, %broadcast_in_dim3A_351, %broadcast_in_dim3A_352 : vector<16xi1>, vector<16xi32>
        %add3A_354 = arith.addi %add3A_336, %select_n3A_353 : vector<16xi32>
        %mul3A_355 = arith.constant 20 : i32
        %mul3A_356 = vector.broadcast %mul3A_355 : i32 to vector<16xi32>
        %mul3A_357 = arith.muli %iota3A, %mul3A_356 : vector<16xi32>
        %add3A_358 = vector.broadcast %mul3A_69 : i32 to vector<16xi32>
        %add3A_359 = arith.addi %add3A_358, %mul3A_357 : vector<16xi32>
        %add3A_360 = arith.constant 16 : i32
        %add3A_361 = vector.broadcast %add3A_360 : i32 to vector<16xi32>
        %add3A_362 = arith.addi %add3A_359, %add3A_361 : vector<16xi32>
        %gather3A_363 = tpu.vector_load_idx %arg7[%add3A_362] : memref<10240xi32, #tpu.memory_space<vmem>>[vector<16xi32>], vector<16xi32>,
        %eq3A_364 = arith.constant 0 : i32
        %eq3A_365 = vector.broadcast %eq3A_364 : i32 to vector<16xi32>
        %eq3A_366 = arith.cmpi eq, %gather3A_363, %eq3A_365 : vector<16xi32>
        %jit3A_367 = arith.constant 1 : i32
        %jit3A_368 = arith.constant 0 : i32
        %broadcast_in_dim3A_369 = vector.broadcast %jit3A_367 : i32 to vector<16xi32>
        %broadcast_in_dim3A_370 = vector.broadcast %jit3A_368 : i32 to vector<16xi32>
        %select_n3A_371 = arith.select %eq3A_366, %broadcast_in_dim3A_369, %broadcast_in_dim3A_370 : vector<16xi1>, vector<16xi32>
        %add3A_372 = arith.addi %add3A_354, %select_n3A_371 : vector<16xi32>
        %mul3A_373 = arith.constant 20 : i32
        %mul3A_374 = vector.broadcast %mul3A_373 : i32 to vector<16xi32>
        %mul3A_375 = arith.muli %iota3A, %mul3A_374 : vector<16xi32>
        %add3A_376 = vector.broadcast %mul3A_69 : i32 to vector<16xi32>
        %add3A_377 = arith.addi %add3A_376, %mul3A_375 : vector<16xi32>
        %add3A_378 = arith.constant 17 : i32
        %add3A_379 = vector.broadcast %add3A_378 : i32 to vector<16xi32>
        %add3A_380 = arith.addi %add3A_377, %add3A_379 : vector<16xi32>
        %gather3A_381 = tpu.vector_load_idx %arg7[%add3A_380] : memref<10240xi32, #tpu.memory_space<vmem>>[vector<16xi32>], vector<16xi32>,
        %eq3A_382 = arith.constant 0 : i32
        %eq3A_383 = vector.broadcast %eq3A_382 : i32 to vector<16xi32>
        %eq3A_384 = arith.cmpi eq, %gather3A_381, %eq3A_383 : vector<16xi32>
        %jit3A_385 = arith.constant 1 : i32
        %jit3A_386 = arith.constant 0 : i32
        %broadcast_in_dim3A_387 = vector.broadcast %jit3A_385 : i32 to vector<16xi32>
        %broadcast_in_dim3A_388 = vector.broadcast %jit3A_386 : i32 to vector<16xi32>
        %select_n3A_389 = arith.select %eq3A_384, %broadcast_in_dim3A_387, %broadcast_in_dim3A_388 : vector<16xi1>, vector<16xi32>
        %add3A_390 = arith.addi %add3A_372, %select_n3A_389 : vector<16xi32>
        %mul3A_391 = arith.constant 20 : i32
        %mul3A_392 = vector.broadcast %mul3A_391 : i32 to vector<16xi32>
        %mul3A_393 = arith.muli %iota3A, %mul3A_392 : vector<16xi32>
        %add3A_394 = vector.broadcast %mul3A_69 : i32 to vector<16xi32>
        %add3A_395 = arith.addi %add3A_394, %mul3A_393 : vector<16xi32>
        %add3A_396 = arith.constant 18 : i32
        %add3A_397 = vector.broadcast %add3A_396 : i32 to vector<16xi32>
        %add3A_398 = arith.addi %add3A_395, %add3A_397 : vector<16xi32>
        %gather3A_399 = tpu.vector_load_idx %arg7[%add3A_398] : memref<10240xi32, #tpu.memory_space<vmem>>[vector<16xi32>], vector<16xi32>,
        %eq3A_400 = arith.constant 0 : i32
        %eq3A_401 = vector.broadcast %eq3A_400 : i32 to vector<16xi32>
        %eq3A_402 = arith.cmpi eq, %gather3A_399, %eq3A_401 : vector<16xi32>
        %jit3A_403 = arith.constant 1 : i32
        %jit3A_404 = arith.constant 0 : i32
        %broadcast_in_dim3A_405 = vector.broadcast %jit3A_403 : i32 to vector<16xi32>
        %broadcast_in_dim3A_406 = vector.broadcast %jit3A_404 : i32 to vector<16xi32>
        %select_n3A_407 = arith.select %eq3A_402, %broadcast_in_dim3A_405, %broadcast_in_dim3A_406 : vector<16xi1>, vector<16xi32>
        %add3A_408 = arith.addi %add3A_390, %select_n3A_407 : vector<16xi32>
        %mul3A_409 = arith.constant 20 : i32
        %mul3A_410 = vector.broadcast %mul3A_409 : i32 to vector<16xi32>
        %mul3A_411 = arith.muli %iota3A, %mul3A_410 : vector<16xi32>
        %add3A_412 = vector.broadcast %mul3A_69 : i32 to vector<16xi32>
        %add3A_413 = arith.addi %add3A_412, %mul3A_411 : vector<16xi32>
        %add3A_414 = arith.constant 19 : i32
        %add3A_415 = vector.broadcast %add3A_414 : i32 to vector<16xi32>
        %add3A_416 = arith.addi %add3A_413, %add3A_415 : vector<16xi32>
        %gather3A_417 = tpu.vector_load_idx %arg7[%add3A_416] : memref<10240xi32, #tpu.memory_space<vmem>>[vector<16xi32>], vector<16xi32>,
        %eq3A_418 = arith.constant 0 : i32
        %eq3A_419 = vector.broadcast %eq3A_418 : i32 to vector<16xi32>
        %eq3A_420 = arith.cmpi eq, %gather3A_417, %eq3A_419 : vector<16xi32>
        %jit3A_421 = arith.constant 1 : i32
        %jit3A_422 = arith.constant 0 : i32
        %broadcast_in_dim3A_423 = vector.broadcast %jit3A_421 : i32 to vector<16xi32>
        %broadcast_in_dim3A_424 = vector.broadcast %jit3A_422 : i32 to vector<16xi32>
        %select_n3A_425 = arith.select %eq3A_420, %broadcast_in_dim3A_423, %broadcast_in_dim3A_424 : vector<16xi1>, vector<16xi32>
        %add3A_426 = arith.addi %add3A_408, %select_n3A_425 : vector<16xi32>
        %mul3A_427 = arith.constant 16 : i32
        %mul3A_428 = vector.broadcast %mul3A_427 : i32 to vector<16xi32>
        %mul3A_429 = arith.muli %iota3A, %mul3A_428 : vector<16xi32>
        %add3A_430 = arith.constant 0 : i32
        %add3A_431 = vector.broadcast %add3A_430 : i32 to vector<16xi32>
        %add3A_432 = arith.addi %add3A_431, %mul3A_429 : vector<16xi32>
        %broadcast_in_dim3A_433 = arith.constant 0.000000e+00 : f32
        %broadcast_in_dim3A_434 = vector.broadcast %broadcast_in_dim3A_433 : f32 to vector<16xf32>
        %broadcast_in_dim3A_435 = arith.constant 0.000000e+00 : f32
        %broadcast_in_dim3A_436 = vector.broadcast %broadcast_in_dim3A_435 : f32 to vector<16xf32>
        %add3A_437 = arith.constant 0 : i32
        %add3A_438 = vector.broadcast %add3A_437 : i32 to vector<16xi32>
        %add3A_439 = arith.addi %add3A_432, %add3A_438 : vector<16xi32>
        %gather3A_440 = tpu.vector_load_idx %arg14[%add3A_439] : memref<512xf32, #tpu.memory_space<vmem>>[vector<16xi32>], vector<16xf32>,
        %add3A_441 = arith.addf %broadcast_in_dim3A_434, %gather3A_440 : vector<16xf32>
        %add3A_442 = arith.constant 0 : i32
        %add3A_443 = vector.broadcast %add3A_442 : i32 to vector<16xi32>
        %add3A_444 = arith.addi %add3A_432, %add3A_443 : vector<16xi32>
        %gather3A_445 = tpu.vector_load_idx %arg15[%add3A_444] : memref<512xf32, #tpu.memory_space<vmem>>[vector<16xi32>], vector<16xf32>,
        %add3A_446 = arith.addf %broadcast_in_dim3A_436, %gather3A_445 : vector<16xf32>
        %add3A_447 = arith.constant 1 : i32
        %add3A_448 = vector.broadcast %add3A_447 : i32 to vector<16xi32>
        %add3A_449 = arith.addi %add3A_432, %add3A_448 : vector<16xi32>
        %gather3A_450 = tpu.vector_load_idx %arg14[%add3A_449] : memref<512xf32, #tpu.memory_space<vmem>>[vector<16xi32>], vector<16xf32>,
        %add3A_451 = arith.addf %add3A_441, %gather3A_450 : vector<16xf32>
        %add3A_452 = arith.constant 1 : i32
        %add3A_453 = vector.broadcast %add3A_452 : i32 to vector<16xi32>
        %add3A_454 = arith.addi %add3A_432, %add3A_453 : vector<16xi32>
        %gather3A_455 = tpu.vector_load_idx %arg15[%add3A_454] : memref<512xf32, #tpu.memory_space<vmem>>[vector<16xi32>], vector<16xf32>,
        %add3A_456 = arith.addf %add3A_446, %gather3A_455 : vector<16xf32>
        %add3A_457 = arith.constant 2 : i32
        %add3A_458 = vector.broadcast %add3A_457 : i32 to vector<16xi32>
        %add3A_459 = arith.addi %add3A_432, %add3A_458 : vector<16xi32>
        %gather3A_460 = tpu.vector_load_idx %arg14[%add3A_459] : memref<512xf32, #tpu.memory_space<vmem>>[vector<16xi32>], vector<16xf32>,
        %add3A_461 = arith.addf %add3A_451, %gather3A_460 : vector<16xf32>
        %add3A_462 = arith.constant 2 : i32
        %add3A_463 = vector.broadcast %add3A_462 : i32 to vector<16xi32>
        %add3A_464 = arith.addi %add3A_432, %add3A_463 : vector<16xi32>
        %gather3A_465 = tpu.vector_load_idx %arg15[%add3A_464] : memref<512xf32, #tpu.memory_space<vmem>>[vector<16xi32>], vector<16xf32>,
        %add3A_466 = arith.addf %add3A_456, %gather3A_465 : vector<16xf32>
        %add3A_467 = arith.constant 3 : i32
        %add3A_468 = vector.broadcast %add3A_467 : i32 to vector<16xi32>
        %add3A_469 = arith.addi %add3A_432, %add3A_468 : vector<16xi32>
        %gather3A_470 = tpu.vector_load_idx %arg14[%add3A_469] : memref<512xf32, #tpu.memory_space<vmem>>[vector<16xi32>], vector<16xf32>,
        %add3A_471 = arith.addf %add3A_461, %gather3A_470 : vector<16xf32>
        %add3A_472 = arith.constant 3 : i32
        %add3A_473 = vector.broadcast %add3A_472 : i32 to vector<16xi32>
        %add3A_474 = arith.addi %add3A_432, %add3A_473 : vector<16xi32>
        %gather3A_475 = tpu.vector_load_idx %arg15[%add3A_474] : memref<512xf32, #tpu.memory_space<vmem>>[vector<16xi32>], vector<16xf32>,
        %add3A_476 = arith.addf %add3A_466, %gather3A_475 : vector<16xf32>
        %add3A_477 = arith.constant 4 : i32
        %add3A_478 = vector.broadcast %add3A_477 : i32 to vector<16xi32>
        %add3A_479 = arith.addi %add3A_432, %add3A_478 : vector<16xi32>
        %gather3A_480 = tpu.vector_load_idx %arg14[%add3A_479] : memref<512xf32, #tpu.memory_space<vmem>>[vector<16xi32>], vector<16xf32>,
        %add3A_481 = arith.addf %add3A_471, %gather3A_480 : vector<16xf32>
        %add3A_482 = arith.constant 4 : i32
        %add3A_483 = vector.broadcast %add3A_482 : i32 to vector<16xi32>
        %add3A_484 = arith.addi %add3A_432, %add3A_483 : vector<16xi32>
        %gather3A_485 = tpu.vector_load_idx %arg15[%add3A_484] : memref<512xf32, #tpu.memory_space<vmem>>[vector<16xi32>], vector<16xf32>,
        %add3A_486 = arith.addf %add3A_476, %gather3A_485 : vector<16xf32>
        %add3A_487 = arith.constant 5 : i32
        %add3A_488 = vector.broadcast %add3A_487 : i32 to vector<16xi32>
        %add3A_489 = arith.addi %add3A_432, %add3A_488 : vector<16xi32>
        %gather3A_490 = tpu.vector_load_idx %arg14[%add3A_489] : memref<512xf32, #tpu.memory_space<vmem>>[vector<16xi32>], vector<16xf32>,
        %add3A_491 = arith.addf %add3A_481, %gather3A_490 : vector<16xf32>
        %add3A_492 = arith.constant 5 : i32
        %add3A_493 = vector.broadcast %add3A_492 : i32 to vector<16xi32>
        %add3A_494 = arith.addi %add3A_432, %add3A_493 : vector<16xi32>
        %gather3A_495 = tpu.vector_load_idx %arg15[%add3A_494] : memref<512xf32, #tpu.memory_space<vmem>>[vector<16xi32>], vector<16xf32>,
        %add3A_496 = arith.addf %add3A_486, %gather3A_495 : vector<16xf32>
        %add3A_497 = arith.constant 6 : i32
        %add3A_498 = vector.broadcast %add3A_497 : i32 to vector<16xi32>
        %add3A_499 = arith.addi %add3A_432, %add3A_498 : vector<16xi32>
        %gather3A_500 = tpu.vector_load_idx %arg14[%add3A_499] : memref<512xf32, #tpu.memory_space<vmem>>[vector<16xi32>], vector<16xf32>,
        %add3A_501 = arith.addf %add3A_491, %gather3A_500 : vector<16xf32>
        %add3A_502 = arith.constant 6 : i32
        %add3A_503 = vector.broadcast %add3A_502 : i32 to vector<16xi32>
        %add3A_504 = arith.addi %add3A_432, %add3A_503 : vector<16xi32>
        %gather3A_505 = tpu.vector_load_idx %arg15[%add3A_504] : memref<512xf32, #tpu.memory_space<vmem>>[vector<16xi32>], vector<16xf32>,
        %add3A_506 = arith.addf %add3A_496, %gather3A_505 : vector<16xf32>
        %add3A_507 = arith.constant 7 : i32
        %add3A_508 = vector.broadcast %add3A_507 : i32 to vector<16xi32>
        %add3A_509 = arith.addi %add3A_432, %add3A_508 : vector<16xi32>
        %gather3A_510 = tpu.vector_load_idx %arg14[%add3A_509] : memref<512xf32, #tpu.memory_space<vmem>>[vector<16xi32>], vector<16xf32>,
        %add3A_511 = arith.addf %add3A_501, %gather3A_510 : vector<16xf32>
        %add3A_512 = arith.constant 7 : i32
        %add3A_513 = vector.broadcast %add3A_512 : i32 to vector<16xi32>
        %add3A_514 = arith.addi %add3A_432, %add3A_513 : vector<16xi32>
        %gather3A_515 = tpu.vector_load_idx %arg15[%add3A_514] : memref<512xf32, #tpu.memory_space<vmem>>[vector<16xi32>], vector<16xf32>,
        %add3A_516 = arith.addf %add3A_506, %gather3A_515 : vector<16xf32>
        %add3A_517 = arith.constant 8 : i32
        %add3A_518 = vector.broadcast %add3A_517 : i32 to vector<16xi32>
        %add3A_519 = arith.addi %add3A_432, %add3A_518 : vector<16xi32>
        %gather3A_520 = tpu.vector_load_idx %arg14[%add3A_519] : memref<512xf32, #tpu.memory_space<vmem>>[vector<16xi32>], vector<16xf32>,
        %add3A_521 = arith.addf %add3A_511, %gather3A_520 : vector<16xf32>
        %add3A_522 = arith.constant 8 : i32
        %add3A_523 = vector.broadcast %add3A_522 : i32 to vector<16xi32>
        %add3A_524 = arith.addi %add3A_432, %add3A_523 : vector<16xi32>
        %gather3A_525 = tpu.vector_load_idx %arg15[%add3A_524] : memref<512xf32, #tpu.memory_space<vmem>>[vector<16xi32>], vector<16xf32>,
        %add3A_526 = arith.addf %add3A_516, %gather3A_525 : vector<16xf32>
        %add3A_527 = arith.constant 9 : i32
        %add3A_528 = vector.broadcast %add3A_527 : i32 to vector<16xi32>
        %add3A_529 = arith.addi %add3A_432, %add3A_528 : vector<16xi32>
        %gather3A_530 = tpu.vector_load_idx %arg14[%add3A_529] : memref<512xf32, #tpu.memory_space<vmem>>[vector<16xi32>], vector<16xf32>,
        %add3A_531 = arith.addf %add3A_521, %gather3A_530 : vector<16xf32>
        %add3A_532 = arith.constant 9 : i32
        %add3A_533 = vector.broadcast %add3A_532 : i32 to vector<16xi32>
        %add3A_534 = arith.addi %add3A_432, %add3A_533 : vector<16xi32>
        %gather3A_535 = tpu.vector_load_idx %arg15[%add3A_534] : memref<512xf32, #tpu.memory_space<vmem>>[vector<16xi32>], vector<16xf32>,
        %add3A_536 = arith.addf %add3A_526, %gather3A_535 : vector<16xf32>
        %add3A_537 = arith.constant 10 : i32
        %add3A_538 = vector.broadcast %add3A_537 : i32 to vector<16xi32>
        %add3A_539 = arith.addi %add3A_432, %add3A_538 : vector<16xi32>
        %gather3A_540 = tpu.vector_load_idx %arg14[%add3A_539] : memref<512xf32, #tpu.memory_space<vmem>>[vector<16xi32>], vector<16xf32>,
        %add3A_541 = arith.addf %add3A_531, %gather3A_540 : vector<16xf32>
        %add3A_542 = arith.constant 10 : i32
        %add3A_543 = vector.broadcast %add3A_542 : i32 to vector<16xi32>
        %add3A_544 = arith.addi %add3A_432, %add3A_543 : vector<16xi32>
        %gather3A_545 = tpu.vector_load_idx %arg15[%add3A_544] : memref<512xf32, #tpu.memory_space<vmem>>[vector<16xi32>], vector<16xf32>,
        %add3A_546 = arith.addf %add3A_536, %gather3A_545 : vector<16xf32>
        %add3A_547 = arith.constant 11 : i32
        %add3A_548 = vector.broadcast %add3A_547 : i32 to vector<16xi32>
        %add3A_549 = arith.addi %add3A_432, %add3A_548 : vector<16xi32>
        %gather3A_550 = tpu.vector_load_idx %arg14[%add3A_549] : memref<512xf32, #tpu.memory_space<vmem>>[vector<16xi32>], vector<16xf32>,
        %add3A_551 = arith.addf %add3A_541, %gather3A_550 : vector<16xf32>
        %add3A_552 = arith.constant 11 : i32
        %add3A_553 = vector.broadcast %add3A_552 : i32 to vector<16xi32>
        %add3A_554 = arith.addi %add3A_432, %add3A_553 : vector<16xi32>
        %gather3A_555 = tpu.vector_load_idx %arg15[%add3A_554] : memref<512xf32, #tpu.memory_space<vmem>>[vector<16xi32>], vector<16xf32>,
        %add3A_556 = arith.addf %add3A_546, %gather3A_555 : vector<16xf32>
        %add3A_557 = arith.constant 12 : i32
        %add3A_558 = vector.broadcast %add3A_557 : i32 to vector<16xi32>
        %add3A_559 = arith.addi %add3A_432, %add3A_558 : vector<16xi32>
        %gather3A_560 = tpu.vector_load_idx %arg14[%add3A_559] : memref<512xf32, #tpu.memory_space<vmem>>[vector<16xi32>], vector<16xf32>,
        %add3A_561 = arith.addf %add3A_551, %gather3A_560 : vector<16xf32>
        %add3A_562 = arith.constant 12 : i32
        %add3A_563 = vector.broadcast %add3A_562 : i32 to vector<16xi32>
        %add3A_564 = arith.addi %add3A_432, %add3A_563 : vector<16xi32>
        %gather3A_565 = tpu.vector_load_idx %arg15[%add3A_564] : memref<512xf32, #tpu.memory_space<vmem>>[vector<16xi32>], vector<16xf32>,
        %add3A_566 = arith.addf %add3A_556, %gather3A_565 : vector<16xf32>
        %add3A_567 = arith.constant 13 : i32
        %add3A_568 = vector.broadcast %add3A_567 : i32 to vector<16xi32>
        %add3A_569 = arith.addi %add3A_432, %add3A_568 : vector<16xi32>
        %gather3A_570 = tpu.vector_load_idx %arg14[%add3A_569] : memref<512xf32, #tpu.memory_space<vmem>>[vector<16xi32>], vector<16xf32>,
        %add3A_571 = arith.addf %add3A_561, %gather3A_570 : vector<16xf32>
        %add3A_572 = arith.constant 13 : i32
        %add3A_573 = vector.broadcast %add3A_572 : i32 to vector<16xi32>
        %add3A_574 = arith.addi %add3A_432, %add3A_573 : vector<16xi32>
        %gather3A_575 = tpu.vector_load_idx %arg15[%add3A_574] : memref<512xf32, #tpu.memory_space<vmem>>[vector<16xi32>], vector<16xf32>,
        %add3A_576 = arith.addf %add3A_566, %gather3A_575 : vector<16xf32>
        %add3A_577 = arith.constant 14 : i32
        %add3A_578 = vector.broadcast %add3A_577 : i32 to vector<16xi32>
        %add3A_579 = arith.addi %add3A_432, %add3A_578 : vector<16xi32>
        %gather3A_580 = tpu.vector_load_idx %arg14[%add3A_579] : memref<512xf32, #tpu.memory_space<vmem>>[vector<16xi32>], vector<16xf32>,
        %add3A_581 = arith.addf %add3A_571, %gather3A_580 : vector<16xf32>
        %add3A_582 = arith.constant 14 : i32
        %add3A_583 = vector.broadcast %add3A_582 : i32 to vector<16xi32>
        %add3A_584 = arith.addi %add3A_432, %add3A_583 : vector<16xi32>
        %gather3A_585 = tpu.vector_load_idx %arg15[%add3A_584] : memref<512xf32, #tpu.memory_space<vmem>>[vector<16xi32>], vector<16xf32>,
        %add3A_586 = arith.addf %add3A_576, %gather3A_585 : vector<16xf32>
        %add3A_587 = arith.constant 15 : i32
        %add3A_588 = vector.broadcast %add3A_587 : i32 to vector<16xi32>
        %add3A_589 = arith.addi %add3A_432, %add3A_588 : vector<16xi32>
        %gather3A_590 = tpu.vector_load_idx %arg14[%add3A_589] : memref<512xf32, #tpu.memory_space<vmem>>[vector<16xi32>], vector<16xf32>,
        %add3A_591 = arith.addf %add3A_581, %gather3A_590 : vector<16xf32>
        %add3A_592 = arith.constant 15 : i32
        %add3A_593 = vector.broadcast %add3A_592 : i32 to vector<16xi32>
        %add3A_594 = arith.addi %add3A_432, %add3A_593 : vector<16xi32>
        %gather3A_595 = tpu.vector_load_idx %arg15[%add3A_594] : memref<512xf32, #tpu.memory_space<vmem>>[vector<16xi32>], vector<16xf32>,
        %add3A_596 = arith.addf %add3A_586, %gather3A_595 : vector<16xf32>
        %convert_element_type3A_597 = arith.sitofp %add3A_426 : vector<16xi32> to vector<16xf32>
        %mul3A_598 = arith.mulf %convert_element_type3A_597, %add3A_596 : vector<16xf32>
        %sub3A = arith.subf %add3A_591, %mul3A_598 : vector<16xf32>
        %sub3A_599 = arith.constant 2.000000e+01 : f32
        %sub3A_600 = vector.broadcast %sub3A_599 : f32 to vector<16xf32>
        %sub3A_601 = arith.subf %sub3A_600, %convert_element_type3A_597 : vector<16xf32>
        %div3A = arith.divf %sub3A, %sub3A_601 : vector<16xf32>
        %mul3A_602 = arith.constant 32 : i32
        %mul3A_603 = arith.muli %scan3A_36, %mul3A_602 : i32
        %add3A_604 = arith.constant 0 : i32
        %add3A_605 = arith.addi %mul3A_603, %add3A_604 : i32
        %swap3A = arith.index_cast %add3A_605 : i32 to index
        %swap3A_606 = tpu.vector_load %arg16[%swap3A] {strides = array<i32>} : memref<512xf32, #tpu.memory_space<vmem>>, vector<16xf32>,
        tpu.vector_store %arg16[%swap3A], %div3A {strides = array<i32>} : memref<512xf32, #tpu.memory_space<vmem>>, vector<16xf32>,
        %broadcast_in_dim3A_607 = arith.constant 0 : i32
        %broadcast_in_dim3A_608 = vector.broadcast %broadcast_in_dim3A_607 : i32 to vector<16xi32>
        %mul3A_609 = arith.constant 32 : i32
        %mul3A_610 = arith.muli %scan3A_36, %mul3A_609 : i32
        %add3A_611 = arith.constant 16 : i32
        %add3A_612 = arith.addi %mul3A_610, %add3A_611 : i32
        %mul3A_613 = arith.constant 20 : i32
        %mul3A_614 = arith.muli %add3A_612, %mul3A_613 : i32
        %mul3A_615 = arith.constant 20 : i32
        %mul3A_616 = vector.broadcast %mul3A_615 : i32 to vector<16xi32>
        %mul3A_617 = arith.muli %iota3A, %mul3A_616 : vector<16xi32>
        %add3A_618 = vector.broadcast %mul3A_614 : i32 to vector<16xi32>
        %add3A_619 = arith.addi %add3A_618, %mul3A_617 : vector<16xi32>
        %add3A_620 = arith.constant 0 : i32
        %add3A_621 = vector.broadcast %add3A_620 : i32 to vector<16xi32>
        %add3A_622 = arith.addi %add3A_619, %add3A_621 : vector<16xi32>
        %gather3A_623 = tpu.vector_load_idx %arg7[%add3A_622] : memref<10240xi32, #tpu.memory_space<vmem>>[vector<16xi32>], vector<16xi32>,
        %eq3A_624 = arith.constant 0 : i32
        %eq3A_625 = vector.broadcast %eq3A_624 : i32 to vector<16xi32>
        %eq3A_626 = arith.cmpi eq, %gather3A_623, %eq3A_625 : vector<16xi32>
        %jit3A_627 = arith.constant 1 : i32
        %jit3A_628 = arith.constant 0 : i32
        %broadcast_in_dim3A_629 = vector.broadcast %jit3A_627 : i32 to vector<16xi32>
        %broadcast_in_dim3A_630 = vector.broadcast %jit3A_628 : i32 to vector<16xi32>
        %select_n3A_631 = arith.select %eq3A_626, %broadcast_in_dim3A_629, %broadcast_in_dim3A_630 : vector<16xi1>, vector<16xi32>
        %add3A_632 = arith.addi %broadcast_in_dim3A_608, %select_n3A_631 : vector<16xi32>
        %mul3A_633 = arith.constant 20 : i32
        %mul3A_634 = vector.broadcast %mul3A_633 : i32 to vector<16xi32>
        %mul3A_635 = arith.muli %iota3A, %mul3A_634 : vector<16xi32>
        %add3A_636 = vector.broadcast %mul3A_614 : i32 to vector<16xi32>
        %add3A_637 = arith.addi %add3A_636, %mul3A_635 : vector<16xi32>
        %add3A_638 = arith.constant 1 : i32
        %add3A_639 = vector.broadcast %add3A_638 : i32 to vector<16xi32>
        %add3A_640 = arith.addi %add3A_637, %add3A_639 : vector<16xi32>
        %gather3A_641 = tpu.vector_load_idx %arg7[%add3A_640] : memref<10240xi32, #tpu.memory_space<vmem>>[vector<16xi32>], vector<16xi32>,
        %eq3A_642 = arith.constant 0 : i32
        %eq3A_643 = vector.broadcast %eq3A_642 : i32 to vector<16xi32>
        %eq3A_644 = arith.cmpi eq, %gather3A_641, %eq3A_643 : vector<16xi32>
        %jit3A_645 = arith.constant 1 : i32
        %jit3A_646 = arith.constant 0 : i32
        %broadcast_in_dim3A_647 = vector.broadcast %jit3A_645 : i32 to vector<16xi32>
        %broadcast_in_dim3A_648 = vector.broadcast %jit3A_646 : i32 to vector<16xi32>
        %select_n3A_649 = arith.select %eq3A_644, %broadcast_in_dim3A_647, %broadcast_in_dim3A_648 : vector<16xi1>, vector<16xi32>
        %add3A_650 = arith.addi %add3A_632, %select_n3A_649 : vector<16xi32>
        %mul3A_651 = arith.constant 20 : i32
        %mul3A_652 = vector.broadcast %mul3A_651 : i32 to vector<16xi32>
        %mul3A_653 = arith.muli %iota3A, %mul3A_652 : vector<16xi32>
        %add3A_654 = vector.broadcast %mul3A_614 : i32 to vector<16xi32>
        %add3A_655 = arith.addi %add3A_654, %mul3A_653 : vector<16xi32>
        %add3A_656 = arith.constant 2 : i32
        %add3A_657 = vector.broadcast %add3A_656 : i32 to vector<16xi32>
        %add3A_658 = arith.addi %add3A_655, %add3A_657 : vector<16xi32>
        %gather3A_659 = tpu.vector_load_idx %arg7[%add3A_658] : memref<10240xi32, #tpu.memory_space<vmem>>[vector<16xi32>], vector<16xi32>,
        %eq3A_660 = arith.constant 0 : i32
        %eq3A_661 = vector.broadcast %eq3A_660 : i32 to vector<16xi32>
        %eq3A_662 = arith.cmpi eq, %gather3A_659, %eq3A_661 : vector<16xi32>
        %jit3A_663 = arith.constant 1 : i32
        %jit3A_664 = arith.constant 0 : i32
        %broadcast_in_dim3A_665 = vector.broadcast %jit3A_663 : i32 to vector<16xi32>
        %broadcast_in_dim3A_666 = vector.broadcast %jit3A_664 : i32 to vector<16xi32>
        %select_n3A_667 = arith.select %eq3A_662, %broadcast_in_dim3A_665, %broadcast_in_dim3A_666 : vector<16xi1>, vector<16xi32>
        %add3A_668 = arith.addi %add3A_650, %select_n3A_667 : vector<16xi32>
        %mul3A_669 = arith.constant 20 : i32
        %mul3A_670 = vector.broadcast %mul3A_669 : i32 to vector<16xi32>
        %mul3A_671 = arith.muli %iota3A, %mul3A_670 : vector<16xi32>
        %add3A_672 = vector.broadcast %mul3A_614 : i32 to vector<16xi32>
        %add3A_673 = arith.addi %add3A_672, %mul3A_671 : vector<16xi32>
        %add3A_674 = arith.constant 3 : i32
        %add3A_675 = vector.broadcast %add3A_674 : i32 to vector<16xi32>
        %add3A_676 = arith.addi %add3A_673, %add3A_675 : vector<16xi32>
        %gather3A_677 = tpu.vector_load_idx %arg7[%add3A_676] : memref<10240xi32, #tpu.memory_space<vmem>>[vector<16xi32>], vector<16xi32>,
        %eq3A_678 = arith.constant 0 : i32
        %eq3A_679 = vector.broadcast %eq3A_678 : i32 to vector<16xi32>
        %eq3A_680 = arith.cmpi eq, %gather3A_677, %eq3A_679 : vector<16xi32>
        %jit3A_681 = arith.constant 1 : i32
        %jit3A_682 = arith.constant 0 : i32
        %broadcast_in_dim3A_683 = vector.broadcast %jit3A_681 : i32 to vector<16xi32>
        %broadcast_in_dim3A_684 = vector.broadcast %jit3A_682 : i32 to vector<16xi32>
        %select_n3A_685 = arith.select %eq3A_680, %broadcast_in_dim3A_683, %broadcast_in_dim3A_684 : vector<16xi1>, vector<16xi32>
        %add3A_686 = arith.addi %add3A_668, %select_n3A_685 : vector<16xi32>
        %mul3A_687 = arith.constant 20 : i32
        %mul3A_688 = vector.broadcast %mul3A_687 : i32 to vector<16xi32>
        %mul3A_689 = arith.muli %iota3A, %mul3A_688 : vector<16xi32>
        %add3A_690 = vector.broadcast %mul3A_614 : i32 to vector<16xi32>
        %add3A_691 = arith.addi %add3A_690, %mul3A_689 : vector<16xi32>
        %add3A_692 = arith.constant 4 : i32
        %add3A_693 = vector.broadcast %add3A_692 : i32 to vector<16xi32>
        %add3A_694 = arith.addi %add3A_691, %add3A_693 : vector<16xi32>
        %gather3A_695 = tpu.vector_load_idx %arg7[%add3A_694] : memref<10240xi32, #tpu.memory_space<vmem>>[vector<16xi32>], vector<16xi32>,
        %eq3A_696 = arith.constant 0 : i32
        %eq3A_697 = vector.broadcast %eq3A_696 : i32 to vector<16xi32>
        %eq3A_698 = arith.cmpi eq, %gather3A_695, %eq3A_697 : vector<16xi32>
        %jit3A_699 = arith.constant 1 : i32
        %jit3A_700 = arith.constant 0 : i32
        %broadcast_in_dim3A_701 = vector.broadcast %jit3A_699 : i32 to vector<16xi32>
        %broadcast_in_dim3A_702 = vector.broadcast %jit3A_700 : i32 to vector<16xi32>
        %select_n3A_703 = arith.select %eq3A_698, %broadcast_in_dim3A_701, %broadcast_in_dim3A_702 : vector<16xi1>, vector<16xi32>
        %add3A_704 = arith.addi %add3A_686, %select_n3A_703 : vector<16xi32>
        %mul3A_705 = arith.constant 20 : i32
        %mul3A_706 = vector.broadcast %mul3A_705 : i32 to vector<16xi32>
        %mul3A_707 = arith.muli %iota3A, %mul3A_706 : vector<16xi32>
        %add3A_708 = vector.broadcast %mul3A_614 : i32 to vector<16xi32>
        %add3A_709 = arith.addi %add3A_708, %mul3A_707 : vector<16xi32>
        %add3A_710 = arith.constant 5 : i32
        %add3A_711 = vector.broadcast %add3A_710 : i32 to vector<16xi32>
        %add3A_712 = arith.addi %add3A_709, %add3A_711 : vector<16xi32>
        %gather3A_713 = tpu.vector_load_idx %arg7[%add3A_712] : memref<10240xi32, #tpu.memory_space<vmem>>[vector<16xi32>], vector<16xi32>,
        %eq3A_714 = arith.constant 0 : i32
        %eq3A_715 = vector.broadcast %eq3A_714 : i32 to vector<16xi32>
        %eq3A_716 = arith.cmpi eq, %gather3A_713, %eq3A_715 : vector<16xi32>
        %jit3A_717 = arith.constant 1 : i32
        %jit3A_718 = arith.constant 0 : i32
        %broadcast_in_dim3A_719 = vector.broadcast %jit3A_717 : i32 to vector<16xi32>
        %broadcast_in_dim3A_720 = vector.broadcast %jit3A_718 : i32 to vector<16xi32>
        %select_n3A_721 = arith.select %eq3A_716, %broadcast_in_dim3A_719, %broadcast_in_dim3A_720 : vector<16xi1>, vector<16xi32>
        %add3A_722 = arith.addi %add3A_704, %select_n3A_721 : vector<16xi32>
        %mul3A_723 = arith.constant 20 : i32
        %mul3A_724 = vector.broadcast %mul3A_723 : i32 to vector<16xi32>
        %mul3A_725 = arith.muli %iota3A, %mul3A_724 : vector<16xi32>
        %add3A_726 = vector.broadcast %mul3A_614 : i32 to vector<16xi32>
        %add3A_727 = arith.addi %add3A_726, %mul3A_725 : vector<16xi32>
        %add3A_728 = arith.constant 6 : i32
        %add3A_729 = vector.broadcast %add3A_728 : i32 to vector<16xi32>
        %add3A_730 = arith.addi %add3A_727, %add3A_729 : vector<16xi32>
        %gather3A_731 = tpu.vector_load_idx %arg7[%add3A_730] : memref<10240xi32, #tpu.memory_space<vmem>>[vector<16xi32>], vector<16xi32>,
        %eq3A_732 = arith.constant 0 : i32
        %eq3A_733 = vector.broadcast %eq3A_732 : i32 to vector<16xi32>
        %eq3A_734 = arith.cmpi eq, %gather3A_731, %eq3A_733 : vector<16xi32>
        %jit3A_735 = arith.constant 1 : i32
        %jit3A_736 = arith.constant 0 : i32
        %broadcast_in_dim3A_737 = vector.broadcast %jit3A_735 : i32 to vector<16xi32>
        %broadcast_in_dim3A_738 = vector.broadcast %jit3A_736 : i32 to vector<16xi32>
        %select_n3A_739 = arith.select %eq3A_734, %broadcast_in_dim3A_737, %broadcast_in_dim3A_738 : vector<16xi1>, vector<16xi32>
        %add3A_740 = arith.addi %add3A_722, %select_n3A_739 : vector<16xi32>
        %mul3A_741 = arith.constant 20 : i32
        %mul3A_742 = vector.broadcast %mul3A_741 : i32 to vector<16xi32>
        %mul3A_743 = arith.muli %iota3A, %mul3A_742 : vector<16xi32>
        %add3A_744 = vector.broadcast %mul3A_614 : i32 to vector<16xi32>
        %add3A_745 = arith.addi %add3A_744, %mul3A_743 : vector<16xi32>
        %add3A_746 = arith.constant 7 : i32
        %add3A_747 = vector.broadcast %add3A_746 : i32 to vector<16xi32>
        %add3A_748 = arith.addi %add3A_745, %add3A_747 : vector<16xi32>
        %gather3A_749 = tpu.vector_load_idx %arg7[%add3A_748] : memref<10240xi32, #tpu.memory_space<vmem>>[vector<16xi32>], vector<16xi32>,
        %eq3A_750 = arith.constant 0 : i32
        %eq3A_751 = vector.broadcast %eq3A_750 : i32 to vector<16xi32>
        %eq3A_752 = arith.cmpi eq, %gather3A_749, %eq3A_751 : vector<16xi32>
        %jit3A_753 = arith.constant 1 : i32
        %jit3A_754 = arith.constant 0 : i32
        %broadcast_in_dim3A_755 = vector.broadcast %jit3A_753 : i32 to vector<16xi32>
        %broadcast_in_dim3A_756 = vector.broadcast %jit3A_754 : i32 to vector<16xi32>
        %select_n3A_757 = arith.select %eq3A_752, %broadcast_in_dim3A_755, %broadcast_in_dim3A_756 : vector<16xi1>, vector<16xi32>
        %add3A_758 = arith.addi %add3A_740, %select_n3A_757 : vector<16xi32>
        %mul3A_759 = arith.constant 20 : i32
        %mul3A_760 = vector.broadcast %mul3A_759 : i32 to vector<16xi32>
        %mul3A_761 = arith.muli %iota3A, %mul3A_760 : vector<16xi32>
        %add3A_762 = vector.broadcast %mul3A_614 : i32 to vector<16xi32>
        %add3A_763 = arith.addi %add3A_762, %mul3A_761 : vector<16xi32>
        %add3A_764 = arith.constant 8 : i32
        %add3A_765 = vector.broadcast %add3A_764 : i32 to vector<16xi32>
        %add3A_766 = arith.addi %add3A_763, %add3A_765 : vector<16xi32>
        %gather3A_767 = tpu.vector_load_idx %arg7[%add3A_766] : memref<10240xi32, #tpu.memory_space<vmem>>[vector<16xi32>], vector<16xi32>,
        %eq3A_768 = arith.constant 0 : i32
        %eq3A_769 = vector.broadcast %eq3A_768 : i32 to vector<16xi32>
        %eq3A_770 = arith.cmpi eq, %gather3A_767, %eq3A_769 : vector<16xi32>
        %jit3A_771 = arith.constant 1 : i32
        %jit3A_772 = arith.constant 0 : i32
        %broadcast_in_dim3A_773 = vector.broadcast %jit3A_771 : i32 to vector<16xi32>
        %broadcast_in_dim3A_774 = vector.broadcast %jit3A_772 : i32 to vector<16xi32>
        %select_n3A_775 = arith.select %eq3A_770, %broadcast_in_dim3A_773, %broadcast_in_dim3A_774 : vector<16xi1>, vector<16xi32>
        %add3A_776 = arith.addi %add3A_758, %select_n3A_775 : vector<16xi32>
        %mul3A_777 = arith.constant 20 : i32
        %mul3A_778 = vector.broadcast %mul3A_777 : i32 to vector<16xi32>
        %mul3A_779 = arith.muli %iota3A, %mul3A_778 : vector<16xi32>
        %add3A_780 = vector.broadcast %mul3A_614 : i32 to vector<16xi32>
        %add3A_781 = arith.addi %add3A_780, %mul3A_779 : vector<16xi32>
        %add3A_782 = arith.constant 9 : i32
        %add3A_783 = vector.broadcast %add3A_782 : i32 to vector<16xi32>
        %add3A_784 = arith.addi %add3A_781, %add3A_783 : vector<16xi32>
        %gather3A_785 = tpu.vector_load_idx %arg7[%add3A_784] : memref<10240xi32, #tpu.memory_space<vmem>>[vector<16xi32>], vector<16xi32>,
        %eq3A_786 = arith.constant 0 : i32
        %eq3A_787 = vector.broadcast %eq3A_786 : i32 to vector<16xi32>
        %eq3A_788 = arith.cmpi eq, %gather3A_785, %eq3A_787 : vector<16xi32>
        %jit3A_789 = arith.constant 1 : i32
        %jit3A_790 = arith.constant 0 : i32
        %broadcast_in_dim3A_791 = vector.broadcast %jit3A_789 : i32 to vector<16xi32>
        %broadcast_in_dim3A_792 = vector.broadcast %jit3A_790 : i32 to vector<16xi32>
        %select_n3A_793 = arith.select %eq3A_788, %broadcast_in_dim3A_791, %broadcast_in_dim3A_792 : vector<16xi1>, vector<16xi32>
        %add3A_794 = arith.addi %add3A_776, %select_n3A_793 : vector<16xi32>
        %mul3A_795 = arith.constant 20 : i32
        %mul3A_796 = vector.broadcast %mul3A_795 : i32 to vector<16xi32>
        %mul3A_797 = arith.muli %iota3A, %mul3A_796 : vector<16xi32>
        %add3A_798 = vector.broadcast %mul3A_614 : i32 to vector<16xi32>
        %add3A_799 = arith.addi %add3A_798, %mul3A_797 : vector<16xi32>
        %add3A_800 = arith.constant 10 : i32
        %add3A_801 = vector.broadcast %add3A_800 : i32 to vector<16xi32>
        %add3A_802 = arith.addi %add3A_799, %add3A_801 : vector<16xi32>
        %gather3A_803 = tpu.vector_load_idx %arg7[%add3A_802] : memref<10240xi32, #tpu.memory_space<vmem>>[vector<16xi32>], vector<16xi32>,
        %eq3A_804 = arith.constant 0 : i32
        %eq3A_805 = vector.broadcast %eq3A_804 : i32 to vector<16xi32>
        %eq3A_806 = arith.cmpi eq, %gather3A_803, %eq3A_805 : vector<16xi32>
        %jit3A_807 = arith.constant 1 : i32
        %jit3A_808 = arith.constant 0 : i32
        %broadcast_in_dim3A_809 = vector.broadcast %jit3A_807 : i32 to vector<16xi32>
        %broadcast_in_dim3A_810 = vector.broadcast %jit3A_808 : i32 to vector<16xi32>
        %select_n3A_811 = arith.select %eq3A_806, %broadcast_in_dim3A_809, %broadcast_in_dim3A_810 : vector<16xi1>, vector<16xi32>
        %add3A_812 = arith.addi %add3A_794, %select_n3A_811 : vector<16xi32>
        %mul3A_813 = arith.constant 20 : i32
        %mul3A_814 = vector.broadcast %mul3A_813 : i32 to vector<16xi32>
        %mul3A_815 = arith.muli %iota3A, %mul3A_814 : vector<16xi32>
        %add3A_816 = vector.broadcast %mul3A_614 : i32 to vector<16xi32>
        %add3A_817 = arith.addi %add3A_816, %mul3A_815 : vector<16xi32>
        %add3A_818 = arith.constant 11 : i32
        %add3A_819 = vector.broadcast %add3A_818 : i32 to vector<16xi32>
        %add3A_820 = arith.addi %add3A_817, %add3A_819 : vector<16xi32>
        %gather3A_821 = tpu.vector_load_idx %arg7[%add3A_820] : memref<10240xi32, #tpu.memory_space<vmem>>[vector<16xi32>], vector<16xi32>,
        %eq3A_822 = arith.constant 0 : i32
        %eq3A_823 = vector.broadcast %eq3A_822 : i32 to vector<16xi32>
        %eq3A_824 = arith.cmpi eq, %gather3A_821, %eq3A_823 : vector<16xi32>
        %jit3A_825 = arith.constant 1 : i32
        %jit3A_826 = arith.constant 0 : i32
        %broadcast_in_dim3A_827 = vector.broadcast %jit3A_825 : i32 to vector<16xi32>
        %broadcast_in_dim3A_828 = vector.broadcast %jit3A_826 : i32 to vector<16xi32>
        %select_n3A_829 = arith.select %eq3A_824, %broadcast_in_dim3A_827, %broadcast_in_dim3A_828 : vector<16xi1>, vector<16xi32>
        %add3A_830 = arith.addi %add3A_812, %select_n3A_829 : vector<16xi32>
        %mul3A_831 = arith.constant 20 : i32
        %mul3A_832 = vector.broadcast %mul3A_831 : i32 to vector<16xi32>
        %mul3A_833 = arith.muli %iota3A, %mul3A_832 : vector<16xi32>
        %add3A_834 = vector.broadcast %mul3A_614 : i32 to vector<16xi32>
        %add3A_835 = arith.addi %add3A_834, %mul3A_833 : vector<16xi32>
        %add3A_836 = arith.constant 12 : i32
        %add3A_837 = vector.broadcast %add3A_836 : i32 to vector<16xi32>
        %add3A_838 = arith.addi %add3A_835, %add3A_837 : vector<16xi32>
        %gather3A_839 = tpu.vector_load_idx %arg7[%add3A_838] : memref<10240xi32, #tpu.memory_space<vmem>>[vector<16xi32>], vector<16xi32>,
        %eq3A_840 = arith.constant 0 : i32
        %eq3A_841 = vector.broadcast %eq3A_840 : i32 to vector<16xi32>
        %eq3A_842 = arith.cmpi eq, %gather3A_839, %eq3A_841 : vector<16xi32>
        %jit3A_843 = arith.constant 1 : i32
        %jit3A_844 = arith.constant 0 : i32
        %broadcast_in_dim3A_845 = vector.broadcast %jit3A_843 : i32 to vector<16xi32>
        %broadcast_in_dim3A_846 = vector.broadcast %jit3A_844 : i32 to vector<16xi32>
        %select_n3A_847 = arith.select %eq3A_842, %broadcast_in_dim3A_845, %broadcast_in_dim3A_846 : vector<16xi1>, vector<16xi32>
        %add3A_848 = arith.addi %add3A_830, %select_n3A_847 : vector<16xi32>
        %mul3A_849 = arith.constant 20 : i32
        %mul3A_850 = vector.broadcast %mul3A_849 : i32 to vector<16xi32>
        %mul3A_851 = arith.muli %iota3A, %mul3A_850 : vector<16xi32>
        %add3A_852 = vector.broadcast %mul3A_614 : i32 to vector<16xi32>
        %add3A_853 = arith.addi %add3A_852, %mul3A_851 : vector<16xi32>
        %add3A_854 = arith.constant 13 : i32
        %add3A_855 = vector.broadcast %add3A_854 : i32 to vector<16xi32>
        %add3A_856 = arith.addi %add3A_853, %add3A_855 : vector<16xi32>
        %gather3A_857 = tpu.vector_load_idx %arg7[%add3A_856] : memref<10240xi32, #tpu.memory_space<vmem>>[vector<16xi32>], vector<16xi32>,
        %eq3A_858 = arith.constant 0 : i32
        %eq3A_859 = vector.broadcast %eq3A_858 : i32 to vector<16xi32>
        %eq3A_860 = arith.cmpi eq, %gather3A_857, %eq3A_859 : vector<16xi32>
        %jit3A_861 = arith.constant 1 : i32
        %jit3A_862 = arith.constant 0 : i32
        %broadcast_in_dim3A_863 = vector.broadcast %jit3A_861 : i32 to vector<16xi32>
        %broadcast_in_dim3A_864 = vector.broadcast %jit3A_862 : i32 to vector<16xi32>
        %select_n3A_865 = arith.select %eq3A_860, %broadcast_in_dim3A_863, %broadcast_in_dim3A_864 : vector<16xi1>, vector<16xi32>
        %add3A_866 = arith.addi %add3A_848, %select_n3A_865 : vector<16xi32>
        %mul3A_867 = arith.constant 20 : i32
        %mul3A_868 = vector.broadcast %mul3A_867 : i32 to vector<16xi32>
        %mul3A_869 = arith.muli %iota3A, %mul3A_868 : vector<16xi32>
        %add3A_870 = vector.broadcast %mul3A_614 : i32 to vector<16xi32>
        %add3A_871 = arith.addi %add3A_870, %mul3A_869 : vector<16xi32>
        %add3A_872 = arith.constant 14 : i32
        %add3A_873 = vector.broadcast %add3A_872 : i32 to vector<16xi32>
        %add3A_874 = arith.addi %add3A_871, %add3A_873 : vector<16xi32>
        %gather3A_875 = tpu.vector_load_idx %arg7[%add3A_874] : memref<10240xi32, #tpu.memory_space<vmem>>[vector<16xi32>], vector<16xi32>,
        %eq3A_876 = arith.constant 0 : i32
        %eq3A_877 = vector.broadcast %eq3A_876 : i32 to vector<16xi32>
        %eq3A_878 = arith.cmpi eq, %gather3A_875, %eq3A_877 : vector<16xi32>
        %jit3A_879 = arith.constant 1 : i32
        %jit3A_880 = arith.constant 0 : i32
        %broadcast_in_dim3A_881 = vector.broadcast %jit3A_879 : i32 to vector<16xi32>
        %broadcast_in_dim3A_882 = vector.broadcast %jit3A_880 : i32 to vector<16xi32>
        %select_n3A_883 = arith.select %eq3A_878, %broadcast_in_dim3A_881, %broadcast_in_dim3A_882 : vector<16xi1>, vector<16xi32>
        %add3A_884 = arith.addi %add3A_866, %select_n3A_883 : vector<16xi32>
        %mul3A_885 = arith.constant 20 : i32
        %mul3A_886 = vector.broadcast %mul3A_885 : i32 to vector<16xi32>
        %mul3A_887 = arith.muli %iota3A, %mul3A_886 : vector<16xi32>
        %add3A_888 = vector.broadcast %mul3A_614 : i32 to vector<16xi32>
        %add3A_889 = arith.addi %add3A_888, %mul3A_887 : vector<16xi32>
        %add3A_890 = arith.constant 15 : i32
        %add3A_891 = vector.broadcast %add3A_890 : i32 to vector<16xi32>
        %add3A_892 = arith.addi %add3A_889, %add3A_891 : vector<16xi32>
        %gather3A_893 = tpu.vector_load_idx %arg7[%add3A_892] : memref<10240xi32, #tpu.memory_space<vmem>>[vector<16xi32>], vector<16xi32>,
        %eq3A_894 = arith.constant 0 : i32
        %eq3A_895 = vector.broadcast %eq3A_894 : i32 to vector<16xi32>
        %eq3A_896 = arith.cmpi eq, %gather3A_893, %eq3A_895 : vector<16xi32>
        %jit3A_897 = arith.constant 1 : i32
        %jit3A_898 = arith.constant 0 : i32
        %broadcast_in_dim3A_899 = vector.broadcast %jit3A_897 : i32 to vector<16xi32>
        %broadcast_in_dim3A_900 = vector.broadcast %jit3A_898 : i32 to vector<16xi32>
        %select_n3A_901 = arith.select %eq3A_896, %broadcast_in_dim3A_899, %broadcast_in_dim3A_900 : vector<16xi1>, vector<16xi32>
        %add3A_902 = arith.addi %add3A_884, %select_n3A_901 : vector<16xi32>
        %mul3A_903 = arith.constant 20 : i32
        %mul3A_904 = vector.broadcast %mul3A_903 : i32 to vector<16xi32>
        %mul3A_905 = arith.muli %iota3A, %mul3A_904 : vector<16xi32>
        %add3A_906 = vector.broadcast %mul3A_614 : i32 to vector<16xi32>
        %add3A_907 = arith.addi %add3A_906, %mul3A_905 : vector<16xi32>
        %add3A_908 = arith.constant 16 : i32
        %add3A_909 = vector.broadcast %add3A_908 : i32 to vector<16xi32>
        %add3A_910 = arith.addi %add3A_907, %add3A_909 : vector<16xi32>
        %gather3A_911 = tpu.vector_load_idx %arg7[%add3A_910] : memref<10240xi32, #tpu.memory_space<vmem>>[vector<16xi32>], vector<16xi32>,
        %eq3A_912 = arith.constant 0 : i32
        %eq3A_913 = vector.broadcast %eq3A_912 : i32 to vector<16xi32>
        %eq3A_914 = arith.cmpi eq, %gather3A_911, %eq3A_913 : vector<16xi32>
        %jit3A_915 = arith.constant 1 : i32
        %jit3A_916 = arith.constant 0 : i32
        %broadcast_in_dim3A_917 = vector.broadcast %jit3A_915 : i32 to vector<16xi32>
        %broadcast_in_dim3A_918 = vector.broadcast %jit3A_916 : i32 to vector<16xi32>
        %select_n3A_919 = arith.select %eq3A_914, %broadcast_in_dim3A_917, %broadcast_in_dim3A_918 : vector<16xi1>, vector<16xi32>
        %add3A_920 = arith.addi %add3A_902, %select_n3A_919 : vector<16xi32>
        %mul3A_921 = arith.constant 20 : i32
        %mul3A_922 = vector.broadcast %mul3A_921 : i32 to vector<16xi32>
        %mul3A_923 = arith.muli %iota3A, %mul3A_922 : vector<16xi32>
        %add3A_924 = vector.broadcast %mul3A_614 : i32 to vector<16xi32>
        %add3A_925 = arith.addi %add3A_924, %mul3A_923 : vector<16xi32>
        %add3A_926 = arith.constant 17 : i32
        %add3A_927 = vector.broadcast %add3A_926 : i32 to vector<16xi32>
        %add3A_928 = arith.addi %add3A_925, %add3A_927 : vector<16xi32>
        %gather3A_929 = tpu.vector_load_idx %arg7[%add3A_928] : memref<10240xi32, #tpu.memory_space<vmem>>[vector<16xi32>], vector<16xi32>,
        %eq3A_930 = arith.constant 0 : i32
        %eq3A_931 = vector.broadcast %eq3A_930 : i32 to vector<16xi32>
        %eq3A_932 = arith.cmpi eq, %gather3A_929, %eq3A_931 : vector<16xi32>
        %jit3A_933 = arith.constant 1 : i32
        %jit3A_934 = arith.constant 0 : i32
        %broadcast_in_dim3A_935 = vector.broadcast %jit3A_933 : i32 to vector<16xi32>
        %broadcast_in_dim3A_936 = vector.broadcast %jit3A_934 : i32 to vector<16xi32>
        %select_n3A_937 = arith.select %eq3A_932, %broadcast_in_dim3A_935, %broadcast_in_dim3A_936 : vector<16xi1>, vector<16xi32>
        %add3A_938 = arith.addi %add3A_920, %select_n3A_937 : vector<16xi32>
        %mul3A_939 = arith.constant 20 : i32
        %mul3A_940 = vector.broadcast %mul3A_939 : i32 to vector<16xi32>
        %mul3A_941 = arith.muli %iota3A, %mul3A_940 : vector<16xi32>
        %add3A_942 = vector.broadcast %mul3A_614 : i32 to vector<16xi32>
        %add3A_943 = arith.addi %add3A_942, %mul3A_941 : vector<16xi32>
        %add3A_944 = arith.constant 18 : i32
        %add3A_945 = vector.broadcast %add3A_944 : i32 to vector<16xi32>
        %add3A_946 = arith.addi %add3A_943, %add3A_945 : vector<16xi32>
        %gather3A_947 = tpu.vector_load_idx %arg7[%add3A_946] : memref<10240xi32, #tpu.memory_space<vmem>>[vector<16xi32>], vector<16xi32>,
        %eq3A_948 = arith.constant 0 : i32
        %eq3A_949 = vector.broadcast %eq3A_948 : i32 to vector<16xi32>
        %eq3A_950 = arith.cmpi eq, %gather3A_947, %eq3A_949 : vector<16xi32>
        %jit3A_951 = arith.constant 1 : i32
        %jit3A_952 = arith.constant 0 : i32
        %broadcast_in_dim3A_953 = vector.broadcast %jit3A_951 : i32 to vector<16xi32>
        %broadcast_in_dim3A_954 = vector.broadcast %jit3A_952 : i32 to vector<16xi32>
        %select_n3A_955 = arith.select %eq3A_950, %broadcast_in_dim3A_953, %broadcast_in_dim3A_954 : vector<16xi1>, vector<16xi32>
        %add3A_956 = arith.addi %add3A_938, %select_n3A_955 : vector<16xi32>
        %mul3A_957 = arith.constant 20 : i32
        %mul3A_958 = vector.broadcast %mul3A_957 : i32 to vector<16xi32>
        %mul3A_959 = arith.muli %iota3A, %mul3A_958 : vector<16xi32>
        %add3A_960 = vector.broadcast %mul3A_614 : i32 to vector<16xi32>
        %add3A_961 = arith.addi %add3A_960, %mul3A_959 : vector<16xi32>
        %add3A_962 = arith.constant 19 : i32
        %add3A_963 = vector.broadcast %add3A_962 : i32 to vector<16xi32>
        %add3A_964 = arith.addi %add3A_961, %add3A_963 : vector<16xi32>
        %gather3A_965 = tpu.vector_load_idx %arg7[%add3A_964] : memref<10240xi32, #tpu.memory_space<vmem>>[vector<16xi32>], vector<16xi32>,
        %eq3A_966 = arith.constant 0 : i32
        %eq3A_967 = vector.broadcast %eq3A_966 : i32 to vector<16xi32>
        %eq3A_968 = arith.cmpi eq, %gather3A_965, %eq3A_967 : vector<16xi32>
        %jit3A_969 = arith.constant 1 : i32
        %jit3A_970 = arith.constant 0 : i32
        %broadcast_in_dim3A_971 = vector.broadcast %jit3A_969 : i32 to vector<16xi32>
        %broadcast_in_dim3A_972 = vector.broadcast %jit3A_970 : i32 to vector<16xi32>
        %select_n3A_973 = arith.select %eq3A_968, %broadcast_in_dim3A_971, %broadcast_in_dim3A_972 : vector<16xi1>, vector<16xi32>
        %add3A_974 = arith.addi %add3A_956, %select_n3A_973 : vector<16xi32>
        %mul3A_975 = arith.constant 16 : i32
        %mul3A_976 = vector.broadcast %mul3A_975 : i32 to vector<16xi32>
        %mul3A_977 = arith.muli %iota3A, %mul3A_976 : vector<16xi32>
        %add3A_978 = arith.constant 256 : i32
        %add3A_979 = vector.broadcast %add3A_978 : i32 to vector<16xi32>
        %add3A_980 = arith.addi %add3A_979, %mul3A_977 : vector<16xi32>
        %broadcast_in_dim3A_981 = arith.constant 0.000000e+00 : f32
        %broadcast_in_dim3A_982 = vector.broadcast %broadcast_in_dim3A_981 : f32 to vector<16xf32>
        %broadcast_in_dim3A_983 = arith.constant 0.000000e+00 : f32
        %broadcast_in_dim3A_984 = vector.broadcast %broadcast_in_dim3A_983 : f32 to vector<16xf32>
        %add3A_985 = arith.constant 0 : i32
        %add3A_986 = vector.broadcast %add3A_985 : i32 to vector<16xi32>
        %add3A_987 = arith.addi %add3A_980, %add3A_986 : vector<16xi32>
        %gather3A_988 = tpu.vector_load_idx %arg14[%add3A_987] : memref<512xf32, #tpu.memory_space<vmem>>[vector<16xi32>], vector<16xf32>,
        %add3A_989 = arith.addf %broadcast_in_dim3A_982, %gather3A_988 : vector<16xf32>
        %add3A_990 = arith.constant 0 : i32
        %add3A_991 = vector.broadcast %add3A_990 : i32 to vector<16xi32>
        %add3A_992 = arith.addi %add3A_980, %add3A_991 : vector<16xi32>
        %gather3A_993 = tpu.vector_load_idx %arg15[%add3A_992] : memref<512xf32, #tpu.memory_space<vmem>>[vector<16xi32>], vector<16xf32>,
        %add3A_994 = arith.addf %broadcast_in_dim3A_984, %gather3A_993 : vector<16xf32>
        %add3A_995 = arith.constant 1 : i32
        %add3A_996 = vector.broadcast %add3A_995 : i32 to vector<16xi32>
        %add3A_997 = arith.addi %add3A_980, %add3A_996 : vector<16xi32>
        %gather3A_998 = tpu.vector_load_idx %arg14[%add3A_997] : memref<512xf32, #tpu.memory_space<vmem>>[vector<16xi32>], vector<16xf32>,
        %add3A_999 = arith.addf %add3A_989, %gather3A_998 : vector<16xf32>
        %add3A_1000 = arith.constant 1 : i32
        %add3A_1001 = vector.broadcast %add3A_1000 : i32 to vector<16xi32>
        %add3A_1002 = arith.addi %add3A_980, %add3A_1001 : vector<16xi32>
        %gather3A_1003 = tpu.vector_load_idx %arg15[%add3A_1002] : memref<512xf32, #tpu.memory_space<vmem>>[vector<16xi32>], vector<16xf32>,
        %add3A_1004 = arith.addf %add3A_994, %gather3A_1003 : vector<16xf32>
        %add3A_1005 = arith.constant 2 : i32
        %add3A_1006 = vector.broadcast %add3A_1005 : i32 to vector<16xi32>
        %add3A_1007 = arith.addi %add3A_980, %add3A_1006 : vector<16xi32>
        %gather3A_1008 = tpu.vector_load_idx %arg14[%add3A_1007] : memref<512xf32, #tpu.memory_space<vmem>>[vector<16xi32>], vector<16xf32>,
        %add3A_1009 = arith.addf %add3A_999, %gather3A_1008 : vector<16xf32>
        %add3A_1010 = arith.constant 2 : i32
        %add3A_1011 = vector.broadcast %add3A_1010 : i32 to vector<16xi32>
        %add3A_1012 = arith.addi %add3A_980, %add3A_1011 : vector<16xi32>
        %gather3A_1013 = tpu.vector_load_idx %arg15[%add3A_1012] : memref<512xf32, #tpu.memory_space<vmem>>[vector<16xi32>], vector<16xf32>,
        %add3A_1014 = arith.addf %add3A_1004, %gather3A_1013 : vector<16xf32>
        %add3A_1015 = arith.constant 3 : i32
        %add3A_1016 = vector.broadcast %add3A_1015 : i32 to vector<16xi32>
        %add3A_1017 = arith.addi %add3A_980, %add3A_1016 : vector<16xi32>
        %gather3A_1018 = tpu.vector_load_idx %arg14[%add3A_1017] : memref<512xf32, #tpu.memory_space<vmem>>[vector<16xi32>], vector<16xf32>,
        %add3A_1019 = arith.addf %add3A_1009, %gather3A_1018 : vector<16xf32>
        %add3A_1020 = arith.constant 3 : i32
        %add3A_1021 = vector.broadcast %add3A_1020 : i32 to vector<16xi32>
        %add3A_1022 = arith.addi %add3A_980, %add3A_1021 : vector<16xi32>
        %gather3A_1023 = tpu.vector_load_idx %arg15[%add3A_1022] : memref<512xf32, #tpu.memory_space<vmem>>[vector<16xi32>], vector<16xf32>,
        %add3A_1024 = arith.addf %add3A_1014, %gather3A_1023 : vector<16xf32>
        %add3A_1025 = arith.constant 4 : i32
        %add3A_1026 = vector.broadcast %add3A_1025 : i32 to vector<16xi32>
        %add3A_1027 = arith.addi %add3A_980, %add3A_1026 : vector<16xi32>
        %gather3A_1028 = tpu.vector_load_idx %arg14[%add3A_1027] : memref<512xf32, #tpu.memory_space<vmem>>[vector<16xi32>], vector<16xf32>,
        %add3A_1029 = arith.addf %add3A_1019, %gather3A_1028 : vector<16xf32>
        %add3A_1030 = arith.constant 4 : i32
        %add3A_1031 = vector.broadcast %add3A_1030 : i32 to vector<16xi32>
        %add3A_1032 = arith.addi %add3A_980, %add3A_1031 : vector<16xi32>
        %gather3A_1033 = tpu.vector_load_idx %arg15[%add3A_1032] : memref<512xf32, #tpu.memory_space<vmem>>[vector<16xi32>], vector<16xf32>,
        %add3A_1034 = arith.addf %add3A_1024, %gather3A_1033 : vector<16xf32>
        %add3A_1035 = arith.constant 5 : i32
        %add3A_1036 = vector.broadcast %add3A_1035 : i32 to vector<16xi32>
        %add3A_1037 = arith.addi %add3A_980, %add3A_1036 : vector<16xi32>
        %gather3A_1038 = tpu.vector_load_idx %arg14[%add3A_1037] : memref<512xf32, #tpu.memory_space<vmem>>[vector<16xi32>], vector<16xf32>,
        %add3A_1039 = arith.addf %add3A_1029, %gather3A_1038 : vector<16xf32>
        %add3A_1040 = arith.constant 5 : i32
        %add3A_1041 = vector.broadcast %add3A_1040 : i32 to vector<16xi32>
        %add3A_1042 = arith.addi %add3A_980, %add3A_1041 : vector<16xi32>
        %gather3A_1043 = tpu.vector_load_idx %arg15[%add3A_1042] : memref<512xf32, #tpu.memory_space<vmem>>[vector<16xi32>], vector<16xf32>,
        %add3A_1044 = arith.addf %add3A_1034, %gather3A_1043 : vector<16xf32>
        %add3A_1045 = arith.constant 6 : i32
        %add3A_1046 = vector.broadcast %add3A_1045 : i32 to vector<16xi32>
        %add3A_1047 = arith.addi %add3A_980, %add3A_1046 : vector<16xi32>
        %gather3A_1048 = tpu.vector_load_idx %arg14[%add3A_1047] : memref<512xf32, #tpu.memory_space<vmem>>[vector<16xi32>], vector<16xf32>,
        %add3A_1049 = arith.addf %add3A_1039, %gather3A_1048 : vector<16xf32>
        %add3A_1050 = arith.constant 6 : i32
        %add3A_1051 = vector.broadcast %add3A_1050 : i32 to vector<16xi32>
        %add3A_1052 = arith.addi %add3A_980, %add3A_1051 : vector<16xi32>
        %gather3A_1053 = tpu.vector_load_idx %arg15[%add3A_1052] : memref<512xf32, #tpu.memory_space<vmem>>[vector<16xi32>], vector<16xf32>,
        %add3A_1054 = arith.addf %add3A_1044, %gather3A_1053 : vector<16xf32>
        %add3A_1055 = arith.constant 7 : i32
        %add3A_1056 = vector.broadcast %add3A_1055 : i32 to vector<16xi32>
        %add3A_1057 = arith.addi %add3A_980, %add3A_1056 : vector<16xi32>
        %gather3A_1058 = tpu.vector_load_idx %arg14[%add3A_1057] : memref<512xf32, #tpu.memory_space<vmem>>[vector<16xi32>], vector<16xf32>,
        %add3A_1059 = arith.addf %add3A_1049, %gather3A_1058 : vector<16xf32>
        %add3A_1060 = arith.constant 7 : i32
        %add3A_1061 = vector.broadcast %add3A_1060 : i32 to vector<16xi32>
        %add3A_1062 = arith.addi %add3A_980, %add3A_1061 : vector<16xi32>
        %gather3A_1063 = tpu.vector_load_idx %arg15[%add3A_1062] : memref<512xf32, #tpu.memory_space<vmem>>[vector<16xi32>], vector<16xf32>,
        %add3A_1064 = arith.addf %add3A_1054, %gather3A_1063 : vector<16xf32>
        %add3A_1065 = arith.constant 8 : i32
        %add3A_1066 = vector.broadcast %add3A_1065 : i32 to vector<16xi32>
        %add3A_1067 = arith.addi %add3A_980, %add3A_1066 : vector<16xi32>
        %gather3A_1068 = tpu.vector_load_idx %arg14[%add3A_1067] : memref<512xf32, #tpu.memory_space<vmem>>[vector<16xi32>], vector<16xf32>,
        %add3A_1069 = arith.addf %add3A_1059, %gather3A_1068 : vector<16xf32>
        %add3A_1070 = arith.constant 8 : i32
        %add3A_1071 = vector.broadcast %add3A_1070 : i32 to vector<16xi32>
        %add3A_1072 = arith.addi %add3A_980, %add3A_1071 : vector<16xi32>
        %gather3A_1073 = tpu.vector_load_idx %arg15[%add3A_1072] : memref<512xf32, #tpu.memory_space<vmem>>[vector<16xi32>], vector<16xf32>,
        %add3A_1074 = arith.addf %add3A_1064, %gather3A_1073 : vector<16xf32>
        %add3A_1075 = arith.constant 9 : i32
        %add3A_1076 = vector.broadcast %add3A_1075 : i32 to vector<16xi32>
        %add3A_1077 = arith.addi %add3A_980, %add3A_1076 : vector<16xi32>
        %gather3A_1078 = tpu.vector_load_idx %arg14[%add3A_1077] : memref<512xf32, #tpu.memory_space<vmem>>[vector<16xi32>], vector<16xf32>,
        %add3A_1079 = arith.addf %add3A_1069, %gather3A_1078 : vector<16xf32>
        %add3A_1080 = arith.constant 9 : i32
        %add3A_1081 = vector.broadcast %add3A_1080 : i32 to vector<16xi32>
        %add3A_1082 = arith.addi %add3A_980, %add3A_1081 : vector<16xi32>
        %gather3A_1083 = tpu.vector_load_idx %arg15[%add3A_1082] : memref<512xf32, #tpu.memory_space<vmem>>[vector<16xi32>], vector<16xf32>,
        %add3A_1084 = arith.addf %add3A_1074, %gather3A_1083 : vector<16xf32>
        %add3A_1085 = arith.constant 10 : i32
        %add3A_1086 = vector.broadcast %add3A_1085 : i32 to vector<16xi32>
        %add3A_1087 = arith.addi %add3A_980, %add3A_1086 : vector<16xi32>
        %gather3A_1088 = tpu.vector_load_idx %arg14[%add3A_1087] : memref<512xf32, #tpu.memory_space<vmem>>[vector<16xi32>], vector<16xf32>,
        %add3A_1089 = arith.addf %add3A_1079, %gather3A_1088 : vector<16xf32>
        %add3A_1090 = arith.constant 10 : i32
        %add3A_1091 = vector.broadcast %add3A_1090 : i32 to vector<16xi32>
        %add3A_1092 = arith.addi %add3A_980, %add3A_1091 : vector<16xi32>
        %gather3A_1093 = tpu.vector_load_idx %arg15[%add3A_1092] : memref<512xf32, #tpu.memory_space<vmem>>[vector<16xi32>], vector<16xf32>,
        %add3A_1094 = arith.addf %add3A_1084, %gather3A_1093 : vector<16xf32>
        %add3A_1095 = arith.constant 11 : i32
        %add3A_1096 = vector.broadcast %add3A_1095 : i32 to vector<16xi32>
        %add3A_1097 = arith.addi %add3A_980, %add3A_1096 : vector<16xi32>
        %gather3A_1098 = tpu.vector_load_idx %arg14[%add3A_1097] : memref<512xf32, #tpu.memory_space<vmem>>[vector<16xi32>], vector<16xf32>,
        %add3A_1099 = arith.addf %add3A_1089, %gather3A_1098 : vector<16xf32>
        %add3A_1100 = arith.constant 11 : i32
        %add3A_1101 = vector.broadcast %add3A_1100 : i32 to vector<16xi32>
        %add3A_1102 = arith.addi %add3A_980, %add3A_1101 : vector<16xi32>
        %gather3A_1103 = tpu.vector_load_idx %arg15[%add3A_1102] : memref<512xf32, #tpu.memory_space<vmem>>[vector<16xi32>], vector<16xf32>,
        %add3A_1104 = arith.addf %add3A_1094, %gather3A_1103 : vector<16xf32>
        %add3A_1105 = arith.constant 12 : i32
        %add3A_1106 = vector.broadcast %add3A_1105 : i32 to vector<16xi32>
        %add3A_1107 = arith.addi %add3A_980, %add3A_1106 : vector<16xi32>
        %gather3A_1108 = tpu.vector_load_idx %arg14[%add3A_1107] : memref<512xf32, #tpu.memory_space<vmem>>[vector<16xi32>], vector<16xf32>,
        %add3A_1109 = arith.addf %add3A_1099, %gather3A_1108 : vector<16xf32>
        %add3A_1110 = arith.constant 12 : i32
        %add3A_1111 = vector.broadcast %add3A_1110 : i32 to vector<16xi32>
        %add3A_1112 = arith.addi %add3A_980, %add3A_1111 : vector<16xi32>
        %gather3A_1113 = tpu.vector_load_idx %arg15[%add3A_1112] : memref<512xf32, #tpu.memory_space<vmem>>[vector<16xi32>], vector<16xf32>,
        %add3A_1114 = arith.addf %add3A_1104, %gather3A_1113 : vector<16xf32>
        %add3A_1115 = arith.constant 13 : i32
        %add3A_1116 = vector.broadcast %add3A_1115 : i32 to vector<16xi32>
        %add3A_1117 = arith.addi %add3A_980, %add3A_1116 : vector<16xi32>
        %gather3A_1118 = tpu.vector_load_idx %arg14[%add3A_1117] : memref<512xf32, #tpu.memory_space<vmem>>[vector<16xi32>], vector<16xf32>,
        %add3A_1119 = arith.addf %add3A_1109, %gather3A_1118 : vector<16xf32>
        %add3A_1120 = arith.constant 13 : i32
        %add3A_1121 = vector.broadcast %add3A_1120 : i32 to vector<16xi32>
        %add3A_1122 = arith.addi %add3A_980, %add3A_1121 : vector<16xi32>
        %gather3A_1123 = tpu.vector_load_idx %arg15[%add3A_1122] : memref<512xf32, #tpu.memory_space<vmem>>[vector<16xi32>], vector<16xf32>,
        %add3A_1124 = arith.addf %add3A_1114, %gather3A_1123 : vector<16xf32>
        %add3A_1125 = arith.constant 14 : i32
        %add3A_1126 = vector.broadcast %add3A_1125 : i32 to vector<16xi32>
        %add3A_1127 = arith.addi %add3A_980, %add3A_1126 : vector<16xi32>
        %gather3A_1128 = tpu.vector_load_idx %arg14[%add3A_1127] : memref<512xf32, #tpu.memory_space<vmem>>[vector<16xi32>], vector<16xf32>,
        %add3A_1129 = arith.addf %add3A_1119, %gather3A_1128 : vector<16xf32>
        %add3A_1130 = arith.constant 14 : i32
        %add3A_1131 = vector.broadcast %add3A_1130 : i32 to vector<16xi32>
        %add3A_1132 = arith.addi %add3A_980, %add3A_1131 : vector<16xi32>
        %gather3A_1133 = tpu.vector_load_idx %arg15[%add3A_1132] : memref<512xf32, #tpu.memory_space<vmem>>[vector<16xi32>], vector<16xf32>,
        %add3A_1134 = arith.addf %add3A_1124, %gather3A_1133 : vector<16xf32>
        %add3A_1135 = arith.constant 15 : i32
        %add3A_1136 = vector.broadcast %add3A_1135 : i32 to vector<16xi32>
        %add3A_1137 = arith.addi %add3A_980, %add3A_1136 : vector<16xi32>
        %gather3A_1138 = tpu.vector_load_idx %arg14[%add3A_1137] : memref<512xf32, #tpu.memory_space<vmem>>[vector<16xi32>], vector<16xf32>,
        %add3A_1139 = arith.addf %add3A_1129, %gather3A_1138 : vector<16xf32>
        %add3A_1140 = arith.constant 15 : i32
        %add3A_1141 = vector.broadcast %add3A_1140 : i32 to vector<16xi32>
        %add3A_1142 = arith.addi %add3A_980, %add3A_1141 : vector<16xi32>
        %gather3A_1143 = tpu.vector_load_idx %arg15[%add3A_1142] : memref<512xf32, #tpu.memory_space<vmem>>[vector<16xi32>], vector<16xf32>,
        %add3A_1144 = arith.addf %add3A_1134, %gather3A_1143 : vector<16xf32>
        %convert_element_type3A_1145 = arith.sitofp %add3A_974 : vector<16xi32> to vector<16xf32>
        %mul3A_1146 = arith.mulf %convert_element_type3A_1145, %add3A_1144 : vector<16xf32>
        %sub3A_1147 = arith.subf %add3A_1139, %mul3A_1146 : vector<16xf32>
        %sub3A_1148 = arith.constant 2.000000e+01 : f32
        %sub3A_1149 = vector.broadcast %sub3A_1148 : f32 to vector<16xf32>
        %sub3A_1150 = arith.subf %sub3A_1149, %convert_element_type3A_1145 : vector<16xf32>
        %div3A_1151 = arith.divf %sub3A_1147, %sub3A_1150 : vector<16xf32>
        %mul3A_1152 = arith.constant 32 : i32
        %mul3A_1153 = arith.muli %scan3A_36, %mul3A_1152 : i32
        %add3A_1154 = arith.constant 16 : i32
        %add3A_1155 = arith.addi %mul3A_1153, %add3A_1154 : i32
        %swap3A_1156 = arith.index_cast %add3A_1155 : i32 to index
        %swap3A_1157 = tpu.vector_load %arg16[%swap3A_1156] {strides = array<i32>} : memref<512xf32, #tpu.memory_space<vmem>>, vector<16xf32>,
        tpu.vector_store %arg16[%swap3A_1156], %div3A_1151 {strides = array<i32>} : memref<512xf32, #tpu.memory_space<vmem>>, vector<16xf32>,
      } else {
        %mul3A_40 = arith.constant 640 : i32
        %mul3A_41 = arith.muli %scan3A_36, %mul3A_40 : i32
        %mul3A_42 = arith.constant 32 : i32
        %mul3A_43 = arith.muli %scan3A_36, %mul3A_42 : i32
        %dma_wait3A = tpu.memref_slice %arg7[%mul3A_41] : memref<10240xi32, #tpu.memory_space<vmem>> -> memref<640xi32, #tpu.memory_space<vmem>>
        %dma_wait3A_44 = arith.constant 0 : i32
        %dma_wait3A_45 = arith.constant 0 : i32
        %dma_wait3A_46 = tpu.memref_slice %arg4[%dma_wait3A_44, %dma_wait3A_45] : memref<100000x64xf32, #tpu.memory_space<hbm>> -> memref<100000x64xf32, #tpu.memory_space<hbm>>
        tpu.wait_indirect_dma semaphore(%arg18 : memref<!tpu.dma_semaphore, #tpu.memory_space<semaphore_mem>>) src(%dma_wait3A_46 : memref<100000x64xf32, #tpu.memory_space<hbm>>) dst(%arg10 : memref<640x64xf32, #tpu.memory_space<vmem>>)
        %dma_wait3A_47 = tpu.memref_slice %arg8[%mul3A_43] : memref<512xi32, #tpu.memory_space<vmem>> -> memref<32xi32, #tpu.memory_space<vmem>>
        %dma_wait3A_48 = arith.constant 0 : i32
        %dma_wait3A_49 = arith.constant 0 : i32
        %dma_wait3A_50 = tpu.memref_slice %arg5[%dma_wait3A_48, %dma_wait3A_49] : memref<100000x64xf32, #tpu.memory_space<hbm>> -> memref<100000x64xf32, #tpu.memory_space<hbm>>
        tpu.wait_indirect_dma semaphore(%arg18 : memref<!tpu.dma_semaphore, #tpu.memory_space<semaphore_mem>>) src(%dma_wait3A_50 : memref<100000x64xf32, #tpu.memory_space<hbm>>) dst(%arg12 : memref<32x64xf32, #tpu.memory_space<vmem>>)
        %add3A_51 = arith.constant 1 : i32
        %add3A_52 = arith.addi %scan3A_36, %add3A_51 : i32
        %lt3A = arith.constant 16 : i32
        %lt3A_53 = arith.cmpi slt, %add3A_52, %lt3A : i32
        %convert_element_type3A_54 = arith.extui %lt3A_53 : i1 to i32
        %cond3A_55 = arith.constant 0 : i32
        %cond3A_56 = arith.cmpi ne, %convert_element_type3A_54, %cond3A_55 : i32
        scf.if %cond3A_56 {
          %add3A_1158 = arith.constant 1 : i32
          %add3A_1159 = arith.addi %scan3A_36, %add3A_1158 : i32
          %mul3A_1160 = arith.constant 640 : i32
          %mul3A_1161 = arith.muli %add3A_1159, %mul3A_1160 : i32
          %mul3A_1162 = arith.constant 32 : i32
          %mul3A_1163 = arith.muli %add3A_1159, %mul3A_1162 : i32
          %dma_start3A_1164 = tpu.memref_slice %arg7[%mul3A_1161] : memref<10240xi32, #tpu.memory_space<vmem>> -> memref<640xi32, #tpu.memory_space<vmem>>
          %dma_start3A_1165 = arith.constant 0 : i32
          %dma_start3A_1166 = arith.constant 0 : i32
          %dma_start3A_1167 = tpu.memref_slice %arg4[%dma_start3A_1165, %dma_start3A_1166] : memref<100000x64xf32, #tpu.memory_space<hbm>> -> memref<100000x64xf32, #tpu.memory_space<hbm>>
          tpu.enqueue_indirect_dma source(%dma_start3A_1167 : memref<100000x64xf32, #tpu.memory_space<hbm>>) target(%arg9 : memref<640x64xf32, #tpu.memory_space<vmem>>) offsets(%dma_start3A_1164 : memref<640xi32, #tpu.memory_space<vmem>>) semaphore(%arg17 : memref<!tpu.dma_semaphore, #tpu.memory_space<semaphore_mem>>)
          %dma_start3A_1168 = tpu.memref_slice %arg8[%mul3A_1163] : memref<512xi32, #tpu.memory_space<vmem>> -> memref<32xi32, #tpu.memory_space<vmem>>
          %dma_start3A_1169 = arith.constant 0 : i32
          %dma_start3A_1170 = arith.constant 0 : i32
          %dma_start3A_1171 = tpu.memref_slice %arg5[%dma_start3A_1169, %dma_start3A_1170] : memref<100000x64xf32, #tpu.memory_space<hbm>> -> memref<100000x64xf32, #tpu.memory_space<hbm>>
          tpu.enqueue_indirect_dma source(%dma_start3A_1171 : memref<100000x64xf32, #tpu.memory_space<hbm>>) target(%arg11 : memref<32x64xf32, #tpu.memory_space<vmem>>) offsets(%dma_start3A_1168 : memref<32xi32, #tpu.memory_space<vmem>>) semaphore(%arg17 : memref<!tpu.dma_semaphore, #tpu.memory_space<semaphore_mem>>)
        } else {
        }
        %scan3A_57 = arith.constant 0 : i32
        %scan3A_58 = arith.constant 0 : i32
        %scan3A_59 = arith.constant 32 : i32
        %scan3A_60 = arith.addi %scan3A_58, %scan3A_59 : i32
        %scan3A_61 = arith.constant 1 : i32
        scf.for %scan3A_1158 = %scan3A_58 to %scan3A_60 step %scan3A_61  : i32 {
          %mul3A_1159 = arith.constant 20 : i32
          %mul3A_1160 = arith.muli %scan3A_1158, %mul3A_1159 : i32
          %get3A_1161 = arith.index_cast %mul3A_1160 : i32 to index
          %get3A_1162 = arith.constant 0 : index
          %get3A_1163 = tpu.vector_load %arg10[%get3A_1161, %get3A_1162] {strides = array<i32>} : memref<640x64xf32, #tpu.memory_space<vmem>>, vector<16xf32>,
          %get3A_1164 = arith.index_cast %mul3A_1160 : i32 to index
          %get3A_1165 = arith.constant 16 : index
          %get3A_1166 = tpu.vector_load %arg10[%get3A_1164, %get3A_1165] {strides = array<i32>} : memref<640x64xf32, #tpu.memory_space<vmem>>, vector<16xf32>,
          %get3A_1167 = arith.index_cast %mul3A_1160 : i32 to index
          %get3A_1168 = arith.constant 32 : index
          %get3A_1169 = tpu.vector_load %arg10[%get3A_1167, %get3A_1168] {strides = array<i32>} : memref<640x64xf32, #tpu.memory_space<vmem>>, vector<16xf32>,
          %get3A_1170 = arith.index_cast %mul3A_1160 : i32 to index
          %get3A_1171 = arith.constant 48 : index
          %get3A_1172 = tpu.vector_load %arg10[%get3A_1170, %get3A_1171] {strides = array<i32>} : memref<640x64xf32, #tpu.memory_space<vmem>>, vector<16xf32>,
          %add3A_1173 = arith.constant 1 : i32
          %add3A_1174 = arith.addi %mul3A_1160, %add3A_1173 : i32
          %get3A_1175 = arith.index_cast %add3A_1174 : i32 to index
          %get3A_1176 = arith.constant 0 : index
          %get3A_1177 = tpu.vector_load %arg10[%get3A_1175, %get3A_1176] {strides = array<i32>} : memref<640x64xf32, #tpu.memory_space<vmem>>, vector<16xf32>,
          %add3A_1178 = arith.addf %get3A_1163, %get3A_1177 : vector<16xf32>
          %add3A_1179 = arith.constant 1 : i32
          %add3A_1180 = arith.addi %mul3A_1160, %add3A_1179 : i32
          %get3A_1181 = arith.index_cast %add3A_1180 : i32 to index
          %get3A_1182 = arith.constant 16 : index
          %get3A_1183 = tpu.vector_load %arg10[%get3A_1181, %get3A_1182] {strides = array<i32>} : memref<640x64xf32, #tpu.memory_space<vmem>>, vector<16xf32>,
          %add3A_1184 = arith.addf %get3A_1166, %get3A_1183 : vector<16xf32>
          %add3A_1185 = arith.constant 1 : i32
          %add3A_1186 = arith.addi %mul3A_1160, %add3A_1185 : i32
          %get3A_1187 = arith.index_cast %add3A_1186 : i32 to index
          %get3A_1188 = arith.constant 32 : index
          %get3A_1189 = tpu.vector_load %arg10[%get3A_1187, %get3A_1188] {strides = array<i32>} : memref<640x64xf32, #tpu.memory_space<vmem>>, vector<16xf32>,
          %add3A_1190 = arith.addf %get3A_1169, %get3A_1189 : vector<16xf32>
          %add3A_1191 = arith.constant 1 : i32
          %add3A_1192 = arith.addi %mul3A_1160, %add3A_1191 : i32
          %get3A_1193 = arith.index_cast %add3A_1192 : i32 to index
          %get3A_1194 = arith.constant 48 : index
          %get3A_1195 = tpu.vector_load %arg10[%get3A_1193, %get3A_1194] {strides = array<i32>} : memref<640x64xf32, #tpu.memory_space<vmem>>, vector<16xf32>,
          %add3A_1196 = arith.addf %get3A_1172, %get3A_1195 : vector<16xf32>
          %add3A_1197 = arith.constant 2 : i32
          %add3A_1198 = arith.addi %mul3A_1160, %add3A_1197 : i32
          %get3A_1199 = arith.index_cast %add3A_1198 : i32 to index
          %get3A_1200 = arith.constant 0 : index
          %get3A_1201 = tpu.vector_load %arg10[%get3A_1199, %get3A_1200] {strides = array<i32>} : memref<640x64xf32, #tpu.memory_space<vmem>>, vector<16xf32>,
          %add3A_1202 = arith.addf %add3A_1178, %get3A_1201 : vector<16xf32>
          %add3A_1203 = arith.constant 2 : i32
          %add3A_1204 = arith.addi %mul3A_1160, %add3A_1203 : i32
          %get3A_1205 = arith.index_cast %add3A_1204 : i32 to index
          %get3A_1206 = arith.constant 16 : index
          %get3A_1207 = tpu.vector_load %arg10[%get3A_1205, %get3A_1206] {strides = array<i32>} : memref<640x64xf32, #tpu.memory_space<vmem>>, vector<16xf32>,
          %add3A_1208 = arith.addf %add3A_1184, %get3A_1207 : vector<16xf32>
          %add3A_1209 = arith.constant 2 : i32
          %add3A_1210 = arith.addi %mul3A_1160, %add3A_1209 : i32
          %get3A_1211 = arith.index_cast %add3A_1210 : i32 to index
          %get3A_1212 = arith.constant 32 : index
          %get3A_1213 = tpu.vector_load %arg10[%get3A_1211, %get3A_1212] {strides = array<i32>} : memref<640x64xf32, #tpu.memory_space<vmem>>, vector<16xf32>,
          %add3A_1214 = arith.addf %add3A_1190, %get3A_1213 : vector<16xf32>
          %add3A_1215 = arith.constant 2 : i32
          %add3A_1216 = arith.addi %mul3A_1160, %add3A_1215 : i32
          %get3A_1217 = arith.index_cast %add3A_1216 : i32 to index
          %get3A_1218 = arith.constant 48 : index
          %get3A_1219 = tpu.vector_load %arg10[%get3A_1217, %get3A_1218] {strides = array<i32>} : memref<640x64xf32, #tpu.memory_space<vmem>>, vector<16xf32>,
          %add3A_1220 = arith.addf %add3A_1196, %get3A_1219 : vector<16xf32>
          %add3A_1221 = arith.constant 3 : i32
          %add3A_1222 = arith.addi %mul3A_1160, %add3A_1221 : i32
          %get3A_1223 = arith.index_cast %add3A_1222 : i32 to index
          %get3A_1224 = arith.constant 0 : index
          %get3A_1225 = tpu.vector_load %arg10[%get3A_1223, %get3A_1224] {strides = array<i32>} : memref<640x64xf32, #tpu.memory_space<vmem>>, vector<16xf32>,
          %add3A_1226 = arith.addf %add3A_1202, %get3A_1225 : vector<16xf32>
          %add3A_1227 = arith.constant 3 : i32
          %add3A_1228 = arith.addi %mul3A_1160, %add3A_1227 : i32
          %get3A_1229 = arith.index_cast %add3A_1228 : i32 to index
          %get3A_1230 = arith.constant 16 : index
          %get3A_1231 = tpu.vector_load %arg10[%get3A_1229, %get3A_1230] {strides = array<i32>} : memref<640x64xf32, #tpu.memory_space<vmem>>, vector<16xf32>,
          %add3A_1232 = arith.addf %add3A_1208, %get3A_1231 : vector<16xf32>
          %add3A_1233 = arith.constant 3 : i32
          %add3A_1234 = arith.addi %mul3A_1160, %add3A_1233 : i32
          %get3A_1235 = arith.index_cast %add3A_1234 : i32 to index
          %get3A_1236 = arith.constant 32 : index
          %get3A_1237 = tpu.vector_load %arg10[%get3A_1235, %get3A_1236] {strides = array<i32>} : memref<640x64xf32, #tpu.memory_space<vmem>>, vector<16xf32>,
          %add3A_1238 = arith.addf %add3A_1214, %get3A_1237 : vector<16xf32>
          %add3A_1239 = arith.constant 3 : i32
          %add3A_1240 = arith.addi %mul3A_1160, %add3A_1239 : i32
          %get3A_1241 = arith.index_cast %add3A_1240 : i32 to index
          %get3A_1242 = arith.constant 48 : index
          %get3A_1243 = tpu.vector_load %arg10[%get3A_1241, %get3A_1242] {strides = array<i32>} : memref<640x64xf32, #tpu.memory_space<vmem>>, vector<16xf32>,
          %add3A_1244 = arith.addf %add3A_1220, %get3A_1243 : vector<16xf32>
          %add3A_1245 = arith.constant 4 : i32
          %add3A_1246 = arith.addi %mul3A_1160, %add3A_1245 : i32
          %get3A_1247 = arith.index_cast %add3A_1246 : i32 to index
          %get3A_1248 = arith.constant 0 : index
          %get3A_1249 = tpu.vector_load %arg10[%get3A_1247, %get3A_1248] {strides = array<i32>} : memref<640x64xf32, #tpu.memory_space<vmem>>, vector<16xf32>,
          %add3A_1250 = arith.addf %add3A_1226, %get3A_1249 : vector<16xf32>
          %add3A_1251 = arith.constant 4 : i32
          %add3A_1252 = arith.addi %mul3A_1160, %add3A_1251 : i32
          %get3A_1253 = arith.index_cast %add3A_1252 : i32 to index
          %get3A_1254 = arith.constant 16 : index
          %get3A_1255 = tpu.vector_load %arg10[%get3A_1253, %get3A_1254] {strides = array<i32>} : memref<640x64xf32, #tpu.memory_space<vmem>>, vector<16xf32>,
          %add3A_1256 = arith.addf %add3A_1232, %get3A_1255 : vector<16xf32>
          %add3A_1257 = arith.constant 4 : i32
          %add3A_1258 = arith.addi %mul3A_1160, %add3A_1257 : i32
          %get3A_1259 = arith.index_cast %add3A_1258 : i32 to index
          %get3A_1260 = arith.constant 32 : index
          %get3A_1261 = tpu.vector_load %arg10[%get3A_1259, %get3A_1260] {strides = array<i32>} : memref<640x64xf32, #tpu.memory_space<vmem>>, vector<16xf32>,
          %add3A_1262 = arith.addf %add3A_1238, %get3A_1261 : vector<16xf32>
          %add3A_1263 = arith.constant 4 : i32
          %add3A_1264 = arith.addi %mul3A_1160, %add3A_1263 : i32
          %get3A_1265 = arith.index_cast %add3A_1264 : i32 to index
          %get3A_1266 = arith.constant 48 : index
          %get3A_1267 = tpu.vector_load %arg10[%get3A_1265, %get3A_1266] {strides = array<i32>} : memref<640x64xf32, #tpu.memory_space<vmem>>, vector<16xf32>,
          %add3A_1268 = arith.addf %add3A_1244, %get3A_1267 : vector<16xf32>
          %add3A_1269 = arith.constant 5 : i32
          %add3A_1270 = arith.addi %mul3A_1160, %add3A_1269 : i32
          %get3A_1271 = arith.index_cast %add3A_1270 : i32 to index
          %get3A_1272 = arith.constant 0 : index
          %get3A_1273 = tpu.vector_load %arg10[%get3A_1271, %get3A_1272] {strides = array<i32>} : memref<640x64xf32, #tpu.memory_space<vmem>>, vector<16xf32>,
          %add3A_1274 = arith.addf %add3A_1250, %get3A_1273 : vector<16xf32>
          %add3A_1275 = arith.constant 5 : i32
          %add3A_1276 = arith.addi %mul3A_1160, %add3A_1275 : i32
          %get3A_1277 = arith.index_cast %add3A_1276 : i32 to index
          %get3A_1278 = arith.constant 16 : index
          %get3A_1279 = tpu.vector_load %arg10[%get3A_1277, %get3A_1278] {strides = array<i32>} : memref<640x64xf32, #tpu.memory_space<vmem>>, vector<16xf32>,
          %add3A_1280 = arith.addf %add3A_1256, %get3A_1279 : vector<16xf32>
          %add3A_1281 = arith.constant 5 : i32
          %add3A_1282 = arith.addi %mul3A_1160, %add3A_1281 : i32
          %get3A_1283 = arith.index_cast %add3A_1282 : i32 to index
          %get3A_1284 = arith.constant 32 : index
          %get3A_1285 = tpu.vector_load %arg10[%get3A_1283, %get3A_1284] {strides = array<i32>} : memref<640x64xf32, #tpu.memory_space<vmem>>, vector<16xf32>,
          %add3A_1286 = arith.addf %add3A_1262, %get3A_1285 : vector<16xf32>
          %add3A_1287 = arith.constant 5 : i32
          %add3A_1288 = arith.addi %mul3A_1160, %add3A_1287 : i32
          %get3A_1289 = arith.index_cast %add3A_1288 : i32 to index
          %get3A_1290 = arith.constant 48 : index
          %get3A_1291 = tpu.vector_load %arg10[%get3A_1289, %get3A_1290] {strides = array<i32>} : memref<640x64xf32, #tpu.memory_space<vmem>>, vector<16xf32>,
          %add3A_1292 = arith.addf %add3A_1268, %get3A_1291 : vector<16xf32>
          %add3A_1293 = arith.constant 6 : i32
          %add3A_1294 = arith.addi %mul3A_1160, %add3A_1293 : i32
          %get3A_1295 = arith.index_cast %add3A_1294 : i32 to index
          %get3A_1296 = arith.constant 0 : index
          %get3A_1297 = tpu.vector_load %arg10[%get3A_1295, %get3A_1296] {strides = array<i32>} : memref<640x64xf32, #tpu.memory_space<vmem>>, vector<16xf32>,
          %add3A_1298 = arith.addf %add3A_1274, %get3A_1297 : vector<16xf32>
          %add3A_1299 = arith.constant 6 : i32
          %add3A_1300 = arith.addi %mul3A_1160, %add3A_1299 : i32
          %get3A_1301 = arith.index_cast %add3A_1300 : i32 to index
          %get3A_1302 = arith.constant 16 : index
          %get3A_1303 = tpu.vector_load %arg10[%get3A_1301, %get3A_1302] {strides = array<i32>} : memref<640x64xf32, #tpu.memory_space<vmem>>, vector<16xf32>,
          %add3A_1304 = arith.addf %add3A_1280, %get3A_1303 : vector<16xf32>
          %add3A_1305 = arith.constant 6 : i32
          %add3A_1306 = arith.addi %mul3A_1160, %add3A_1305 : i32
          %get3A_1307 = arith.index_cast %add3A_1306 : i32 to index
          %get3A_1308 = arith.constant 32 : index
          %get3A_1309 = tpu.vector_load %arg10[%get3A_1307, %get3A_1308] {strides = array<i32>} : memref<640x64xf32, #tpu.memory_space<vmem>>, vector<16xf32>,
          %add3A_1310 = arith.addf %add3A_1286, %get3A_1309 : vector<16xf32>
          %add3A_1311 = arith.constant 6 : i32
          %add3A_1312 = arith.addi %mul3A_1160, %add3A_1311 : i32
          %get3A_1313 = arith.index_cast %add3A_1312 : i32 to index
          %get3A_1314 = arith.constant 48 : index
          %get3A_1315 = tpu.vector_load %arg10[%get3A_1313, %get3A_1314] {strides = array<i32>} : memref<640x64xf32, #tpu.memory_space<vmem>>, vector<16xf32>,
          %add3A_1316 = arith.addf %add3A_1292, %get3A_1315 : vector<16xf32>
          %add3A_1317 = arith.constant 7 : i32
          %add3A_1318 = arith.addi %mul3A_1160, %add3A_1317 : i32
          %get3A_1319 = arith.index_cast %add3A_1318 : i32 to index
          %get3A_1320 = arith.constant 0 : index
          %get3A_1321 = tpu.vector_load %arg10[%get3A_1319, %get3A_1320] {strides = array<i32>} : memref<640x64xf32, #tpu.memory_space<vmem>>, vector<16xf32>,
          %add3A_1322 = arith.addf %add3A_1298, %get3A_1321 : vector<16xf32>
          %add3A_1323 = arith.constant 7 : i32
          %add3A_1324 = arith.addi %mul3A_1160, %add3A_1323 : i32
          %get3A_1325 = arith.index_cast %add3A_1324 : i32 to index
          %get3A_1326 = arith.constant 16 : index
          %get3A_1327 = tpu.vector_load %arg10[%get3A_1325, %get3A_1326] {strides = array<i32>} : memref<640x64xf32, #tpu.memory_space<vmem>>, vector<16xf32>,
          %add3A_1328 = arith.addf %add3A_1304, %get3A_1327 : vector<16xf32>
          %add3A_1329 = arith.constant 7 : i32
          %add3A_1330 = arith.addi %mul3A_1160, %add3A_1329 : i32
          %get3A_1331 = arith.index_cast %add3A_1330 : i32 to index
          %get3A_1332 = arith.constant 32 : index
          %get3A_1333 = tpu.vector_load %arg10[%get3A_1331, %get3A_1332] {strides = array<i32>} : memref<640x64xf32, #tpu.memory_space<vmem>>, vector<16xf32>,
          %add3A_1334 = arith.addf %add3A_1310, %get3A_1333 : vector<16xf32>
          %add3A_1335 = arith.constant 7 : i32
          %add3A_1336 = arith.addi %mul3A_1160, %add3A_1335 : i32
          %get3A_1337 = arith.index_cast %add3A_1336 : i32 to index
          %get3A_1338 = arith.constant 48 : index
          %get3A_1339 = tpu.vector_load %arg10[%get3A_1337, %get3A_1338] {strides = array<i32>} : memref<640x64xf32, #tpu.memory_space<vmem>>, vector<16xf32>,
          %add3A_1340 = arith.addf %add3A_1316, %get3A_1339 : vector<16xf32>
          %add3A_1341 = arith.constant 8 : i32
          %add3A_1342 = arith.addi %mul3A_1160, %add3A_1341 : i32
          %get3A_1343 = arith.index_cast %add3A_1342 : i32 to index
          %get3A_1344 = arith.constant 0 : index
          %get3A_1345 = tpu.vector_load %arg10[%get3A_1343, %get3A_1344] {strides = array<i32>} : memref<640x64xf32, #tpu.memory_space<vmem>>, vector<16xf32>,
          %add3A_1346 = arith.addf %add3A_1322, %get3A_1345 : vector<16xf32>
          %add3A_1347 = arith.constant 8 : i32
          %add3A_1348 = arith.addi %mul3A_1160, %add3A_1347 : i32
          %get3A_1349 = arith.index_cast %add3A_1348 : i32 to index
          %get3A_1350 = arith.constant 16 : index
          %get3A_1351 = tpu.vector_load %arg10[%get3A_1349, %get3A_1350] {strides = array<i32>} : memref<640x64xf32, #tpu.memory_space<vmem>>, vector<16xf32>,
          %add3A_1352 = arith.addf %add3A_1328, %get3A_1351 : vector<16xf32>
          %add3A_1353 = arith.constant 8 : i32
          %add3A_1354 = arith.addi %mul3A_1160, %add3A_1353 : i32
          %get3A_1355 = arith.index_cast %add3A_1354 : i32 to index
          %get3A_1356 = arith.constant 32 : index
          %get3A_1357 = tpu.vector_load %arg10[%get3A_1355, %get3A_1356] {strides = array<i32>} : memref<640x64xf32, #tpu.memory_space<vmem>>, vector<16xf32>,
          %add3A_1358 = arith.addf %add3A_1334, %get3A_1357 : vector<16xf32>
          %add3A_1359 = arith.constant 8 : i32
          %add3A_1360 = arith.addi %mul3A_1160, %add3A_1359 : i32
          %get3A_1361 = arith.index_cast %add3A_1360 : i32 to index
          %get3A_1362 = arith.constant 48 : index
          %get3A_1363 = tpu.vector_load %arg10[%get3A_1361, %get3A_1362] {strides = array<i32>} : memref<640x64xf32, #tpu.memory_space<vmem>>, vector<16xf32>,
          %add3A_1364 = arith.addf %add3A_1340, %get3A_1363 : vector<16xf32>
          %add3A_1365 = arith.constant 9 : i32
          %add3A_1366 = arith.addi %mul3A_1160, %add3A_1365 : i32
          %get3A_1367 = arith.index_cast %add3A_1366 : i32 to index
          %get3A_1368 = arith.constant 0 : index
          %get3A_1369 = tpu.vector_load %arg10[%get3A_1367, %get3A_1368] {strides = array<i32>} : memref<640x64xf32, #tpu.memory_space<vmem>>, vector<16xf32>,
          %add3A_1370 = arith.addf %add3A_1346, %get3A_1369 : vector<16xf32>
          %add3A_1371 = arith.constant 9 : i32
          %add3A_1372 = arith.addi %mul3A_1160, %add3A_1371 : i32
          %get3A_1373 = arith.index_cast %add3A_1372 : i32 to index
          %get3A_1374 = arith.constant 16 : index
          %get3A_1375 = tpu.vector_load %arg10[%get3A_1373, %get3A_1374] {strides = array<i32>} : memref<640x64xf32, #tpu.memory_space<vmem>>, vector<16xf32>,
          %add3A_1376 = arith.addf %add3A_1352, %get3A_1375 : vector<16xf32>
          %add3A_1377 = arith.constant 9 : i32
          %add3A_1378 = arith.addi %mul3A_1160, %add3A_1377 : i32
          %get3A_1379 = arith.index_cast %add3A_1378 : i32 to index
          %get3A_1380 = arith.constant 32 : index
          %get3A_1381 = tpu.vector_load %arg10[%get3A_1379, %get3A_1380] {strides = array<i32>} : memref<640x64xf32, #tpu.memory_space<vmem>>, vector<16xf32>,
          %add3A_1382 = arith.addf %add3A_1358, %get3A_1381 : vector<16xf32>
          %add3A_1383 = arith.constant 9 : i32
          %add3A_1384 = arith.addi %mul3A_1160, %add3A_1383 : i32
          %get3A_1385 = arith.index_cast %add3A_1384 : i32 to index
          %get3A_1386 = arith.constant 48 : index
          %get3A_1387 = tpu.vector_load %arg10[%get3A_1385, %get3A_1386] {strides = array<i32>} : memref<640x64xf32, #tpu.memory_space<vmem>>, vector<16xf32>,
          %add3A_1388 = arith.addf %add3A_1364, %get3A_1387 : vector<16xf32>
          %add3A_1389 = arith.constant 10 : i32
          %add3A_1390 = arith.addi %mul3A_1160, %add3A_1389 : i32
          %get3A_1391 = arith.index_cast %add3A_1390 : i32 to index
          %get3A_1392 = arith.constant 0 : index
          %get3A_1393 = tpu.vector_load %arg10[%get3A_1391, %get3A_1392] {strides = array<i32>} : memref<640x64xf32, #tpu.memory_space<vmem>>, vector<16xf32>,
          %add3A_1394 = arith.addf %add3A_1370, %get3A_1393 : vector<16xf32>
          %add3A_1395 = arith.constant 10 : i32
          %add3A_1396 = arith.addi %mul3A_1160, %add3A_1395 : i32
          %get3A_1397 = arith.index_cast %add3A_1396 : i32 to index
          %get3A_1398 = arith.constant 16 : index
          %get3A_1399 = tpu.vector_load %arg10[%get3A_1397, %get3A_1398] {strides = array<i32>} : memref<640x64xf32, #tpu.memory_space<vmem>>, vector<16xf32>,
          %add3A_1400 = arith.addf %add3A_1376, %get3A_1399 : vector<16xf32>
          %add3A_1401 = arith.constant 10 : i32
          %add3A_1402 = arith.addi %mul3A_1160, %add3A_1401 : i32
          %get3A_1403 = arith.index_cast %add3A_1402 : i32 to index
          %get3A_1404 = arith.constant 32 : index
          %get3A_1405 = tpu.vector_load %arg10[%get3A_1403, %get3A_1404] {strides = array<i32>} : memref<640x64xf32, #tpu.memory_space<vmem>>, vector<16xf32>,
          %add3A_1406 = arith.addf %add3A_1382, %get3A_1405 : vector<16xf32>
          %add3A_1407 = arith.constant 10 : i32
          %add3A_1408 = arith.addi %mul3A_1160, %add3A_1407 : i32
          %get3A_1409 = arith.index_cast %add3A_1408 : i32 to index
          %get3A_1410 = arith.constant 48 : index
          %get3A_1411 = tpu.vector_load %arg10[%get3A_1409, %get3A_1410] {strides = array<i32>} : memref<640x64xf32, #tpu.memory_space<vmem>>, vector<16xf32>,
          %add3A_1412 = arith.addf %add3A_1388, %get3A_1411 : vector<16xf32>
          %add3A_1413 = arith.constant 11 : i32
          %add3A_1414 = arith.addi %mul3A_1160, %add3A_1413 : i32
          %get3A_1415 = arith.index_cast %add3A_1414 : i32 to index
          %get3A_1416 = arith.constant 0 : index
          %get3A_1417 = tpu.vector_load %arg10[%get3A_1415, %get3A_1416] {strides = array<i32>} : memref<640x64xf32, #tpu.memory_space<vmem>>, vector<16xf32>,
          %add3A_1418 = arith.addf %add3A_1394, %get3A_1417 : vector<16xf32>
          %add3A_1419 = arith.constant 11 : i32
          %add3A_1420 = arith.addi %mul3A_1160, %add3A_1419 : i32
          %get3A_1421 = arith.index_cast %add3A_1420 : i32 to index
          %get3A_1422 = arith.constant 16 : index
          %get3A_1423 = tpu.vector_load %arg10[%get3A_1421, %get3A_1422] {strides = array<i32>} : memref<640x64xf32, #tpu.memory_space<vmem>>, vector<16xf32>,
          %add3A_1424 = arith.addf %add3A_1400, %get3A_1423 : vector<16xf32>
          %add3A_1425 = arith.constant 11 : i32
          %add3A_1426 = arith.addi %mul3A_1160, %add3A_1425 : i32
          %get3A_1427 = arith.index_cast %add3A_1426 : i32 to index
          %get3A_1428 = arith.constant 32 : index
          %get3A_1429 = tpu.vector_load %arg10[%get3A_1427, %get3A_1428] {strides = array<i32>} : memref<640x64xf32, #tpu.memory_space<vmem>>, vector<16xf32>,
          %add3A_1430 = arith.addf %add3A_1406, %get3A_1429 : vector<16xf32>
          %add3A_1431 = arith.constant 11 : i32
          %add3A_1432 = arith.addi %mul3A_1160, %add3A_1431 : i32
          %get3A_1433 = arith.index_cast %add3A_1432 : i32 to index
          %get3A_1434 = arith.constant 48 : index
          %get3A_1435 = tpu.vector_load %arg10[%get3A_1433, %get3A_1434] {strides = array<i32>} : memref<640x64xf32, #tpu.memory_space<vmem>>, vector<16xf32>,
          %add3A_1436 = arith.addf %add3A_1412, %get3A_1435 : vector<16xf32>
          %add3A_1437 = arith.constant 12 : i32
          %add3A_1438 = arith.addi %mul3A_1160, %add3A_1437 : i32
          %get3A_1439 = arith.index_cast %add3A_1438 : i32 to index
          %get3A_1440 = arith.constant 0 : index
          %get3A_1441 = tpu.vector_load %arg10[%get3A_1439, %get3A_1440] {strides = array<i32>} : memref<640x64xf32, #tpu.memory_space<vmem>>, vector<16xf32>,
          %add3A_1442 = arith.addf %add3A_1418, %get3A_1441 : vector<16xf32>
          %add3A_1443 = arith.constant 12 : i32
          %add3A_1444 = arith.addi %mul3A_1160, %add3A_1443 : i32
          %get3A_1445 = arith.index_cast %add3A_1444 : i32 to index
          %get3A_1446 = arith.constant 16 : index
          %get3A_1447 = tpu.vector_load %arg10[%get3A_1445, %get3A_1446] {strides = array<i32>} : memref<640x64xf32, #tpu.memory_space<vmem>>, vector<16xf32>,
          %add3A_1448 = arith.addf %add3A_1424, %get3A_1447 : vector<16xf32>
          %add3A_1449 = arith.constant 12 : i32
          %add3A_1450 = arith.addi %mul3A_1160, %add3A_1449 : i32
          %get3A_1451 = arith.index_cast %add3A_1450 : i32 to index
          %get3A_1452 = arith.constant 32 : index
          %get3A_1453 = tpu.vector_load %arg10[%get3A_1451, %get3A_1452] {strides = array<i32>} : memref<640x64xf32, #tpu.memory_space<vmem>>, vector<16xf32>,
          %add3A_1454 = arith.addf %add3A_1430, %get3A_1453 : vector<16xf32>
          %add3A_1455 = arith.constant 12 : i32
          %add3A_1456 = arith.addi %mul3A_1160, %add3A_1455 : i32
          %get3A_1457 = arith.index_cast %add3A_1456 : i32 to index
          %get3A_1458 = arith.constant 48 : index
          %get3A_1459 = tpu.vector_load %arg10[%get3A_1457, %get3A_1458] {strides = array<i32>} : memref<640x64xf32, #tpu.memory_space<vmem>>, vector<16xf32>,
          %add3A_1460 = arith.addf %add3A_1436, %get3A_1459 : vector<16xf32>
          %add3A_1461 = arith.constant 13 : i32
          %add3A_1462 = arith.addi %mul3A_1160, %add3A_1461 : i32
          %get3A_1463 = arith.index_cast %add3A_1462 : i32 to index
          %get3A_1464 = arith.constant 0 : index
          %get3A_1465 = tpu.vector_load %arg10[%get3A_1463, %get3A_1464] {strides = array<i32>} : memref<640x64xf32, #tpu.memory_space<vmem>>, vector<16xf32>,
          %add3A_1466 = arith.addf %add3A_1442, %get3A_1465 : vector<16xf32>
          %add3A_1467 = arith.constant 13 : i32
          %add3A_1468 = arith.addi %mul3A_1160, %add3A_1467 : i32
          %get3A_1469 = arith.index_cast %add3A_1468 : i32 to index
          %get3A_1470 = arith.constant 16 : index
          %get3A_1471 = tpu.vector_load %arg10[%get3A_1469, %get3A_1470] {strides = array<i32>} : memref<640x64xf32, #tpu.memory_space<vmem>>, vector<16xf32>,
          %add3A_1472 = arith.addf %add3A_1448, %get3A_1471 : vector<16xf32>
          %add3A_1473 = arith.constant 13 : i32
          %add3A_1474 = arith.addi %mul3A_1160, %add3A_1473 : i32
          %get3A_1475 = arith.index_cast %add3A_1474 : i32 to index
          %get3A_1476 = arith.constant 32 : index
          %get3A_1477 = tpu.vector_load %arg10[%get3A_1475, %get3A_1476] {strides = array<i32>} : memref<640x64xf32, #tpu.memory_space<vmem>>, vector<16xf32>,
          %add3A_1478 = arith.addf %add3A_1454, %get3A_1477 : vector<16xf32>
          %add3A_1479 = arith.constant 13 : i32
          %add3A_1480 = arith.addi %mul3A_1160, %add3A_1479 : i32
          %get3A_1481 = arith.index_cast %add3A_1480 : i32 to index
          %get3A_1482 = arith.constant 48 : index
          %get3A_1483 = tpu.vector_load %arg10[%get3A_1481, %get3A_1482] {strides = array<i32>} : memref<640x64xf32, #tpu.memory_space<vmem>>, vector<16xf32>,
          %add3A_1484 = arith.addf %add3A_1460, %get3A_1483 : vector<16xf32>
          %add3A_1485 = arith.constant 14 : i32
          %add3A_1486 = arith.addi %mul3A_1160, %add3A_1485 : i32
          %get3A_1487 = arith.index_cast %add3A_1486 : i32 to index
          %get3A_1488 = arith.constant 0 : index
          %get3A_1489 = tpu.vector_load %arg10[%get3A_1487, %get3A_1488] {strides = array<i32>} : memref<640x64xf32, #tpu.memory_space<vmem>>, vector<16xf32>,
          %add3A_1490 = arith.addf %add3A_1466, %get3A_1489 : vector<16xf32>
          %add3A_1491 = arith.constant 14 : i32
          %add3A_1492 = arith.addi %mul3A_1160, %add3A_1491 : i32
          %get3A_1493 = arith.index_cast %add3A_1492 : i32 to index
          %get3A_1494 = arith.constant 16 : index
          %get3A_1495 = tpu.vector_load %arg10[%get3A_1493, %get3A_1494] {strides = array<i32>} : memref<640x64xf32, #tpu.memory_space<vmem>>, vector<16xf32>,
          %add3A_1496 = arith.addf %add3A_1472, %get3A_1495 : vector<16xf32>
          %add3A_1497 = arith.constant 14 : i32
          %add3A_1498 = arith.addi %mul3A_1160, %add3A_1497 : i32
          %get3A_1499 = arith.index_cast %add3A_1498 : i32 to index
          %get3A_1500 = arith.constant 32 : index
          %get3A_1501 = tpu.vector_load %arg10[%get3A_1499, %get3A_1500] {strides = array<i32>} : memref<640x64xf32, #tpu.memory_space<vmem>>, vector<16xf32>,
          %add3A_1502 = arith.addf %add3A_1478, %get3A_1501 : vector<16xf32>
          %add3A_1503 = arith.constant 14 : i32
          %add3A_1504 = arith.addi %mul3A_1160, %add3A_1503 : i32
          %get3A_1505 = arith.index_cast %add3A_1504 : i32 to index
          %get3A_1506 = arith.constant 48 : index
          %get3A_1507 = tpu.vector_load %arg10[%get3A_1505, %get3A_1506] {strides = array<i32>} : memref<640x64xf32, #tpu.memory_space<vmem>>, vector<16xf32>,
          %add3A_1508 = arith.addf %add3A_1484, %get3A_1507 : vector<16xf32>
          %add3A_1509 = arith.constant 15 : i32
          %add3A_1510 = arith.addi %mul3A_1160, %add3A_1509 : i32
          %get3A_1511 = arith.index_cast %add3A_1510 : i32 to index
          %get3A_1512 = arith.constant 0 : index
          %get3A_1513 = tpu.vector_load %arg10[%get3A_1511, %get3A_1512] {strides = array<i32>} : memref<640x64xf32, #tpu.memory_space<vmem>>, vector<16xf32>,
          %add3A_1514 = arith.addf %add3A_1490, %get3A_1513 : vector<16xf32>
          %add3A_1515 = arith.constant 15 : i32
          %add3A_1516 = arith.addi %mul3A_1160, %add3A_1515 : i32
          %get3A_1517 = arith.index_cast %add3A_1516 : i32 to index
          %get3A_1518 = arith.constant 16 : index
          %get3A_1519 = tpu.vector_load %arg10[%get3A_1517, %get3A_1518] {strides = array<i32>} : memref<640x64xf32, #tpu.memory_space<vmem>>, vector<16xf32>,
          %add3A_1520 = arith.addf %add3A_1496, %get3A_1519 : vector<16xf32>
          %add3A_1521 = arith.constant 15 : i32
          %add3A_1522 = arith.addi %mul3A_1160, %add3A_1521 : i32
          %get3A_1523 = arith.index_cast %add3A_1522 : i32 to index
          %get3A_1524 = arith.constant 32 : index
          %get3A_1525 = tpu.vector_load %arg10[%get3A_1523, %get3A_1524] {strides = array<i32>} : memref<640x64xf32, #tpu.memory_space<vmem>>, vector<16xf32>,
          %add3A_1526 = arith.addf %add3A_1502, %get3A_1525 : vector<16xf32>
          %add3A_1527 = arith.constant 15 : i32
          %add3A_1528 = arith.addi %mul3A_1160, %add3A_1527 : i32
          %get3A_1529 = arith.index_cast %add3A_1528 : i32 to index
          %get3A_1530 = arith.constant 48 : index
          %get3A_1531 = tpu.vector_load %arg10[%get3A_1529, %get3A_1530] {strides = array<i32>} : memref<640x64xf32, #tpu.memory_space<vmem>>, vector<16xf32>,
          %add3A_1532 = arith.addf %add3A_1508, %get3A_1531 : vector<16xf32>
          %add3A_1533 = arith.constant 16 : i32
          %add3A_1534 = arith.addi %mul3A_1160, %add3A_1533 : i32
          %get3A_1535 = arith.index_cast %add3A_1534 : i32 to index
          %get3A_1536 = arith.constant 0 : index
          %get3A_1537 = tpu.vector_load %arg10[%get3A_1535, %get3A_1536] {strides = array<i32>} : memref<640x64xf32, #tpu.memory_space<vmem>>, vector<16xf32>,
          %add3A_1538 = arith.addf %add3A_1514, %get3A_1537 : vector<16xf32>
          %add3A_1539 = arith.constant 16 : i32
          %add3A_1540 = arith.addi %mul3A_1160, %add3A_1539 : i32
          %get3A_1541 = arith.index_cast %add3A_1540 : i32 to index
          %get3A_1542 = arith.constant 16 : index
          %get3A_1543 = tpu.vector_load %arg10[%get3A_1541, %get3A_1542] {strides = array<i32>} : memref<640x64xf32, #tpu.memory_space<vmem>>, vector<16xf32>,
          %add3A_1544 = arith.addf %add3A_1520, %get3A_1543 : vector<16xf32>
          %add3A_1545 = arith.constant 16 : i32
          %add3A_1546 = arith.addi %mul3A_1160, %add3A_1545 : i32
          %get3A_1547 = arith.index_cast %add3A_1546 : i32 to index
          %get3A_1548 = arith.constant 32 : index
          %get3A_1549 = tpu.vector_load %arg10[%get3A_1547, %get3A_1548] {strides = array<i32>} : memref<640x64xf32, #tpu.memory_space<vmem>>, vector<16xf32>,
          %add3A_1550 = arith.addf %add3A_1526, %get3A_1549 : vector<16xf32>
          %add3A_1551 = arith.constant 16 : i32
          %add3A_1552 = arith.addi %mul3A_1160, %add3A_1551 : i32
          %get3A_1553 = arith.index_cast %add3A_1552 : i32 to index
          %get3A_1554 = arith.constant 48 : index
          %get3A_1555 = tpu.vector_load %arg10[%get3A_1553, %get3A_1554] {strides = array<i32>} : memref<640x64xf32, #tpu.memory_space<vmem>>, vector<16xf32>,
          %add3A_1556 = arith.addf %add3A_1532, %get3A_1555 : vector<16xf32>
          %add3A_1557 = arith.constant 17 : i32
          %add3A_1558 = arith.addi %mul3A_1160, %add3A_1557 : i32
          %get3A_1559 = arith.index_cast %add3A_1558 : i32 to index
          %get3A_1560 = arith.constant 0 : index
          %get3A_1561 = tpu.vector_load %arg10[%get3A_1559, %get3A_1560] {strides = array<i32>} : memref<640x64xf32, #tpu.memory_space<vmem>>, vector<16xf32>,
          %add3A_1562 = arith.addf %add3A_1538, %get3A_1561 : vector<16xf32>
          %add3A_1563 = arith.constant 17 : i32
          %add3A_1564 = arith.addi %mul3A_1160, %add3A_1563 : i32
          %get3A_1565 = arith.index_cast %add3A_1564 : i32 to index
          %get3A_1566 = arith.constant 16 : index
          %get3A_1567 = tpu.vector_load %arg10[%get3A_1565, %get3A_1566] {strides = array<i32>} : memref<640x64xf32, #tpu.memory_space<vmem>>, vector<16xf32>,
          %add3A_1568 = arith.addf %add3A_1544, %get3A_1567 : vector<16xf32>
          %add3A_1569 = arith.constant 17 : i32
          %add3A_1570 = arith.addi %mul3A_1160, %add3A_1569 : i32
          %get3A_1571 = arith.index_cast %add3A_1570 : i32 to index
          %get3A_1572 = arith.constant 32 : index
          %get3A_1573 = tpu.vector_load %arg10[%get3A_1571, %get3A_1572] {strides = array<i32>} : memref<640x64xf32, #tpu.memory_space<vmem>>, vector<16xf32>,
          %add3A_1574 = arith.addf %add3A_1550, %get3A_1573 : vector<16xf32>
          %add3A_1575 = arith.constant 17 : i32
          %add3A_1576 = arith.addi %mul3A_1160, %add3A_1575 : i32
          %get3A_1577 = arith.index_cast %add3A_1576 : i32 to index
          %get3A_1578 = arith.constant 48 : index
          %get3A_1579 = tpu.vector_load %arg10[%get3A_1577, %get3A_1578] {strides = array<i32>} : memref<640x64xf32, #tpu.memory_space<vmem>>, vector<16xf32>,
          %add3A_1580 = arith.addf %add3A_1556, %get3A_1579 : vector<16xf32>
          %add3A_1581 = arith.constant 18 : i32
          %add3A_1582 = arith.addi %mul3A_1160, %add3A_1581 : i32
          %get3A_1583 = arith.index_cast %add3A_1582 : i32 to index
          %get3A_1584 = arith.constant 0 : index
          %get3A_1585 = tpu.vector_load %arg10[%get3A_1583, %get3A_1584] {strides = array<i32>} : memref<640x64xf32, #tpu.memory_space<vmem>>, vector<16xf32>,
          %add3A_1586 = arith.addf %add3A_1562, %get3A_1585 : vector<16xf32>
          %add3A_1587 = arith.constant 18 : i32
          %add3A_1588 = arith.addi %mul3A_1160, %add3A_1587 : i32
          %get3A_1589 = arith.index_cast %add3A_1588 : i32 to index
          %get3A_1590 = arith.constant 16 : index
          %get3A_1591 = tpu.vector_load %arg10[%get3A_1589, %get3A_1590] {strides = array<i32>} : memref<640x64xf32, #tpu.memory_space<vmem>>, vector<16xf32>,
          %add3A_1592 = arith.addf %add3A_1568, %get3A_1591 : vector<16xf32>
          %add3A_1593 = arith.constant 18 : i32
          %add3A_1594 = arith.addi %mul3A_1160, %add3A_1593 : i32
          %get3A_1595 = arith.index_cast %add3A_1594 : i32 to index
          %get3A_1596 = arith.constant 32 : index
          %get3A_1597 = tpu.vector_load %arg10[%get3A_1595, %get3A_1596] {strides = array<i32>} : memref<640x64xf32, #tpu.memory_space<vmem>>, vector<16xf32>,
          %add3A_1598 = arith.addf %add3A_1574, %get3A_1597 : vector<16xf32>
          %add3A_1599 = arith.constant 18 : i32
          %add3A_1600 = arith.addi %mul3A_1160, %add3A_1599 : i32
          %get3A_1601 = arith.index_cast %add3A_1600 : i32 to index
          %get3A_1602 = arith.constant 48 : index
          %get3A_1603 = tpu.vector_load %arg10[%get3A_1601, %get3A_1602] {strides = array<i32>} : memref<640x64xf32, #tpu.memory_space<vmem>>, vector<16xf32>,
          %add3A_1604 = arith.addf %add3A_1580, %get3A_1603 : vector<16xf32>
          %add3A_1605 = arith.constant 19 : i32
          %add3A_1606 = arith.addi %mul3A_1160, %add3A_1605 : i32
          %get3A_1607 = arith.index_cast %add3A_1606 : i32 to index
          %get3A_1608 = arith.constant 0 : index
          %get3A_1609 = tpu.vector_load %arg10[%get3A_1607, %get3A_1608] {strides = array<i32>} : memref<640x64xf32, #tpu.memory_space<vmem>>, vector<16xf32>,
          %add3A_1610 = arith.addf %add3A_1586, %get3A_1609 : vector<16xf32>
          %add3A_1611 = arith.constant 19 : i32
          %add3A_1612 = arith.addi %mul3A_1160, %add3A_1611 : i32
          %get3A_1613 = arith.index_cast %add3A_1612 : i32 to index
          %get3A_1614 = arith.constant 16 : index
          %get3A_1615 = tpu.vector_load %arg10[%get3A_1613, %get3A_1614] {strides = array<i32>} : memref<640x64xf32, #tpu.memory_space<vmem>>, vector<16xf32>,
          %add3A_1616 = arith.addf %add3A_1592, %get3A_1615 : vector<16xf32>
          %add3A_1617 = arith.constant 19 : i32
          %add3A_1618 = arith.addi %mul3A_1160, %add3A_1617 : i32
          %get3A_1619 = arith.index_cast %add3A_1618 : i32 to index
          %get3A_1620 = arith.constant 32 : index
          %get3A_1621 = tpu.vector_load %arg10[%get3A_1619, %get3A_1620] {strides = array<i32>} : memref<640x64xf32, #tpu.memory_space<vmem>>, vector<16xf32>,
          %add3A_1622 = arith.addf %add3A_1598, %get3A_1621 : vector<16xf32>
          %add3A_1623 = arith.constant 19 : i32
          %add3A_1624 = arith.addi %mul3A_1160, %add3A_1623 : i32
          %get3A_1625 = arith.index_cast %add3A_1624 : i32 to index
          %get3A_1626 = arith.constant 48 : index
          %get3A_1627 = tpu.vector_load %arg10[%get3A_1625, %get3A_1626] {strides = array<i32>} : memref<640x64xf32, #tpu.memory_space<vmem>>, vector<16xf32>,
          %add3A_1628 = arith.addf %add3A_1604, %get3A_1627 : vector<16xf32>
          %get3A_1629 = arith.index_cast %scan3A_1158 : i32 to index
          %get3A_1630 = arith.constant 0 : index
          %get3A_1631 = tpu.vector_load %arg12[%get3A_1629, %get3A_1630] {strides = array<i32>} : memref<32x64xf32, #tpu.memory_space<vmem>>, vector<16xf32>,
          %get3A_1632 = arith.index_cast %scan3A_1158 : i32 to index
          %get3A_1633 = arith.constant 16 : index
          %get3A_1634 = tpu.vector_load %arg12[%get3A_1632, %get3A_1633] {strides = array<i32>} : memref<32x64xf32, #tpu.memory_space<vmem>>, vector<16xf32>,
          %get3A_1635 = arith.index_cast %scan3A_1158 : i32 to index
          %get3A_1636 = arith.constant 32 : index
          %get3A_1637 = tpu.vector_load %arg12[%get3A_1635, %get3A_1636] {strides = array<i32>} : memref<32x64xf32, #tpu.memory_space<vmem>>, vector<16xf32>,
          %get3A_1638 = arith.index_cast %scan3A_1158 : i32 to index
          %get3A_1639 = arith.constant 48 : index
          %get3A_1640 = tpu.vector_load %arg12[%get3A_1638, %get3A_1639] {strides = array<i32>} : memref<32x64xf32, #tpu.memory_space<vmem>>, vector<16xf32>,
          %mul3A_1641 = arith.mulf %add3A_1610, %get3A_1631 : vector<16xf32>
          %mul3A_1642 = arith.mulf %add3A_1616, %get3A_1634 : vector<16xf32>
          %add3A_1643 = arith.addf %mul3A_1641, %mul3A_1642 : vector<16xf32>
          %mul3A_1644 = arith.mulf %add3A_1622, %get3A_1637 : vector<16xf32>
          %mul3A_1645 = arith.mulf %add3A_1628, %get3A_1640 : vector<16xf32>
          %add3A_1646 = arith.addf %mul3A_1644, %mul3A_1645 : vector<16xf32>
          %add3A_1647 = arith.addf %add3A_1643, %add3A_1646 : vector<16xf32>
          %mul3A_1648 = arith.mulf %get3A_7, %get3A_1631 : vector<16xf32>
          %mul3A_1649 = arith.mulf %get3A_11, %get3A_1634 : vector<16xf32>
          %add3A_1650 = arith.addf %mul3A_1648, %mul3A_1649 : vector<16xf32>
          %mul3A_1651 = arith.mulf %get3A_15, %get3A_1637 : vector<16xf32>
          %mul3A_1652 = arith.mulf %get3A_19, %get3A_1640 : vector<16xf32>
          %add3A_1653 = arith.addf %mul3A_1651, %mul3A_1652 : vector<16xf32>
          %add3A_1654 = arith.addf %add3A_1650, %add3A_1653 : vector<16xf32>
          %mul3A_1655 = arith.constant 16 : i32
          %mul3A_1656 = arith.muli %scan3A_1158, %mul3A_1655 : i32
          %swap3A_1657 = arith.index_cast %mul3A_1656 : i32 to index
          %swap3A_1658 = tpu.vector_load %arg14[%swap3A_1657] {strides = array<i32>} : memref<512xf32, #tpu.memory_space<vmem>>, vector<16xf32>,
          tpu.vector_store %arg14[%swap3A_1657], %add3A_1647 {strides = array<i32>} : memref<512xf32, #tpu.memory_space<vmem>>, vector<16xf32>,
          %mul3A_1659 = arith.constant 16 : i32
          %mul3A_1660 = arith.muli %scan3A_1158, %mul3A_1659 : i32
          %swap3A_1661 = arith.index_cast %mul3A_1660 : i32 to index
          %swap3A_1662 = tpu.vector_load %arg15[%swap3A_1661] {strides = array<i32>} : memref<512xf32, #tpu.memory_space<vmem>>, vector<16xf32>,
          tpu.vector_store %arg15[%swap3A_1661], %add3A_1654 {strides = array<i32>} : memref<512xf32, #tpu.memory_space<vmem>>, vector<16xf32>,
        }
        %scan3A_62 = arith.constant 32 : i32
        %broadcast_in_dim3A = arith.constant 0 : i32
        %broadcast_in_dim3A_63 = vector.broadcast %broadcast_in_dim3A : i32 to vector<16xi32>
        %mul3A_64 = arith.constant 32 : i32
        %mul3A_65 = arith.muli %scan3A_36, %mul3A_64 : i32
        %add3A_66 = arith.constant 0 : i32
        %add3A_67 = arith.addi %mul3A_65, %add3A_66 : i32
        %mul3A_68 = arith.constant 20 : i32
        %mul3A_69 = arith.muli %add3A_67, %mul3A_68 : i32
        %mul3A_70 = arith.constant 20 : i32
        %mul3A_71 = vector.broadcast %mul3A_70 : i32 to vector<16xi32>
        %mul3A_72 = arith.muli %iota3A, %mul3A_71 : vector<16xi32>
        %add3A_73 = vector.broadcast %mul3A_69 : i32 to vector<16xi32>
        %add3A_74 = arith.addi %add3A_73, %mul3A_72 : vector<16xi32>
        %add3A_75 = arith.constant 0 : i32
        %add3A_76 = vector.broadcast %add3A_75 : i32 to vector<16xi32>
        %add3A_77 = arith.addi %add3A_74, %add3A_76 : vector<16xi32>
        %gather3A = tpu.vector_load_idx %arg7[%add3A_77] : memref<10240xi32, #tpu.memory_space<vmem>>[vector<16xi32>], vector<16xi32>,
        %eq3A_78 = arith.constant 0 : i32
        %eq3A_79 = vector.broadcast %eq3A_78 : i32 to vector<16xi32>
        %eq3A_80 = arith.cmpi eq, %gather3A, %eq3A_79 : vector<16xi32>
        %jit3A = arith.constant 1 : i32
        %jit3A_81 = arith.constant 0 : i32
        %broadcast_in_dim3A_82 = vector.broadcast %jit3A : i32 to vector<16xi32>
        %broadcast_in_dim3A_83 = vector.broadcast %jit3A_81 : i32 to vector<16xi32>
        %select_n3A = arith.select %eq3A_80, %broadcast_in_dim3A_82, %broadcast_in_dim3A_83 : vector<16xi1>, vector<16xi32>
        %add3A_84 = arith.addi %broadcast_in_dim3A_63, %select_n3A : vector<16xi32>
        %mul3A_85 = arith.constant 20 : i32
        %mul3A_86 = vector.broadcast %mul3A_85 : i32 to vector<16xi32>
        %mul3A_87 = arith.muli %iota3A, %mul3A_86 : vector<16xi32>
        %add3A_88 = vector.broadcast %mul3A_69 : i32 to vector<16xi32>
        %add3A_89 = arith.addi %add3A_88, %mul3A_87 : vector<16xi32>
        %add3A_90 = arith.constant 1 : i32
        %add3A_91 = vector.broadcast %add3A_90 : i32 to vector<16xi32>
        %add3A_92 = arith.addi %add3A_89, %add3A_91 : vector<16xi32>
        %gather3A_93 = tpu.vector_load_idx %arg7[%add3A_92] : memref<10240xi32, #tpu.memory_space<vmem>>[vector<16xi32>], vector<16xi32>,
        %eq3A_94 = arith.constant 0 : i32
        %eq3A_95 = vector.broadcast %eq3A_94 : i32 to vector<16xi32>
        %eq3A_96 = arith.cmpi eq, %gather3A_93, %eq3A_95 : vector<16xi32>
        %jit3A_97 = arith.constant 1 : i32
        %jit3A_98 = arith.constant 0 : i32
        %broadcast_in_dim3A_99 = vector.broadcast %jit3A_97 : i32 to vector<16xi32>
        %broadcast_in_dim3A_100 = vector.broadcast %jit3A_98 : i32 to vector<16xi32>
        %select_n3A_101 = arith.select %eq3A_96, %broadcast_in_dim3A_99, %broadcast_in_dim3A_100 : vector<16xi1>, vector<16xi32>
        %add3A_102 = arith.addi %add3A_84, %select_n3A_101 : vector<16xi32>
        %mul3A_103 = arith.constant 20 : i32
        %mul3A_104 = vector.broadcast %mul3A_103 : i32 to vector<16xi32>
        %mul3A_105 = arith.muli %iota3A, %mul3A_104 : vector<16xi32>
        %add3A_106 = vector.broadcast %mul3A_69 : i32 to vector<16xi32>
        %add3A_107 = arith.addi %add3A_106, %mul3A_105 : vector<16xi32>
        %add3A_108 = arith.constant 2 : i32
        %add3A_109 = vector.broadcast %add3A_108 : i32 to vector<16xi32>
        %add3A_110 = arith.addi %add3A_107, %add3A_109 : vector<16xi32>
        %gather3A_111 = tpu.vector_load_idx %arg7[%add3A_110] : memref<10240xi32, #tpu.memory_space<vmem>>[vector<16xi32>], vector<16xi32>,
        %eq3A_112 = arith.constant 0 : i32
        %eq3A_113 = vector.broadcast %eq3A_112 : i32 to vector<16xi32>
        %eq3A_114 = arith.cmpi eq, %gather3A_111, %eq3A_113 : vector<16xi32>
        %jit3A_115 = arith.constant 1 : i32
        %jit3A_116 = arith.constant 0 : i32
        %broadcast_in_dim3A_117 = vector.broadcast %jit3A_115 : i32 to vector<16xi32>
        %broadcast_in_dim3A_118 = vector.broadcast %jit3A_116 : i32 to vector<16xi32>
        %select_n3A_119 = arith.select %eq3A_114, %broadcast_in_dim3A_117, %broadcast_in_dim3A_118 : vector<16xi1>, vector<16xi32>
        %add3A_120 = arith.addi %add3A_102, %select_n3A_119 : vector<16xi32>
        %mul3A_121 = arith.constant 20 : i32
        %mul3A_122 = vector.broadcast %mul3A_121 : i32 to vector<16xi32>
        %mul3A_123 = arith.muli %iota3A, %mul3A_122 : vector<16xi32>
        %add3A_124 = vector.broadcast %mul3A_69 : i32 to vector<16xi32>
        %add3A_125 = arith.addi %add3A_124, %mul3A_123 : vector<16xi32>
        %add3A_126 = arith.constant 3 : i32
        %add3A_127 = vector.broadcast %add3A_126 : i32 to vector<16xi32>
        %add3A_128 = arith.addi %add3A_125, %add3A_127 : vector<16xi32>
        %gather3A_129 = tpu.vector_load_idx %arg7[%add3A_128] : memref<10240xi32, #tpu.memory_space<vmem>>[vector<16xi32>], vector<16xi32>,
        %eq3A_130 = arith.constant 0 : i32
        %eq3A_131 = vector.broadcast %eq3A_130 : i32 to vector<16xi32>
        %eq3A_132 = arith.cmpi eq, %gather3A_129, %eq3A_131 : vector<16xi32>
        %jit3A_133 = arith.constant 1 : i32
        %jit3A_134 = arith.constant 0 : i32
        %broadcast_in_dim3A_135 = vector.broadcast %jit3A_133 : i32 to vector<16xi32>
        %broadcast_in_dim3A_136 = vector.broadcast %jit3A_134 : i32 to vector<16xi32>
        %select_n3A_137 = arith.select %eq3A_132, %broadcast_in_dim3A_135, %broadcast_in_dim3A_136 : vector<16xi1>, vector<16xi32>
        %add3A_138 = arith.addi %add3A_120, %select_n3A_137 : vector<16xi32>
        %mul3A_139 = arith.constant 20 : i32
        %mul3A_140 = vector.broadcast %mul3A_139 : i32 to vector<16xi32>
        %mul3A_141 = arith.muli %iota3A, %mul3A_140 : vector<16xi32>
        %add3A_142 = vector.broadcast %mul3A_69 : i32 to vector<16xi32>
        %add3A_143 = arith.addi %add3A_142, %mul3A_141 : vector<16xi32>
        %add3A_144 = arith.constant 4 : i32
        %add3A_145 = vector.broadcast %add3A_144 : i32 to vector<16xi32>
        %add3A_146 = arith.addi %add3A_143, %add3A_145 : vector<16xi32>
        %gather3A_147 = tpu.vector_load_idx %arg7[%add3A_146] : memref<10240xi32, #tpu.memory_space<vmem>>[vector<16xi32>], vector<16xi32>,
        %eq3A_148 = arith.constant 0 : i32
        %eq3A_149 = vector.broadcast %eq3A_148 : i32 to vector<16xi32>
        %eq3A_150 = arith.cmpi eq, %gather3A_147, %eq3A_149 : vector<16xi32>
        %jit3A_151 = arith.constant 1 : i32
        %jit3A_152 = arith.constant 0 : i32
        %broadcast_in_dim3A_153 = vector.broadcast %jit3A_151 : i32 to vector<16xi32>
        %broadcast_in_dim3A_154 = vector.broadcast %jit3A_152 : i32 to vector<16xi32>
        %select_n3A_155 = arith.select %eq3A_150, %broadcast_in_dim3A_153, %broadcast_in_dim3A_154 : vector<16xi1>, vector<16xi32>
        %add3A_156 = arith.addi %add3A_138, %select_n3A_155 : vector<16xi32>
        %mul3A_157 = arith.constant 20 : i32
        %mul3A_158 = vector.broadcast %mul3A_157 : i32 to vector<16xi32>
        %mul3A_159 = arith.muli %iota3A, %mul3A_158 : vector<16xi32>
        %add3A_160 = vector.broadcast %mul3A_69 : i32 to vector<16xi32>
        %add3A_161 = arith.addi %add3A_160, %mul3A_159 : vector<16xi32>
        %add3A_162 = arith.constant 5 : i32
        %add3A_163 = vector.broadcast %add3A_162 : i32 to vector<16xi32>
        %add3A_164 = arith.addi %add3A_161, %add3A_163 : vector<16xi32>
        %gather3A_165 = tpu.vector_load_idx %arg7[%add3A_164] : memref<10240xi32, #tpu.memory_space<vmem>>[vector<16xi32>], vector<16xi32>,
        %eq3A_166 = arith.constant 0 : i32
        %eq3A_167 = vector.broadcast %eq3A_166 : i32 to vector<16xi32>
        %eq3A_168 = arith.cmpi eq, %gather3A_165, %eq3A_167 : vector<16xi32>
        %jit3A_169 = arith.constant 1 : i32
        %jit3A_170 = arith.constant 0 : i32
        %broadcast_in_dim3A_171 = vector.broadcast %jit3A_169 : i32 to vector<16xi32>
        %broadcast_in_dim3A_172 = vector.broadcast %jit3A_170 : i32 to vector<16xi32>
        %select_n3A_173 = arith.select %eq3A_168, %broadcast_in_dim3A_171, %broadcast_in_dim3A_172 : vector<16xi1>, vector<16xi32>
        %add3A_174 = arith.addi %add3A_156, %select_n3A_173 : vector<16xi32>
        %mul3A_175 = arith.constant 20 : i32
        %mul3A_176 = vector.broadcast %mul3A_175 : i32 to vector<16xi32>
        %mul3A_177 = arith.muli %iota3A, %mul3A_176 : vector<16xi32>
        %add3A_178 = vector.broadcast %mul3A_69 : i32 to vector<16xi32>
        %add3A_179 = arith.addi %add3A_178, %mul3A_177 : vector<16xi32>
        %add3A_180 = arith.constant 6 : i32
        %add3A_181 = vector.broadcast %add3A_180 : i32 to vector<16xi32>
        %add3A_182 = arith.addi %add3A_179, %add3A_181 : vector<16xi32>
        %gather3A_183 = tpu.vector_load_idx %arg7[%add3A_182] : memref<10240xi32, #tpu.memory_space<vmem>>[vector<16xi32>], vector<16xi32>,
        %eq3A_184 = arith.constant 0 : i32
        %eq3A_185 = vector.broadcast %eq3A_184 : i32 to vector<16xi32>
        %eq3A_186 = arith.cmpi eq, %gather3A_183, %eq3A_185 : vector<16xi32>
        %jit3A_187 = arith.constant 1 : i32
        %jit3A_188 = arith.constant 0 : i32
        %broadcast_in_dim3A_189 = vector.broadcast %jit3A_187 : i32 to vector<16xi32>
        %broadcast_in_dim3A_190 = vector.broadcast %jit3A_188 : i32 to vector<16xi32>
        %select_n3A_191 = arith.select %eq3A_186, %broadcast_in_dim3A_189, %broadcast_in_dim3A_190 : vector<16xi1>, vector<16xi32>
        %add3A_192 = arith.addi %add3A_174, %select_n3A_191 : vector<16xi32>
        %mul3A_193 = arith.constant 20 : i32
        %mul3A_194 = vector.broadcast %mul3A_193 : i32 to vector<16xi32>
        %mul3A_195 = arith.muli %iota3A, %mul3A_194 : vector<16xi32>
        %add3A_196 = vector.broadcast %mul3A_69 : i32 to vector<16xi32>
        %add3A_197 = arith.addi %add3A_196, %mul3A_195 : vector<16xi32>
        %add3A_198 = arith.constant 7 : i32
        %add3A_199 = vector.broadcast %add3A_198 : i32 to vector<16xi32>
        %add3A_200 = arith.addi %add3A_197, %add3A_199 : vector<16xi32>
        %gather3A_201 = tpu.vector_load_idx %arg7[%add3A_200] : memref<10240xi32, #tpu.memory_space<vmem>>[vector<16xi32>], vector<16xi32>,
        %eq3A_202 = arith.constant 0 : i32
        %eq3A_203 = vector.broadcast %eq3A_202 : i32 to vector<16xi32>
        %eq3A_204 = arith.cmpi eq, %gather3A_201, %eq3A_203 : vector<16xi32>
        %jit3A_205 = arith.constant 1 : i32
        %jit3A_206 = arith.constant 0 : i32
        %broadcast_in_dim3A_207 = vector.broadcast %jit3A_205 : i32 to vector<16xi32>
        %broadcast_in_dim3A_208 = vector.broadcast %jit3A_206 : i32 to vector<16xi32>
        %select_n3A_209 = arith.select %eq3A_204, %broadcast_in_dim3A_207, %broadcast_in_dim3A_208 : vector<16xi1>, vector<16xi32>
        %add3A_210 = arith.addi %add3A_192, %select_n3A_209 : vector<16xi32>
        %mul3A_211 = arith.constant 20 : i32
        %mul3A_212 = vector.broadcast %mul3A_211 : i32 to vector<16xi32>
        %mul3A_213 = arith.muli %iota3A, %mul3A_212 : vector<16xi32>
        %add3A_214 = vector.broadcast %mul3A_69 : i32 to vector<16xi32>
        %add3A_215 = arith.addi %add3A_214, %mul3A_213 : vector<16xi32>
        %add3A_216 = arith.constant 8 : i32
        %add3A_217 = vector.broadcast %add3A_216 : i32 to vector<16xi32>
        %add3A_218 = arith.addi %add3A_215, %add3A_217 : vector<16xi32>
        %gather3A_219 = tpu.vector_load_idx %arg7[%add3A_218] : memref<10240xi32, #tpu.memory_space<vmem>>[vector<16xi32>], vector<16xi32>,
        %eq3A_220 = arith.constant 0 : i32
        %eq3A_221 = vector.broadcast %eq3A_220 : i32 to vector<16xi32>
        %eq3A_222 = arith.cmpi eq, %gather3A_219, %eq3A_221 : vector<16xi32>
        %jit3A_223 = arith.constant 1 : i32
        %jit3A_224 = arith.constant 0 : i32
        %broadcast_in_dim3A_225 = vector.broadcast %jit3A_223 : i32 to vector<16xi32>
        %broadcast_in_dim3A_226 = vector.broadcast %jit3A_224 : i32 to vector<16xi32>
        %select_n3A_227 = arith.select %eq3A_222, %broadcast_in_dim3A_225, %broadcast_in_dim3A_226 : vector<16xi1>, vector<16xi32>
        %add3A_228 = arith.addi %add3A_210, %select_n3A_227 : vector<16xi32>
        %mul3A_229 = arith.constant 20 : i32
        %mul3A_230 = vector.broadcast %mul3A_229 : i32 to vector<16xi32>
        %mul3A_231 = arith.muli %iota3A, %mul3A_230 : vector<16xi32>
        %add3A_232 = vector.broadcast %mul3A_69 : i32 to vector<16xi32>
        %add3A_233 = arith.addi %add3A_232, %mul3A_231 : vector<16xi32>
        %add3A_234 = arith.constant 9 : i32
        %add3A_235 = vector.broadcast %add3A_234 : i32 to vector<16xi32>
        %add3A_236 = arith.addi %add3A_233, %add3A_235 : vector<16xi32>
        %gather3A_237 = tpu.vector_load_idx %arg7[%add3A_236] : memref<10240xi32, #tpu.memory_space<vmem>>[vector<16xi32>], vector<16xi32>,
        %eq3A_238 = arith.constant 0 : i32
        %eq3A_239 = vector.broadcast %eq3A_238 : i32 to vector<16xi32>
        %eq3A_240 = arith.cmpi eq, %gather3A_237, %eq3A_239 : vector<16xi32>
        %jit3A_241 = arith.constant 1 : i32
        %jit3A_242 = arith.constant 0 : i32
        %broadcast_in_dim3A_243 = vector.broadcast %jit3A_241 : i32 to vector<16xi32>
        %broadcast_in_dim3A_244 = vector.broadcast %jit3A_242 : i32 to vector<16xi32>
        %select_n3A_245 = arith.select %eq3A_240, %broadcast_in_dim3A_243, %broadcast_in_dim3A_244 : vector<16xi1>, vector<16xi32>
        %add3A_246 = arith.addi %add3A_228, %select_n3A_245 : vector<16xi32>
        %mul3A_247 = arith.constant 20 : i32
        %mul3A_248 = vector.broadcast %mul3A_247 : i32 to vector<16xi32>
        %mul3A_249 = arith.muli %iota3A, %mul3A_248 : vector<16xi32>
        %add3A_250 = vector.broadcast %mul3A_69 : i32 to vector<16xi32>
        %add3A_251 = arith.addi %add3A_250, %mul3A_249 : vector<16xi32>
        %add3A_252 = arith.constant 10 : i32
        %add3A_253 = vector.broadcast %add3A_252 : i32 to vector<16xi32>
        %add3A_254 = arith.addi %add3A_251, %add3A_253 : vector<16xi32>
        %gather3A_255 = tpu.vector_load_idx %arg7[%add3A_254] : memref<10240xi32, #tpu.memory_space<vmem>>[vector<16xi32>], vector<16xi32>,
        %eq3A_256 = arith.constant 0 : i32
        %eq3A_257 = vector.broadcast %eq3A_256 : i32 to vector<16xi32>
        %eq3A_258 = arith.cmpi eq, %gather3A_255, %eq3A_257 : vector<16xi32>
        %jit3A_259 = arith.constant 1 : i32
        %jit3A_260 = arith.constant 0 : i32
        %broadcast_in_dim3A_261 = vector.broadcast %jit3A_259 : i32 to vector<16xi32>
        %broadcast_in_dim3A_262 = vector.broadcast %jit3A_260 : i32 to vector<16xi32>
        %select_n3A_263 = arith.select %eq3A_258, %broadcast_in_dim3A_261, %broadcast_in_dim3A_262 : vector<16xi1>, vector<16xi32>
        %add3A_264 = arith.addi %add3A_246, %select_n3A_263 : vector<16xi32>
        %mul3A_265 = arith.constant 20 : i32
        %mul3A_266 = vector.broadcast %mul3A_265 : i32 to vector<16xi32>
        %mul3A_267 = arith.muli %iota3A, %mul3A_266 : vector<16xi32>
        %add3A_268 = vector.broadcast %mul3A_69 : i32 to vector<16xi32>
        %add3A_269 = arith.addi %add3A_268, %mul3A_267 : vector<16xi32>
        %add3A_270 = arith.constant 11 : i32
        %add3A_271 = vector.broadcast %add3A_270 : i32 to vector<16xi32>
        %add3A_272 = arith.addi %add3A_269, %add3A_271 : vector<16xi32>
        %gather3A_273 = tpu.vector_load_idx %arg7[%add3A_272] : memref<10240xi32, #tpu.memory_space<vmem>>[vector<16xi32>], vector<16xi32>,
        %eq3A_274 = arith.constant 0 : i32
        %eq3A_275 = vector.broadcast %eq3A_274 : i32 to vector<16xi32>
        %eq3A_276 = arith.cmpi eq, %gather3A_273, %eq3A_275 : vector<16xi32>
        %jit3A_277 = arith.constant 1 : i32
        %jit3A_278 = arith.constant 0 : i32
        %broadcast_in_dim3A_279 = vector.broadcast %jit3A_277 : i32 to vector<16xi32>
        %broadcast_in_dim3A_280 = vector.broadcast %jit3A_278 : i32 to vector<16xi32>
        %select_n3A_281 = arith.select %eq3A_276, %broadcast_in_dim3A_279, %broadcast_in_dim3A_280 : vector<16xi1>, vector<16xi32>
        %add3A_282 = arith.addi %add3A_264, %select_n3A_281 : vector<16xi32>
        %mul3A_283 = arith.constant 20 : i32
        %mul3A_284 = vector.broadcast %mul3A_283 : i32 to vector<16xi32>
        %mul3A_285 = arith.muli %iota3A, %mul3A_284 : vector<16xi32>
        %add3A_286 = vector.broadcast %mul3A_69 : i32 to vector<16xi32>
        %add3A_287 = arith.addi %add3A_286, %mul3A_285 : vector<16xi32>
        %add3A_288 = arith.constant 12 : i32
        %add3A_289 = vector.broadcast %add3A_288 : i32 to vector<16xi32>
        %add3A_290 = arith.addi %add3A_287, %add3A_289 : vector<16xi32>
        %gather3A_291 = tpu.vector_load_idx %arg7[%add3A_290] : memref<10240xi32, #tpu.memory_space<vmem>>[vector<16xi32>], vector<16xi32>,
        %eq3A_292 = arith.constant 0 : i32
        %eq3A_293 = vector.broadcast %eq3A_292 : i32 to vector<16xi32>
        %eq3A_294 = arith.cmpi eq, %gather3A_291, %eq3A_293 : vector<16xi32>
        %jit3A_295 = arith.constant 1 : i32
        %jit3A_296 = arith.constant 0 : i32
        %broadcast_in_dim3A_297 = vector.broadcast %jit3A_295 : i32 to vector<16xi32>
        %broadcast_in_dim3A_298 = vector.broadcast %jit3A_296 : i32 to vector<16xi32>
        %select_n3A_299 = arith.select %eq3A_294, %broadcast_in_dim3A_297, %broadcast_in_dim3A_298 : vector<16xi1>, vector<16xi32>
        %add3A_300 = arith.addi %add3A_282, %select_n3A_299 : vector<16xi32>
        %mul3A_301 = arith.constant 20 : i32
        %mul3A_302 = vector.broadcast %mul3A_301 : i32 to vector<16xi32>
        %mul3A_303 = arith.muli %iota3A, %mul3A_302 : vector<16xi32>
        %add3A_304 = vector.broadcast %mul3A_69 : i32 to vector<16xi32>
        %add3A_305 = arith.addi %add3A_304, %mul3A_303 : vector<16xi32>
        %add3A_306 = arith.constant 13 : i32
        %add3A_307 = vector.broadcast %add3A_306 : i32 to vector<16xi32>
        %add3A_308 = arith.addi %add3A_305, %add3A_307 : vector<16xi32>
        %gather3A_309 = tpu.vector_load_idx %arg7[%add3A_308] : memref<10240xi32, #tpu.memory_space<vmem>>[vector<16xi32>], vector<16xi32>,
        %eq3A_310 = arith.constant 0 : i32
        %eq3A_311 = vector.broadcast %eq3A_310 : i32 to vector<16xi32>
        %eq3A_312 = arith.cmpi eq, %gather3A_309, %eq3A_311 : vector<16xi32>
        %jit3A_313 = arith.constant 1 : i32
        %jit3A_314 = arith.constant 0 : i32
        %broadcast_in_dim3A_315 = vector.broadcast %jit3A_313 : i32 to vector<16xi32>
        %broadcast_in_dim3A_316 = vector.broadcast %jit3A_314 : i32 to vector<16xi32>
        %select_n3A_317 = arith.select %eq3A_312, %broadcast_in_dim3A_315, %broadcast_in_dim3A_316 : vector<16xi1>, vector<16xi32>
        %add3A_318 = arith.addi %add3A_300, %select_n3A_317 : vector<16xi32>
        %mul3A_319 = arith.constant 20 : i32
        %mul3A_320 = vector.broadcast %mul3A_319 : i32 to vector<16xi32>
        %mul3A_321 = arith.muli %iota3A, %mul3A_320 : vector<16xi32>
        %add3A_322 = vector.broadcast %mul3A_69 : i32 to vector<16xi32>
        %add3A_323 = arith.addi %add3A_322, %mul3A_321 : vector<16xi32>
        %add3A_324 = arith.constant 14 : i32
        %add3A_325 = vector.broadcast %add3A_324 : i32 to vector<16xi32>
        %add3A_326 = arith.addi %add3A_323, %add3A_325 : vector<16xi32>
        %gather3A_327 = tpu.vector_load_idx %arg7[%add3A_326] : memref<10240xi32, #tpu.memory_space<vmem>>[vector<16xi32>], vector<16xi32>,
        %eq3A_328 = arith.constant 0 : i32
        %eq3A_329 = vector.broadcast %eq3A_328 : i32 to vector<16xi32>
        %eq3A_330 = arith.cmpi eq, %gather3A_327, %eq3A_329 : vector<16xi32>
        %jit3A_331 = arith.constant 1 : i32
        %jit3A_332 = arith.constant 0 : i32
        %broadcast_in_dim3A_333 = vector.broadcast %jit3A_331 : i32 to vector<16xi32>
        %broadcast_in_dim3A_334 = vector.broadcast %jit3A_332 : i32 to vector<16xi32>
        %select_n3A_335 = arith.select %eq3A_330, %broadcast_in_dim3A_333, %broadcast_in_dim3A_334 : vector<16xi1>, vector<16xi32>
        %add3A_336 = arith.addi %add3A_318, %select_n3A_335 : vector<16xi32>
        %mul3A_337 = arith.constant 20 : i32
        %mul3A_338 = vector.broadcast %mul3A_337 : i32 to vector<16xi32>
        %mul3A_339 = arith.muli %iota3A, %mul3A_338 : vector<16xi32>
        %add3A_340 = vector.broadcast %mul3A_69 : i32 to vector<16xi32>
        %add3A_341 = arith.addi %add3A_340, %mul3A_339 : vector<16xi32>
        %add3A_342 = arith.constant 15 : i32
        %add3A_343 = vector.broadcast %add3A_342 : i32 to vector<16xi32>
        %add3A_344 = arith.addi %add3A_341, %add3A_343 : vector<16xi32>
        %gather3A_345 = tpu.vector_load_idx %arg7[%add3A_344] : memref<10240xi32, #tpu.memory_space<vmem>>[vector<16xi32>], vector<16xi32>,
        %eq3A_346 = arith.constant 0 : i32
        %eq3A_347 = vector.broadcast %eq3A_346 : i32 to vector<16xi32>
        %eq3A_348 = arith.cmpi eq, %gather3A_345, %eq3A_347 : vector<16xi32>
        %jit3A_349 = arith.constant 1 : i32
        %jit3A_350 = arith.constant 0 : i32
        %broadcast_in_dim3A_351 = vector.broadcast %jit3A_349 : i32 to vector<16xi32>
        %broadcast_in_dim3A_352 = vector.broadcast %jit3A_350 : i32 to vector<16xi32>
        %select_n3A_353 = arith.select %eq3A_348, %broadcast_in_dim3A_351, %broadcast_in_dim3A_352 : vector<16xi1>, vector<16xi32>
        %add3A_354 = arith.addi %add3A_336, %select_n3A_353 : vector<16xi32>
        %mul3A_355 = arith.constant 20 : i32
        %mul3A_356 = vector.broadcast %mul3A_355 : i32 to vector<16xi32>
        %mul3A_357 = arith.muli %iota3A, %mul3A_356 : vector<16xi32>
        %add3A_358 = vector.broadcast %mul3A_69 : i32 to vector<16xi32>
        %add3A_359 = arith.addi %add3A_358, %mul3A_357 : vector<16xi32>
        %add3A_360 = arith.constant 16 : i32
        %add3A_361 = vector.broadcast %add3A_360 : i32 to vector<16xi32>
        %add3A_362 = arith.addi %add3A_359, %add3A_361 : vector<16xi32>
        %gather3A_363 = tpu.vector_load_idx %arg7[%add3A_362] : memref<10240xi32, #tpu.memory_space<vmem>>[vector<16xi32>], vector<16xi32>,
        %eq3A_364 = arith.constant 0 : i32
        %eq3A_365 = vector.broadcast %eq3A_364 : i32 to vector<16xi32>
        %eq3A_366 = arith.cmpi eq, %gather3A_363, %eq3A_365 : vector<16xi32>
        %jit3A_367 = arith.constant 1 : i32
        %jit3A_368 = arith.constant 0 : i32
        %broadcast_in_dim3A_369 = vector.broadcast %jit3A_367 : i32 to vector<16xi32>
        %broadcast_in_dim3A_370 = vector.broadcast %jit3A_368 : i32 to vector<16xi32>
        %select_n3A_371 = arith.select %eq3A_366, %broadcast_in_dim3A_369, %broadcast_in_dim3A_370 : vector<16xi1>, vector<16xi32>
        %add3A_372 = arith.addi %add3A_354, %select_n3A_371 : vector<16xi32>
        %mul3A_373 = arith.constant 20 : i32
        %mul3A_374 = vector.broadcast %mul3A_373 : i32 to vector<16xi32>
        %mul3A_375 = arith.muli %iota3A, %mul3A_374 : vector<16xi32>
        %add3A_376 = vector.broadcast %mul3A_69 : i32 to vector<16xi32>
        %add3A_377 = arith.addi %add3A_376, %mul3A_375 : vector<16xi32>
        %add3A_378 = arith.constant 17 : i32
        %add3A_379 = vector.broadcast %add3A_378 : i32 to vector<16xi32>
        %add3A_380 = arith.addi %add3A_377, %add3A_379 : vector<16xi32>
        %gather3A_381 = tpu.vector_load_idx %arg7[%add3A_380] : memref<10240xi32, #tpu.memory_space<vmem>>[vector<16xi32>], vector<16xi32>,
        %eq3A_382 = arith.constant 0 : i32
        %eq3A_383 = vector.broadcast %eq3A_382 : i32 to vector<16xi32>
        %eq3A_384 = arith.cmpi eq, %gather3A_381, %eq3A_383 : vector<16xi32>
        %jit3A_385 = arith.constant 1 : i32
        %jit3A_386 = arith.constant 0 : i32
        %broadcast_in_dim3A_387 = vector.broadcast %jit3A_385 : i32 to vector<16xi32>
        %broadcast_in_dim3A_388 = vector.broadcast %jit3A_386 : i32 to vector<16xi32>
        %select_n3A_389 = arith.select %eq3A_384, %broadcast_in_dim3A_387, %broadcast_in_dim3A_388 : vector<16xi1>, vector<16xi32>
        %add3A_390 = arith.addi %add3A_372, %select_n3A_389 : vector<16xi32>
        %mul3A_391 = arith.constant 20 : i32
        %mul3A_392 = vector.broadcast %mul3A_391 : i32 to vector<16xi32>
        %mul3A_393 = arith.muli %iota3A, %mul3A_392 : vector<16xi32>
        %add3A_394 = vector.broadcast %mul3A_69 : i32 to vector<16xi32>
        %add3A_395 = arith.addi %add3A_394, %mul3A_393 : vector<16xi32>
        %add3A_396 = arith.constant 18 : i32
        %add3A_397 = vector.broadcast %add3A_396 : i32 to vector<16xi32>
        %add3A_398 = arith.addi %add3A_395, %add3A_397 : vector<16xi32>
        %gather3A_399 = tpu.vector_load_idx %arg7[%add3A_398] : memref<10240xi32, #tpu.memory_space<vmem>>[vector<16xi32>], vector<16xi32>,
        %eq3A_400 = arith.constant 0 : i32
        %eq3A_401 = vector.broadcast %eq3A_400 : i32 to vector<16xi32>
        %eq3A_402 = arith.cmpi eq, %gather3A_399, %eq3A_401 : vector<16xi32>
        %jit3A_403 = arith.constant 1 : i32
        %jit3A_404 = arith.constant 0 : i32
        %broadcast_in_dim3A_405 = vector.broadcast %jit3A_403 : i32 to vector<16xi32>
        %broadcast_in_dim3A_406 = vector.broadcast %jit3A_404 : i32 to vector<16xi32>
        %select_n3A_407 = arith.select %eq3A_402, %broadcast_in_dim3A_405, %broadcast_in_dim3A_406 : vector<16xi1>, vector<16xi32>
        %add3A_408 = arith.addi %add3A_390, %select_n3A_407 : vector<16xi32>
        %mul3A_409 = arith.constant 20 : i32
        %mul3A_410 = vector.broadcast %mul3A_409 : i32 to vector<16xi32>
        %mul3A_411 = arith.muli %iota3A, %mul3A_410 : vector<16xi32>
        %add3A_412 = vector.broadcast %mul3A_69 : i32 to vector<16xi32>
        %add3A_413 = arith.addi %add3A_412, %mul3A_411 : vector<16xi32>
        %add3A_414 = arith.constant 19 : i32
        %add3A_415 = vector.broadcast %add3A_414 : i32 to vector<16xi32>
        %add3A_416 = arith.addi %add3A_413, %add3A_415 : vector<16xi32>
        %gather3A_417 = tpu.vector_load_idx %arg7[%add3A_416] : memref<10240xi32, #tpu.memory_space<vmem>>[vector<16xi32>], vector<16xi32>,
        %eq3A_418 = arith.constant 0 : i32
        %eq3A_419 = vector.broadcast %eq3A_418 : i32 to vector<16xi32>
        %eq3A_420 = arith.cmpi eq, %gather3A_417, %eq3A_419 : vector<16xi32>
        %jit3A_421 = arith.constant 1 : i32
        %jit3A_422 = arith.constant 0 : i32
        %broadcast_in_dim3A_423 = vector.broadcast %jit3A_421 : i32 to vector<16xi32>
        %broadcast_in_dim3A_424 = vector.broadcast %jit3A_422 : i32 to vector<16xi32>
        %select_n3A_425 = arith.select %eq3A_420, %broadcast_in_dim3A_423, %broadcast_in_dim3A_424 : vector<16xi1>, vector<16xi32>
        %add3A_426 = arith.addi %add3A_408, %select_n3A_425 : vector<16xi32>
        %mul3A_427 = arith.constant 16 : i32
        %mul3A_428 = vector.broadcast %mul3A_427 : i32 to vector<16xi32>
        %mul3A_429 = arith.muli %iota3A, %mul3A_428 : vector<16xi32>
        %add3A_430 = arith.constant 0 : i32
        %add3A_431 = vector.broadcast %add3A_430 : i32 to vector<16xi32>
        %add3A_432 = arith.addi %add3A_431, %mul3A_429 : vector<16xi32>
        %broadcast_in_dim3A_433 = arith.constant 0.000000e+00 : f32
        %broadcast_in_dim3A_434 = vector.broadcast %broadcast_in_dim3A_433 : f32 to vector<16xf32>
        %broadcast_in_dim3A_435 = arith.constant 0.000000e+00 : f32
        %broadcast_in_dim3A_436 = vector.broadcast %broadcast_in_dim3A_435 : f32 to vector<16xf32>
        %add3A_437 = arith.constant 0 : i32
        %add3A_438 = vector.broadcast %add3A_437 : i32 to vector<16xi32>
        %add3A_439 = arith.addi %add3A_432, %add3A_438 : vector<16xi32>
        %gather3A_440 = tpu.vector_load_idx %arg14[%add3A_439] : memref<512xf32, #tpu.memory_space<vmem>>[vector<16xi32>], vector<16xf32>,
        %add3A_441 = arith.addf %broadcast_in_dim3A_434, %gather3A_440 : vector<16xf32>
        %add3A_442 = arith.constant 0 : i32
        %add3A_443 = vector.broadcast %add3A_442 : i32 to vector<16xi32>
        %add3A_444 = arith.addi %add3A_432, %add3A_443 : vector<16xi32>
        %gather3A_445 = tpu.vector_load_idx %arg15[%add3A_444] : memref<512xf32, #tpu.memory_space<vmem>>[vector<16xi32>], vector<16xf32>,
        %add3A_446 = arith.addf %broadcast_in_dim3A_436, %gather3A_445 : vector<16xf32>
        %add3A_447 = arith.constant 1 : i32
        %add3A_448 = vector.broadcast %add3A_447 : i32 to vector<16xi32>
        %add3A_449 = arith.addi %add3A_432, %add3A_448 : vector<16xi32>
        %gather3A_450 = tpu.vector_load_idx %arg14[%add3A_449] : memref<512xf32, #tpu.memory_space<vmem>>[vector<16xi32>], vector<16xf32>,
        %add3A_451 = arith.addf %add3A_441, %gather3A_450 : vector<16xf32>
        %add3A_452 = arith.constant 1 : i32
        %add3A_453 = vector.broadcast %add3A_452 : i32 to vector<16xi32>
        %add3A_454 = arith.addi %add3A_432, %add3A_453 : vector<16xi32>
        %gather3A_455 = tpu.vector_load_idx %arg15[%add3A_454] : memref<512xf32, #tpu.memory_space<vmem>>[vector<16xi32>], vector<16xf32>,
        %add3A_456 = arith.addf %add3A_446, %gather3A_455 : vector<16xf32>
        %add3A_457 = arith.constant 2 : i32
        %add3A_458 = vector.broadcast %add3A_457 : i32 to vector<16xi32>
        %add3A_459 = arith.addi %add3A_432, %add3A_458 : vector<16xi32>
        %gather3A_460 = tpu.vector_load_idx %arg14[%add3A_459] : memref<512xf32, #tpu.memory_space<vmem>>[vector<16xi32>], vector<16xf32>,
        %add3A_461 = arith.addf %add3A_451, %gather3A_460 : vector<16xf32>
        %add3A_462 = arith.constant 2 : i32
        %add3A_463 = vector.broadcast %add3A_462 : i32 to vector<16xi32>
        %add3A_464 = arith.addi %add3A_432, %add3A_463 : vector<16xi32>
        %gather3A_465 = tpu.vector_load_idx %arg15[%add3A_464] : memref<512xf32, #tpu.memory_space<vmem>>[vector<16xi32>], vector<16xf32>,
        %add3A_466 = arith.addf %add3A_456, %gather3A_465 : vector<16xf32>
        %add3A_467 = arith.constant 3 : i32
        %add3A_468 = vector.broadcast %add3A_467 : i32 to vector<16xi32>
        %add3A_469 = arith.addi %add3A_432, %add3A_468 : vector<16xi32>
        %gather3A_470 = tpu.vector_load_idx %arg14[%add3A_469] : memref<512xf32, #tpu.memory_space<vmem>>[vector<16xi32>], vector<16xf32>,
        %add3A_471 = arith.addf %add3A_461, %gather3A_470 : vector<16xf32>
        %add3A_472 = arith.constant 3 : i32
        %add3A_473 = vector.broadcast %add3A_472 : i32 to vector<16xi32>
        %add3A_474 = arith.addi %add3A_432, %add3A_473 : vector<16xi32>
        %gather3A_475 = tpu.vector_load_idx %arg15[%add3A_474] : memref<512xf32, #tpu.memory_space<vmem>>[vector<16xi32>], vector<16xf32>,
        %add3A_476 = arith.addf %add3A_466, %gather3A_475 : vector<16xf32>
        %add3A_477 = arith.constant 4 : i32
        %add3A_478 = vector.broadcast %add3A_477 : i32 to vector<16xi32>
        %add3A_479 = arith.addi %add3A_432, %add3A_478 : vector<16xi32>
        %gather3A_480 = tpu.vector_load_idx %arg14[%add3A_479] : memref<512xf32, #tpu.memory_space<vmem>>[vector<16xi32>], vector<16xf32>,
        %add3A_481 = arith.addf %add3A_471, %gather3A_480 : vector<16xf32>
        %add3A_482 = arith.constant 4 : i32
        %add3A_483 = vector.broadcast %add3A_482 : i32 to vector<16xi32>
        %add3A_484 = arith.addi %add3A_432, %add3A_483 : vector<16xi32>
        %gather3A_485 = tpu.vector_load_idx %arg15[%add3A_484] : memref<512xf32, #tpu.memory_space<vmem>>[vector<16xi32>], vector<16xf32>,
        %add3A_486 = arith.addf %add3A_476, %gather3A_485 : vector<16xf32>
        %add3A_487 = arith.constant 5 : i32
        %add3A_488 = vector.broadcast %add3A_487 : i32 to vector<16xi32>
        %add3A_489 = arith.addi %add3A_432, %add3A_488 : vector<16xi32>
        %gather3A_490 = tpu.vector_load_idx %arg14[%add3A_489] : memref<512xf32, #tpu.memory_space<vmem>>[vector<16xi32>], vector<16xf32>,
        %add3A_491 = arith.addf %add3A_481, %gather3A_490 : vector<16xf32>
        %add3A_492 = arith.constant 5 : i32
        %add3A_493 = vector.broadcast %add3A_492 : i32 to vector<16xi32>
        %add3A_494 = arith.addi %add3A_432, %add3A_493 : vector<16xi32>
        %gather3A_495 = tpu.vector_load_idx %arg15[%add3A_494] : memref<512xf32, #tpu.memory_space<vmem>>[vector<16xi32>], vector<16xf32>,
        %add3A_496 = arith.addf %add3A_486, %gather3A_495 : vector<16xf32>
        %add3A_497 = arith.constant 6 : i32
        %add3A_498 = vector.broadcast %add3A_497 : i32 to vector<16xi32>
        %add3A_499 = arith.addi %add3A_432, %add3A_498 : vector<16xi32>
        %gather3A_500 = tpu.vector_load_idx %arg14[%add3A_499] : memref<512xf32, #tpu.memory_space<vmem>>[vector<16xi32>], vector<16xf32>,
        %add3A_501 = arith.addf %add3A_491, %gather3A_500 : vector<16xf32>
        %add3A_502 = arith.constant 6 : i32
        %add3A_503 = vector.broadcast %add3A_502 : i32 to vector<16xi32>
        %add3A_504 = arith.addi %add3A_432, %add3A_503 : vector<16xi32>
        %gather3A_505 = tpu.vector_load_idx %arg15[%add3A_504] : memref<512xf32, #tpu.memory_space<vmem>>[vector<16xi32>], vector<16xf32>,
        %add3A_506 = arith.addf %add3A_496, %gather3A_505 : vector<16xf32>
        %add3A_507 = arith.constant 7 : i32
        %add3A_508 = vector.broadcast %add3A_507 : i32 to vector<16xi32>
        %add3A_509 = arith.addi %add3A_432, %add3A_508 : vector<16xi32>
        %gather3A_510 = tpu.vector_load_idx %arg14[%add3A_509] : memref<512xf32, #tpu.memory_space<vmem>>[vector<16xi32>], vector<16xf32>,
        %add3A_511 = arith.addf %add3A_501, %gather3A_510 : vector<16xf32>
        %add3A_512 = arith.constant 7 : i32
        %add3A_513 = vector.broadcast %add3A_512 : i32 to vector<16xi32>
        %add3A_514 = arith.addi %add3A_432, %add3A_513 : vector<16xi32>
        %gather3A_515 = tpu.vector_load_idx %arg15[%add3A_514] : memref<512xf32, #tpu.memory_space<vmem>>[vector<16xi32>], vector<16xf32>,
        %add3A_516 = arith.addf %add3A_506, %gather3A_515 : vector<16xf32>
        %add3A_517 = arith.constant 8 : i32
        %add3A_518 = vector.broadcast %add3A_517 : i32 to vector<16xi32>
        %add3A_519 = arith.addi %add3A_432, %add3A_518 : vector<16xi32>
        %gather3A_520 = tpu.vector_load_idx %arg14[%add3A_519] : memref<512xf32, #tpu.memory_space<vmem>>[vector<16xi32>], vector<16xf32>,
        %add3A_521 = arith.addf %add3A_511, %gather3A_520 : vector<16xf32>
        %add3A_522 = arith.constant 8 : i32
        %add3A_523 = vector.broadcast %add3A_522 : i32 to vector<16xi32>
        %add3A_524 = arith.addi %add3A_432, %add3A_523 : vector<16xi32>
        %gather3A_525 = tpu.vector_load_idx %arg15[%add3A_524] : memref<512xf32, #tpu.memory_space<vmem>>[vector<16xi32>], vector<16xf32>,
        %add3A_526 = arith.addf %add3A_516, %gather3A_525 : vector<16xf32>
        %add3A_527 = arith.constant 9 : i32
        %add3A_528 = vector.broadcast %add3A_527 : i32 to vector<16xi32>
        %add3A_529 = arith.addi %add3A_432, %add3A_528 : vector<16xi32>
        %gather3A_530 = tpu.vector_load_idx %arg14[%add3A_529] : memref<512xf32, #tpu.memory_space<vmem>>[vector<16xi32>], vector<16xf32>,
        %add3A_531 = arith.addf %add3A_521, %gather3A_530 : vector<16xf32>
        %add3A_532 = arith.constant 9 : i32
        %add3A_533 = vector.broadcast %add3A_532 : i32 to vector<16xi32>
        %add3A_534 = arith.addi %add3A_432, %add3A_533 : vector<16xi32>
        %gather3A_535 = tpu.vector_load_idx %arg15[%add3A_534] : memref<512xf32, #tpu.memory_space<vmem>>[vector<16xi32>], vector<16xf32>,
        %add3A_536 = arith.addf %add3A_526, %gather3A_535 : vector<16xf32>
        %add3A_537 = arith.constant 10 : i32
        %add3A_538 = vector.broadcast %add3A_537 : i32 to vector<16xi32>
        %add3A_539 = arith.addi %add3A_432, %add3A_538 : vector<16xi32>
        %gather3A_540 = tpu.vector_load_idx %arg14[%add3A_539] : memref<512xf32, #tpu.memory_space<vmem>>[vector<16xi32>], vector<16xf32>,
        %add3A_541 = arith.addf %add3A_531, %gather3A_540 : vector<16xf32>
        %add3A_542 = arith.constant 10 : i32
        %add3A_543 = vector.broadcast %add3A_542 : i32 to vector<16xi32>
        %add3A_544 = arith.addi %add3A_432, %add3A_543 : vector<16xi32>
        %gather3A_545 = tpu.vector_load_idx %arg15[%add3A_544] : memref<512xf32, #tpu.memory_space<vmem>>[vector<16xi32>], vector<16xf32>,
        %add3A_546 = arith.addf %add3A_536, %gather3A_545 : vector<16xf32>
        %add3A_547 = arith.constant 11 : i32
        %add3A_548 = vector.broadcast %add3A_547 : i32 to vector<16xi32>
        %add3A_549 = arith.addi %add3A_432, %add3A_548 : vector<16xi32>
        %gather3A_550 = tpu.vector_load_idx %arg14[%add3A_549] : memref<512xf32, #tpu.memory_space<vmem>>[vector<16xi32>], vector<16xf32>,
        %add3A_551 = arith.addf %add3A_541, %gather3A_550 : vector<16xf32>
        %add3A_552 = arith.constant 11 : i32
        %add3A_553 = vector.broadcast %add3A_552 : i32 to vector<16xi32>
        %add3A_554 = arith.addi %add3A_432, %add3A_553 : vector<16xi32>
        %gather3A_555 = tpu.vector_load_idx %arg15[%add3A_554] : memref<512xf32, #tpu.memory_space<vmem>>[vector<16xi32>], vector<16xf32>,
        %add3A_556 = arith.addf %add3A_546, %gather3A_555 : vector<16xf32>
        %add3A_557 = arith.constant 12 : i32
        %add3A_558 = vector.broadcast %add3A_557 : i32 to vector<16xi32>
        %add3A_559 = arith.addi %add3A_432, %add3A_558 : vector<16xi32>
        %gather3A_560 = tpu.vector_load_idx %arg14[%add3A_559] : memref<512xf32, #tpu.memory_space<vmem>>[vector<16xi32>], vector<16xf32>,
        %add3A_561 = arith.addf %add3A_551, %gather3A_560 : vector<16xf32>
        %add3A_562 = arith.constant 12 : i32
        %add3A_563 = vector.broadcast %add3A_562 : i32 to vector<16xi32>
        %add3A_564 = arith.addi %add3A_432, %add3A_563 : vector<16xi32>
        %gather3A_565 = tpu.vector_load_idx %arg15[%add3A_564] : memref<512xf32, #tpu.memory_space<vmem>>[vector<16xi32>], vector<16xf32>,
        %add3A_566 = arith.addf %add3A_556, %gather3A_565 : vector<16xf32>
        %add3A_567 = arith.constant 13 : i32
        %add3A_568 = vector.broadcast %add3A_567 : i32 to vector<16xi32>
        %add3A_569 = arith.addi %add3A_432, %add3A_568 : vector<16xi32>
        %gather3A_570 = tpu.vector_load_idx %arg14[%add3A_569] : memref<512xf32, #tpu.memory_space<vmem>>[vector<16xi32>], vector<16xf32>,
        %add3A_571 = arith.addf %add3A_561, %gather3A_570 : vector<16xf32>
        %add3A_572 = arith.constant 13 : i32
        %add3A_573 = vector.broadcast %add3A_572 : i32 to vector<16xi32>
        %add3A_574 = arith.addi %add3A_432, %add3A_573 : vector<16xi32>
        %gather3A_575 = tpu.vector_load_idx %arg15[%add3A_574] : memref<512xf32, #tpu.memory_space<vmem>>[vector<16xi32>], vector<16xf32>,
        %add3A_576 = arith.addf %add3A_566, %gather3A_575 : vector<16xf32>
        %add3A_577 = arith.constant 14 : i32
        %add3A_578 = vector.broadcast %add3A_577 : i32 to vector<16xi32>
        %add3A_579 = arith.addi %add3A_432, %add3A_578 : vector<16xi32>
        %gather3A_580 = tpu.vector_load_idx %arg14[%add3A_579] : memref<512xf32, #tpu.memory_space<vmem>>[vector<16xi32>], vector<16xf32>,
        %add3A_581 = arith.addf %add3A_571, %gather3A_580 : vector<16xf32>
        %add3A_582 = arith.constant 14 : i32
        %add3A_583 = vector.broadcast %add3A_582 : i32 to vector<16xi32>
        %add3A_584 = arith.addi %add3A_432, %add3A_583 : vector<16xi32>
        %gather3A_585 = tpu.vector_load_idx %arg15[%add3A_584] : memref<512xf32, #tpu.memory_space<vmem>>[vector<16xi32>], vector<16xf32>,
        %add3A_586 = arith.addf %add3A_576, %gather3A_585 : vector<16xf32>
        %add3A_587 = arith.constant 15 : i32
        %add3A_588 = vector.broadcast %add3A_587 : i32 to vector<16xi32>
        %add3A_589 = arith.addi %add3A_432, %add3A_588 : vector<16xi32>
        %gather3A_590 = tpu.vector_load_idx %arg14[%add3A_589] : memref<512xf32, #tpu.memory_space<vmem>>[vector<16xi32>], vector<16xf32>,
        %add3A_591 = arith.addf %add3A_581, %gather3A_590 : vector<16xf32>
        %add3A_592 = arith.constant 15 : i32
        %add3A_593 = vector.broadcast %add3A_592 : i32 to vector<16xi32>
        %add3A_594 = arith.addi %add3A_432, %add3A_593 : vector<16xi32>
        %gather3A_595 = tpu.vector_load_idx %arg15[%add3A_594] : memref<512xf32, #tpu.memory_space<vmem>>[vector<16xi32>], vector<16xf32>,
        %add3A_596 = arith.addf %add3A_586, %gather3A_595 : vector<16xf32>
        %convert_element_type3A_597 = arith.sitofp %add3A_426 : vector<16xi32> to vector<16xf32>
        %mul3A_598 = arith.mulf %convert_element_type3A_597, %add3A_596 : vector<16xf32>
        %sub3A = arith.subf %add3A_591, %mul3A_598 : vector<16xf32>
        %sub3A_599 = arith.constant 2.000000e+01 : f32
        %sub3A_600 = vector.broadcast %sub3A_599 : f32 to vector<16xf32>
        %sub3A_601 = arith.subf %sub3A_600, %convert_element_type3A_597 : vector<16xf32>
        %div3A = arith.divf %sub3A, %sub3A_601 : vector<16xf32>
        %mul3A_602 = arith.constant 32 : i32
        %mul3A_603 = arith.muli %scan3A_36, %mul3A_602 : i32
        %add3A_604 = arith.constant 0 : i32
        %add3A_605 = arith.addi %mul3A_603, %add3A_604 : i32
        %swap3A = arith.index_cast %add3A_605 : i32 to index
        %swap3A_606 = tpu.vector_load %arg16[%swap3A] {strides = array<i32>} : memref<512xf32, #tpu.memory_space<vmem>>, vector<16xf32>,
        tpu.vector_store %arg16[%swap3A], %div3A {strides = array<i32>} : memref<512xf32, #tpu.memory_space<vmem>>, vector<16xf32>,
        %broadcast_in_dim3A_607 = arith.constant 0 : i32
        %broadcast_in_dim3A_608 = vector.broadcast %broadcast_in_dim3A_607 : i32 to vector<16xi32>
        %mul3A_609 = arith.constant 32 : i32
        %mul3A_610 = arith.muli %scan3A_36, %mul3A_609 : i32
        %add3A_611 = arith.constant 16 : i32
        %add3A_612 = arith.addi %mul3A_610, %add3A_611 : i32
        %mul3A_613 = arith.constant 20 : i32
        %mul3A_614 = arith.muli %add3A_612, %mul3A_613 : i32
        %mul3A_615 = arith.constant 20 : i32
        %mul3A_616 = vector.broadcast %mul3A_615 : i32 to vector<16xi32>
        %mul3A_617 = arith.muli %iota3A, %mul3A_616 : vector<16xi32>
        %add3A_618 = vector.broadcast %mul3A_614 : i32 to vector<16xi32>
        %add3A_619 = arith.addi %add3A_618, %mul3A_617 : vector<16xi32>
        %add3A_620 = arith.constant 0 : i32
        %add3A_621 = vector.broadcast %add3A_620 : i32 to vector<16xi32>
        %add3A_622 = arith.addi %add3A_619, %add3A_621 : vector<16xi32>
        %gather3A_623 = tpu.vector_load_idx %arg7[%add3A_622] : memref<10240xi32, #tpu.memory_space<vmem>>[vector<16xi32>], vector<16xi32>,
        %eq3A_624 = arith.constant 0 : i32
        %eq3A_625 = vector.broadcast %eq3A_624 : i32 to vector<16xi32>
        %eq3A_626 = arith.cmpi eq, %gather3A_623, %eq3A_625 : vector<16xi32>
        %jit3A_627 = arith.constant 1 : i32
        %jit3A_628 = arith.constant 0 : i32
        %broadcast_in_dim3A_629 = vector.broadcast %jit3A_627 : i32 to vector<16xi32>
        %broadcast_in_dim3A_630 = vector.broadcast %jit3A_628 : i32 to vector<16xi32>
        %select_n3A_631 = arith.select %eq3A_626, %broadcast_in_dim3A_629, %broadcast_in_dim3A_630 : vector<16xi1>, vector<16xi32>
        %add3A_632 = arith.addi %broadcast_in_dim3A_608, %select_n3A_631 : vector<16xi32>
        %mul3A_633 = arith.constant 20 : i32
        %mul3A_634 = vector.broadcast %mul3A_633 : i32 to vector<16xi32>
        %mul3A_635 = arith.muli %iota3A, %mul3A_634 : vector<16xi32>
        %add3A_636 = vector.broadcast %mul3A_614 : i32 to vector<16xi32>
        %add3A_637 = arith.addi %add3A_636, %mul3A_635 : vector<16xi32>
        %add3A_638 = arith.constant 1 : i32
        %add3A_639 = vector.broadcast %add3A_638 : i32 to vector<16xi32>
        %add3A_640 = arith.addi %add3A_637, %add3A_639 : vector<16xi32>
        %gather3A_641 = tpu.vector_load_idx %arg7[%add3A_640] : memref<10240xi32, #tpu.memory_space<vmem>>[vector<16xi32>], vector<16xi32>,
        %eq3A_642 = arith.constant 0 : i32
        %eq3A_643 = vector.broadcast %eq3A_642 : i32 to vector<16xi32>
        %eq3A_644 = arith.cmpi eq, %gather3A_641, %eq3A_643 : vector<16xi32>
        %jit3A_645 = arith.constant 1 : i32
        %jit3A_646 = arith.constant 0 : i32
        %broadcast_in_dim3A_647 = vector.broadcast %jit3A_645 : i32 to vector<16xi32>
        %broadcast_in_dim3A_648 = vector.broadcast %jit3A_646 : i32 to vector<16xi32>
        %select_n3A_649 = arith.select %eq3A_644, %broadcast_in_dim3A_647, %broadcast_in_dim3A_648 : vector<16xi1>, vector<16xi32>
        %add3A_650 = arith.addi %add3A_632, %select_n3A_649 : vector<16xi32>
        %mul3A_651 = arith.constant 20 : i32
        %mul3A_652 = vector.broadcast %mul3A_651 : i32 to vector<16xi32>
        %mul3A_653 = arith.muli %iota3A, %mul3A_652 : vector<16xi32>
        %add3A_654 = vector.broadcast %mul3A_614 : i32 to vector<16xi32>
        %add3A_655 = arith.addi %add3A_654, %mul3A_653 : vector<16xi32>
        %add3A_656 = arith.constant 2 : i32
        %add3A_657 = vector.broadcast %add3A_656 : i32 to vector<16xi32>
        %add3A_658 = arith.addi %add3A_655, %add3A_657 : vector<16xi32>
        %gather3A_659 = tpu.vector_load_idx %arg7[%add3A_658] : memref<10240xi32, #tpu.memory_space<vmem>>[vector<16xi32>], vector<16xi32>,
        %eq3A_660 = arith.constant 0 : i32
        %eq3A_661 = vector.broadcast %eq3A_660 : i32 to vector<16xi32>
        %eq3A_662 = arith.cmpi eq, %gather3A_659, %eq3A_661 : vector<16xi32>
        %jit3A_663 = arith.constant 1 : i32
        %jit3A_664 = arith.constant 0 : i32
        %broadcast_in_dim3A_665 = vector.broadcast %jit3A_663 : i32 to vector<16xi32>
        %broadcast_in_dim3A_666 = vector.broadcast %jit3A_664 : i32 to vector<16xi32>
        %select_n3A_667 = arith.select %eq3A_662, %broadcast_in_dim3A_665, %broadcast_in_dim3A_666 : vector<16xi1>, vector<16xi32>
        %add3A_668 = arith.addi %add3A_650, %select_n3A_667 : vector<16xi32>
        %mul3A_669 = arith.constant 20 : i32
        %mul3A_670 = vector.broadcast %mul3A_669 : i32 to vector<16xi32>
        %mul3A_671 = arith.muli %iota3A, %mul3A_670 : vector<16xi32>
        %add3A_672 = vector.broadcast %mul3A_614 : i32 to vector<16xi32>
        %add3A_673 = arith.addi %add3A_672, %mul3A_671 : vector<16xi32>
        %add3A_674 = arith.constant 3 : i32
        %add3A_675 = vector.broadcast %add3A_674 : i32 to vector<16xi32>
        %add3A_676 = arith.addi %add3A_673, %add3A_675 : vector<16xi32>
        %gather3A_677 = tpu.vector_load_idx %arg7[%add3A_676] : memref<10240xi32, #tpu.memory_space<vmem>>[vector<16xi32>], vector<16xi32>,
        %eq3A_678 = arith.constant 0 : i32
        %eq3A_679 = vector.broadcast %eq3A_678 : i32 to vector<16xi32>
        %eq3A_680 = arith.cmpi eq, %gather3A_677, %eq3A_679 : vector<16xi32>
        %jit3A_681 = arith.constant 1 : i32
        %jit3A_682 = arith.constant 0 : i32
        %broadcast_in_dim3A_683 = vector.broadcast %jit3A_681 : i32 to vector<16xi32>
        %broadcast_in_dim3A_684 = vector.broadcast %jit3A_682 : i32 to vector<16xi32>
        %select_n3A_685 = arith.select %eq3A_680, %broadcast_in_dim3A_683, %broadcast_in_dim3A_684 : vector<16xi1>, vector<16xi32>
        %add3A_686 = arith.addi %add3A_668, %select_n3A_685 : vector<16xi32>
        %mul3A_687 = arith.constant 20 : i32
        %mul3A_688 = vector.broadcast %mul3A_687 : i32 to vector<16xi32>
        %mul3A_689 = arith.muli %iota3A, %mul3A_688 : vector<16xi32>
        %add3A_690 = vector.broadcast %mul3A_614 : i32 to vector<16xi32>
        %add3A_691 = arith.addi %add3A_690, %mul3A_689 : vector<16xi32>
        %add3A_692 = arith.constant 4 : i32
        %add3A_693 = vector.broadcast %add3A_692 : i32 to vector<16xi32>
        %add3A_694 = arith.addi %add3A_691, %add3A_693 : vector<16xi32>
        %gather3A_695 = tpu.vector_load_idx %arg7[%add3A_694] : memref<10240xi32, #tpu.memory_space<vmem>>[vector<16xi32>], vector<16xi32>,
        %eq3A_696 = arith.constant 0 : i32
        %eq3A_697 = vector.broadcast %eq3A_696 : i32 to vector<16xi32>
        %eq3A_698 = arith.cmpi eq, %gather3A_695, %eq3A_697 : vector<16xi32>
        %jit3A_699 = arith.constant 1 : i32
        %jit3A_700 = arith.constant 0 : i32
        %broadcast_in_dim3A_701 = vector.broadcast %jit3A_699 : i32 to vector<16xi32>
        %broadcast_in_dim3A_702 = vector.broadcast %jit3A_700 : i32 to vector<16xi32>
        %select_n3A_703 = arith.select %eq3A_698, %broadcast_in_dim3A_701, %broadcast_in_dim3A_702 : vector<16xi1>, vector<16xi32>
        %add3A_704 = arith.addi %add3A_686, %select_n3A_703 : vector<16xi32>
        %mul3A_705 = arith.constant 20 : i32
        %mul3A_706 = vector.broadcast %mul3A_705 : i32 to vector<16xi32>
        %mul3A_707 = arith.muli %iota3A, %mul3A_706 : vector<16xi32>
        %add3A_708 = vector.broadcast %mul3A_614 : i32 to vector<16xi32>
        %add3A_709 = arith.addi %add3A_708, %mul3A_707 : vector<16xi32>
        %add3A_710 = arith.constant 5 : i32
        %add3A_711 = vector.broadcast %add3A_710 : i32 to vector<16xi32>
        %add3A_712 = arith.addi %add3A_709, %add3A_711 : vector<16xi32>
        %gather3A_713 = tpu.vector_load_idx %arg7[%add3A_712] : memref<10240xi32, #tpu.memory_space<vmem>>[vector<16xi32>], vector<16xi32>,
        %eq3A_714 = arith.constant 0 : i32
        %eq3A_715 = vector.broadcast %eq3A_714 : i32 to vector<16xi32>
        %eq3A_716 = arith.cmpi eq, %gather3A_713, %eq3A_715 : vector<16xi32>
        %jit3A_717 = arith.constant 1 : i32
        %jit3A_718 = arith.constant 0 : i32
        %broadcast_in_dim3A_719 = vector.broadcast %jit3A_717 : i32 to vector<16xi32>
        %broadcast_in_dim3A_720 = vector.broadcast %jit3A_718 : i32 to vector<16xi32>
        %select_n3A_721 = arith.select %eq3A_716, %broadcast_in_dim3A_719, %broadcast_in_dim3A_720 : vector<16xi1>, vector<16xi32>
        %add3A_722 = arith.addi %add3A_704, %select_n3A_721 : vector<16xi32>
        %mul3A_723 = arith.constant 20 : i32
        %mul3A_724 = vector.broadcast %mul3A_723 : i32 to vector<16xi32>
        %mul3A_725 = arith.muli %iota3A, %mul3A_724 : vector<16xi32>
        %add3A_726 = vector.broadcast %mul3A_614 : i32 to vector<16xi32>
        %add3A_727 = arith.addi %add3A_726, %mul3A_725 : vector<16xi32>
        %add3A_728 = arith.constant 6 : i32
        %add3A_729 = vector.broadcast %add3A_728 : i32 to vector<16xi32>
        %add3A_730 = arith.addi %add3A_727, %add3A_729 : vector<16xi32>
        %gather3A_731 = tpu.vector_load_idx %arg7[%add3A_730] : memref<10240xi32, #tpu.memory_space<vmem>>[vector<16xi32>], vector<16xi32>,
        %eq3A_732 = arith.constant 0 : i32
        %eq3A_733 = vector.broadcast %eq3A_732 : i32 to vector<16xi32>
        %eq3A_734 = arith.cmpi eq, %gather3A_731, %eq3A_733 : vector<16xi32>
        %jit3A_735 = arith.constant 1 : i32
        %jit3A_736 = arith.constant 0 : i32
        %broadcast_in_dim3A_737 = vector.broadcast %jit3A_735 : i32 to vector<16xi32>
        %broadcast_in_dim3A_738 = vector.broadcast %jit3A_736 : i32 to vector<16xi32>
        %select_n3A_739 = arith.select %eq3A_734, %broadcast_in_dim3A_737, %broadcast_in_dim3A_738 : vector<16xi1>, vector<16xi32>
        %add3A_740 = arith.addi %add3A_722, %select_n3A_739 : vector<16xi32>
        %mul3A_741 = arith.constant 20 : i32
        %mul3A_742 = vector.broadcast %mul3A_741 : i32 to vector<16xi32>
        %mul3A_743 = arith.muli %iota3A, %mul3A_742 : vector<16xi32>
        %add3A_744 = vector.broadcast %mul3A_614 : i32 to vector<16xi32>
        %add3A_745 = arith.addi %add3A_744, %mul3A_743 : vector<16xi32>
        %add3A_746 = arith.constant 7 : i32
        %add3A_747 = vector.broadcast %add3A_746 : i32 to vector<16xi32>
        %add3A_748 = arith.addi %add3A_745, %add3A_747 : vector<16xi32>
        %gather3A_749 = tpu.vector_load_idx %arg7[%add3A_748] : memref<10240xi32, #tpu.memory_space<vmem>>[vector<16xi32>], vector<16xi32>,
        %eq3A_750 = arith.constant 0 : i32
        %eq3A_751 = vector.broadcast %eq3A_750 : i32 to vector<16xi32>
        %eq3A_752 = arith.cmpi eq, %gather3A_749, %eq3A_751 : vector<16xi32>
        %jit3A_753 = arith.constant 1 : i32
        %jit3A_754 = arith.constant 0 : i32
        %broadcast_in_dim3A_755 = vector.broadcast %jit3A_753 : i32 to vector<16xi32>
        %broadcast_in_dim3A_756 = vector.broadcast %jit3A_754 : i32 to vector<16xi32>
        %select_n3A_757 = arith.select %eq3A_752, %broadcast_in_dim3A_755, %broadcast_in_dim3A_756 : vector<16xi1>, vector<16xi32>
        %add3A_758 = arith.addi %add3A_740, %select_n3A_757 : vector<16xi32>
        %mul3A_759 = arith.constant 20 : i32
        %mul3A_760 = vector.broadcast %mul3A_759 : i32 to vector<16xi32>
        %mul3A_761 = arith.muli %iota3A, %mul3A_760 : vector<16xi32>
        %add3A_762 = vector.broadcast %mul3A_614 : i32 to vector<16xi32>
        %add3A_763 = arith.addi %add3A_762, %mul3A_761 : vector<16xi32>
        %add3A_764 = arith.constant 8 : i32
        %add3A_765 = vector.broadcast %add3A_764 : i32 to vector<16xi32>
        %add3A_766 = arith.addi %add3A_763, %add3A_765 : vector<16xi32>
        %gather3A_767 = tpu.vector_load_idx %arg7[%add3A_766] : memref<10240xi32, #tpu.memory_space<vmem>>[vector<16xi32>], vector<16xi32>,
        %eq3A_768 = arith.constant 0 : i32
        %eq3A_769 = vector.broadcast %eq3A_768 : i32 to vector<16xi32>
        %eq3A_770 = arith.cmpi eq, %gather3A_767, %eq3A_769 : vector<16xi32>
        %jit3A_771 = arith.constant 1 : i32
        %jit3A_772 = arith.constant 0 : i32
        %broadcast_in_dim3A_773 = vector.broadcast %jit3A_771 : i32 to vector<16xi32>
        %broadcast_in_dim3A_774 = vector.broadcast %jit3A_772 : i32 to vector<16xi32>
        %select_n3A_775 = arith.select %eq3A_770, %broadcast_in_dim3A_773, %broadcast_in_dim3A_774 : vector<16xi1>, vector<16xi32>
        %add3A_776 = arith.addi %add3A_758, %select_n3A_775 : vector<16xi32>
        %mul3A_777 = arith.constant 20 : i32
        %mul3A_778 = vector.broadcast %mul3A_777 : i32 to vector<16xi32>
        %mul3A_779 = arith.muli %iota3A, %mul3A_778 : vector<16xi32>
        %add3A_780 = vector.broadcast %mul3A_614 : i32 to vector<16xi32>
        %add3A_781 = arith.addi %add3A_780, %mul3A_779 : vector<16xi32>
        %add3A_782 = arith.constant 9 : i32
        %add3A_783 = vector.broadcast %add3A_782 : i32 to vector<16xi32>
        %add3A_784 = arith.addi %add3A_781, %add3A_783 : vector<16xi32>
        %gather3A_785 = tpu.vector_load_idx %arg7[%add3A_784] : memref<10240xi32, #tpu.memory_space<vmem>>[vector<16xi32>], vector<16xi32>,
        %eq3A_786 = arith.constant 0 : i32
        %eq3A_787 = vector.broadcast %eq3A_786 : i32 to vector<16xi32>
        %eq3A_788 = arith.cmpi eq, %gather3A_785, %eq3A_787 : vector<16xi32>
        %jit3A_789 = arith.constant 1 : i32
        %jit3A_790 = arith.constant 0 : i32
        %broadcast_in_dim3A_791 = vector.broadcast %jit3A_789 : i32 to vector<16xi32>
        %broadcast_in_dim3A_792 = vector.broadcast %jit3A_790 : i32 to vector<16xi32>
        %select_n3A_793 = arith.select %eq3A_788, %broadcast_in_dim3A_791, %broadcast_in_dim3A_792 : vector<16xi1>, vector<16xi32>
        %add3A_794 = arith.addi %add3A_776, %select_n3A_793 : vector<16xi32>
        %mul3A_795 = arith.constant 20 : i32
        %mul3A_796 = vector.broadcast %mul3A_795 : i32 to vector<16xi32>
        %mul3A_797 = arith.muli %iota3A, %mul3A_796 : vector<16xi32>
        %add3A_798 = vector.broadcast %mul3A_614 : i32 to vector<16xi32>
        %add3A_799 = arith.addi %add3A_798, %mul3A_797 : vector<16xi32>
        %add3A_800 = arith.constant 10 : i32
        %add3A_801 = vector.broadcast %add3A_800 : i32 to vector<16xi32>
        %add3A_802 = arith.addi %add3A_799, %add3A_801 : vector<16xi32>
        %gather3A_803 = tpu.vector_load_idx %arg7[%add3A_802] : memref<10240xi32, #tpu.memory_space<vmem>>[vector<16xi32>], vector<16xi32>,
        %eq3A_804 = arith.constant 0 : i32
        %eq3A_805 = vector.broadcast %eq3A_804 : i32 to vector<16xi32>
        %eq3A_806 = arith.cmpi eq, %gather3A_803, %eq3A_805 : vector<16xi32>
        %jit3A_807 = arith.constant 1 : i32
        %jit3A_808 = arith.constant 0 : i32
        %broadcast_in_dim3A_809 = vector.broadcast %jit3A_807 : i32 to vector<16xi32>
        %broadcast_in_dim3A_810 = vector.broadcast %jit3A_808 : i32 to vector<16xi32>
        %select_n3A_811 = arith.select %eq3A_806, %broadcast_in_dim3A_809, %broadcast_in_dim3A_810 : vector<16xi1>, vector<16xi32>
        %add3A_812 = arith.addi %add3A_794, %select_n3A_811 : vector<16xi32>
        %mul3A_813 = arith.constant 20 : i32
        %mul3A_814 = vector.broadcast %mul3A_813 : i32 to vector<16xi32>
        %mul3A_815 = arith.muli %iota3A, %mul3A_814 : vector<16xi32>
        %add3A_816 = vector.broadcast %mul3A_614 : i32 to vector<16xi32>
        %add3A_817 = arith.addi %add3A_816, %mul3A_815 : vector<16xi32>
        %add3A_818 = arith.constant 11 : i32
        %add3A_819 = vector.broadcast %add3A_818 : i32 to vector<16xi32>
        %add3A_820 = arith.addi %add3A_817, %add3A_819 : vector<16xi32>
        %gather3A_821 = tpu.vector_load_idx %arg7[%add3A_820] : memref<10240xi32, #tpu.memory_space<vmem>>[vector<16xi32>], vector<16xi32>,
        %eq3A_822 = arith.constant 0 : i32
        %eq3A_823 = vector.broadcast %eq3A_822 : i32 to vector<16xi32>
        %eq3A_824 = arith.cmpi eq, %gather3A_821, %eq3A_823 : vector<16xi32>
        %jit3A_825 = arith.constant 1 : i32
        %jit3A_826 = arith.constant 0 : i32
        %broadcast_in_dim3A_827 = vector.broadcast %jit3A_825 : i32 to vector<16xi32>
        %broadcast_in_dim3A_828 = vector.broadcast %jit3A_826 : i32 to vector<16xi32>
        %select_n3A_829 = arith.select %eq3A_824, %broadcast_in_dim3A_827, %broadcast_in_dim3A_828 : vector<16xi1>, vector<16xi32>
        %add3A_830 = arith.addi %add3A_812, %select_n3A_829 : vector<16xi32>
        %mul3A_831 = arith.constant 20 : i32
        %mul3A_832 = vector.broadcast %mul3A_831 : i32 to vector<16xi32>
        %mul3A_833 = arith.muli %iota3A, %mul3A_832 : vector<16xi32>
        %add3A_834 = vector.broadcast %mul3A_614 : i32 to vector<16xi32>
        %add3A_835 = arith.addi %add3A_834, %mul3A_833 : vector<16xi32>
        %add3A_836 = arith.constant 12 : i32
        %add3A_837 = vector.broadcast %add3A_836 : i32 to vector<16xi32>
        %add3A_838 = arith.addi %add3A_835, %add3A_837 : vector<16xi32>
        %gather3A_839 = tpu.vector_load_idx %arg7[%add3A_838] : memref<10240xi32, #tpu.memory_space<vmem>>[vector<16xi32>], vector<16xi32>,
        %eq3A_840 = arith.constant 0 : i32
        %eq3A_841 = vector.broadcast %eq3A_840 : i32 to vector<16xi32>
        %eq3A_842 = arith.cmpi eq, %gather3A_839, %eq3A_841 : vector<16xi32>
        %jit3A_843 = arith.constant 1 : i32
        %jit3A_844 = arith.constant 0 : i32
        %broadcast_in_dim3A_845 = vector.broadcast %jit3A_843 : i32 to vector<16xi32>
        %broadcast_in_dim3A_846 = vector.broadcast %jit3A_844 : i32 to vector<16xi32>
        %select_n3A_847 = arith.select %eq3A_842, %broadcast_in_dim3A_845, %broadcast_in_dim3A_846 : vector<16xi1>, vector<16xi32>
        %add3A_848 = arith.addi %add3A_830, %select_n3A_847 : vector<16xi32>
        %mul3A_849 = arith.constant 20 : i32
        %mul3A_850 = vector.broadcast %mul3A_849 : i32 to vector<16xi32>
        %mul3A_851 = arith.muli %iota3A, %mul3A_850 : vector<16xi32>
        %add3A_852 = vector.broadcast %mul3A_614 : i32 to vector<16xi32>
        %add3A_853 = arith.addi %add3A_852, %mul3A_851 : vector<16xi32>
        %add3A_854 = arith.constant 13 : i32
        %add3A_855 = vector.broadcast %add3A_854 : i32 to vector<16xi32>
        %add3A_856 = arith.addi %add3A_853, %add3A_855 : vector<16xi32>
        %gather3A_857 = tpu.vector_load_idx %arg7[%add3A_856] : memref<10240xi32, #tpu.memory_space<vmem>>[vector<16xi32>], vector<16xi32>,
        %eq3A_858 = arith.constant 0 : i32
        %eq3A_859 = vector.broadcast %eq3A_858 : i32 to vector<16xi32>
        %eq3A_860 = arith.cmpi eq, %gather3A_857, %eq3A_859 : vector<16xi32>
        %jit3A_861 = arith.constant 1 : i32
        %jit3A_862 = arith.constant 0 : i32
        %broadcast_in_dim3A_863 = vector.broadcast %jit3A_861 : i32 to vector<16xi32>
        %broadcast_in_dim3A_864 = vector.broadcast %jit3A_862 : i32 to vector<16xi32>
        %select_n3A_865 = arith.select %eq3A_860, %broadcast_in_dim3A_863, %broadcast_in_dim3A_864 : vector<16xi1>, vector<16xi32>
        %add3A_866 = arith.addi %add3A_848, %select_n3A_865 : vector<16xi32>
        %mul3A_867 = arith.constant 20 : i32
        %mul3A_868 = vector.broadcast %mul3A_867 : i32 to vector<16xi32>
        %mul3A_869 = arith.muli %iota3A, %mul3A_868 : vector<16xi32>
        %add3A_870 = vector.broadcast %mul3A_614 : i32 to vector<16xi32>
        %add3A_871 = arith.addi %add3A_870, %mul3A_869 : vector<16xi32>
        %add3A_872 = arith.constant 14 : i32
        %add3A_873 = vector.broadcast %add3A_872 : i32 to vector<16xi32>
        %add3A_874 = arith.addi %add3A_871, %add3A_873 : vector<16xi32>
        %gather3A_875 = tpu.vector_load_idx %arg7[%add3A_874] : memref<10240xi32, #tpu.memory_space<vmem>>[vector<16xi32>], vector<16xi32>,
        %eq3A_876 = arith.constant 0 : i32
        %eq3A_877 = vector.broadcast %eq3A_876 : i32 to vector<16xi32>
        %eq3A_878 = arith.cmpi eq, %gather3A_875, %eq3A_877 : vector<16xi32>
        %jit3A_879 = arith.constant 1 : i32
        %jit3A_880 = arith.constant 0 : i32
        %broadcast_in_dim3A_881 = vector.broadcast %jit3A_879 : i32 to vector<16xi32>
        %broadcast_in_dim3A_882 = vector.broadcast %jit3A_880 : i32 to vector<16xi32>
        %select_n3A_883 = arith.select %eq3A_878, %broadcast_in_dim3A_881, %broadcast_in_dim3A_882 : vector<16xi1>, vector<16xi32>
        %add3A_884 = arith.addi %add3A_866, %select_n3A_883 : vector<16xi32>
        %mul3A_885 = arith.constant 20 : i32
        %mul3A_886 = vector.broadcast %mul3A_885 : i32 to vector<16xi32>
        %mul3A_887 = arith.muli %iota3A, %mul3A_886 : vector<16xi32>
        %add3A_888 = vector.broadcast %mul3A_614 : i32 to vector<16xi32>
        %add3A_889 = arith.addi %add3A_888, %mul3A_887 : vector<16xi32>
        %add3A_890 = arith.constant 15 : i32
        %add3A_891 = vector.broadcast %add3A_890 : i32 to vector<16xi32>
        %add3A_892 = arith.addi %add3A_889, %add3A_891 : vector<16xi32>
        %gather3A_893 = tpu.vector_load_idx %arg7[%add3A_892] : memref<10240xi32, #tpu.memory_space<vmem>>[vector<16xi32>], vector<16xi32>,
        %eq3A_894 = arith.constant 0 : i32
        %eq3A_895 = vector.broadcast %eq3A_894 : i32 to vector<16xi32>
        %eq3A_896 = arith.cmpi eq, %gather3A_893, %eq3A_895 : vector<16xi32>
        %jit3A_897 = arith.constant 1 : i32
        %jit3A_898 = arith.constant 0 : i32
        %broadcast_in_dim3A_899 = vector.broadcast %jit3A_897 : i32 to vector<16xi32>
        %broadcast_in_dim3A_900 = vector.broadcast %jit3A_898 : i32 to vector<16xi32>
        %select_n3A_901 = arith.select %eq3A_896, %broadcast_in_dim3A_899, %broadcast_in_dim3A_900 : vector<16xi1>, vector<16xi32>
        %add3A_902 = arith.addi %add3A_884, %select_n3A_901 : vector<16xi32>
        %mul3A_903 = arith.constant 20 : i32
        %mul3A_904 = vector.broadcast %mul3A_903 : i32 to vector<16xi32>
        %mul3A_905 = arith.muli %iota3A, %mul3A_904 : vector<16xi32>
        %add3A_906 = vector.broadcast %mul3A_614 : i32 to vector<16xi32>
        %add3A_907 = arith.addi %add3A_906, %mul3A_905 : vector<16xi32>
        %add3A_908 = arith.constant 16 : i32
        %add3A_909 = vector.broadcast %add3A_908 : i32 to vector<16xi32>
        %add3A_910 = arith.addi %add3A_907, %add3A_909 : vector<16xi32>
        %gather3A_911 = tpu.vector_load_idx %arg7[%add3A_910] : memref<10240xi32, #tpu.memory_space<vmem>>[vector<16xi32>], vector<16xi32>,
        %eq3A_912 = arith.constant 0 : i32
        %eq3A_913 = vector.broadcast %eq3A_912 : i32 to vector<16xi32>
        %eq3A_914 = arith.cmpi eq, %gather3A_911, %eq3A_913 : vector<16xi32>
        %jit3A_915 = arith.constant 1 : i32
        %jit3A_916 = arith.constant 0 : i32
        %broadcast_in_dim3A_917 = vector.broadcast %jit3A_915 : i32 to vector<16xi32>
        %broadcast_in_dim3A_918 = vector.broadcast %jit3A_916 : i32 to vector<16xi32>
        %select_n3A_919 = arith.select %eq3A_914, %broadcast_in_dim3A_917, %broadcast_in_dim3A_918 : vector<16xi1>, vector<16xi32>
        %add3A_920 = arith.addi %add3A_902, %select_n3A_919 : vector<16xi32>
        %mul3A_921 = arith.constant 20 : i32
        %mul3A_922 = vector.broadcast %mul3A_921 : i32 to vector<16xi32>
        %mul3A_923 = arith.muli %iota3A, %mul3A_922 : vector<16xi32>
        %add3A_924 = vector.broadcast %mul3A_614 : i32 to vector<16xi32>
        %add3A_925 = arith.addi %add3A_924, %mul3A_923 : vector<16xi32>
        %add3A_926 = arith.constant 17 : i32
        %add3A_927 = vector.broadcast %add3A_926 : i32 to vector<16xi32>
        %add3A_928 = arith.addi %add3A_925, %add3A_927 : vector<16xi32>
        %gather3A_929 = tpu.vector_load_idx %arg7[%add3A_928] : memref<10240xi32, #tpu.memory_space<vmem>>[vector<16xi32>], vector<16xi32>,
        %eq3A_930 = arith.constant 0 : i32
        %eq3A_931 = vector.broadcast %eq3A_930 : i32 to vector<16xi32>
        %eq3A_932 = arith.cmpi eq, %gather3A_929, %eq3A_931 : vector<16xi32>
        %jit3A_933 = arith.constant 1 : i32
        %jit3A_934 = arith.constant 0 : i32
        %broadcast_in_dim3A_935 = vector.broadcast %jit3A_933 : i32 to vector<16xi32>
        %broadcast_in_dim3A_936 = vector.broadcast %jit3A_934 : i32 to vector<16xi32>
        %select_n3A_937 = arith.select %eq3A_932, %broadcast_in_dim3A_935, %broadcast_in_dim3A_936 : vector<16xi1>, vector<16xi32>
        %add3A_938 = arith.addi %add3A_920, %select_n3A_937 : vector<16xi32>
        %mul3A_939 = arith.constant 20 : i32
        %mul3A_940 = vector.broadcast %mul3A_939 : i32 to vector<16xi32>
        %mul3A_941 = arith.muli %iota3A, %mul3A_940 : vector<16xi32>
        %add3A_942 = vector.broadcast %mul3A_614 : i32 to vector<16xi32>
        %add3A_943 = arith.addi %add3A_942, %mul3A_941 : vector<16xi32>
        %add3A_944 = arith.constant 18 : i32
        %add3A_945 = vector.broadcast %add3A_944 : i32 to vector<16xi32>
        %add3A_946 = arith.addi %add3A_943, %add3A_945 : vector<16xi32>
        %gather3A_947 = tpu.vector_load_idx %arg7[%add3A_946] : memref<10240xi32, #tpu.memory_space<vmem>>[vector<16xi32>], vector<16xi32>,
        %eq3A_948 = arith.constant 0 : i32
        %eq3A_949 = vector.broadcast %eq3A_948 : i32 to vector<16xi32>
        %eq3A_950 = arith.cmpi eq, %gather3A_947, %eq3A_949 : vector<16xi32>
        %jit3A_951 = arith.constant 1 : i32
        %jit3A_952 = arith.constant 0 : i32
        %broadcast_in_dim3A_953 = vector.broadcast %jit3A_951 : i32 to vector<16xi32>
        %broadcast_in_dim3A_954 = vector.broadcast %jit3A_952 : i32 to vector<16xi32>
        %select_n3A_955 = arith.select %eq3A_950, %broadcast_in_dim3A_953, %broadcast_in_dim3A_954 : vector<16xi1>, vector<16xi32>
        %add3A_956 = arith.addi %add3A_938, %select_n3A_955 : vector<16xi32>
        %mul3A_957 = arith.constant 20 : i32
        %mul3A_958 = vector.broadcast %mul3A_957 : i32 to vector<16xi32>
        %mul3A_959 = arith.muli %iota3A, %mul3A_958 : vector<16xi32>
        %add3A_960 = vector.broadcast %mul3A_614 : i32 to vector<16xi32>
        %add3A_961 = arith.addi %add3A_960, %mul3A_959 : vector<16xi32>
        %add3A_962 = arith.constant 19 : i32
        %add3A_963 = vector.broadcast %add3A_962 : i32 to vector<16xi32>
        %add3A_964 = arith.addi %add3A_961, %add3A_963 : vector<16xi32>
        %gather3A_965 = tpu.vector_load_idx %arg7[%add3A_964] : memref<10240xi32, #tpu.memory_space<vmem>>[vector<16xi32>], vector<16xi32>,
        %eq3A_966 = arith.constant 0 : i32
        %eq3A_967 = vector.broadcast %eq3A_966 : i32 to vector<16xi32>
        %eq3A_968 = arith.cmpi eq, %gather3A_965, %eq3A_967 : vector<16xi32>
        %jit3A_969 = arith.constant 1 : i32
        %jit3A_970 = arith.constant 0 : i32
        %broadcast_in_dim3A_971 = vector.broadcast %jit3A_969 : i32 to vector<16xi32>
        %broadcast_in_dim3A_972 = vector.broadcast %jit3A_970 : i32 to vector<16xi32>
        %select_n3A_973 = arith.select %eq3A_968, %broadcast_in_dim3A_971, %broadcast_in_dim3A_972 : vector<16xi1>, vector<16xi32>
        %add3A_974 = arith.addi %add3A_956, %select_n3A_973 : vector<16xi32>
        %mul3A_975 = arith.constant 16 : i32
        %mul3A_976 = vector.broadcast %mul3A_975 : i32 to vector<16xi32>
        %mul3A_977 = arith.muli %iota3A, %mul3A_976 : vector<16xi32>
        %add3A_978 = arith.constant 256 : i32
        %add3A_979 = vector.broadcast %add3A_978 : i32 to vector<16xi32>
        %add3A_980 = arith.addi %add3A_979, %mul3A_977 : vector<16xi32>
        %broadcast_in_dim3A_981 = arith.constant 0.000000e+00 : f32
        %broadcast_in_dim3A_982 = vector.broadcast %broadcast_in_dim3A_981 : f32 to vector<16xf32>
        %broadcast_in_dim3A_983 = arith.constant 0.000000e+00 : f32
        %broadcast_in_dim3A_984 = vector.broadcast %broadcast_in_dim3A_983 : f32 to vector<16xf32>
        %add3A_985 = arith.constant 0 : i32
        %add3A_986 = vector.broadcast %add3A_985 : i32 to vector<16xi32>
        %add3A_987 = arith.addi %add3A_980, %add3A_986 : vector<16xi32>
        %gather3A_988 = tpu.vector_load_idx %arg14[%add3A_987] : memref<512xf32, #tpu.memory_space<vmem>>[vector<16xi32>], vector<16xf32>,
        %add3A_989 = arith.addf %broadcast_in_dim3A_982, %gather3A_988 : vector<16xf32>
        %add3A_990 = arith.constant 0 : i32
        %add3A_991 = vector.broadcast %add3A_990 : i32 to vector<16xi32>
        %add3A_992 = arith.addi %add3A_980, %add3A_991 : vector<16xi32>
        %gather3A_993 = tpu.vector_load_idx %arg15[%add3A_992] : memref<512xf32, #tpu.memory_space<vmem>>[vector<16xi32>], vector<16xf32>,
        %add3A_994 = arith.addf %broadcast_in_dim3A_984, %gather3A_993 : vector<16xf32>
        %add3A_995 = arith.constant 1 : i32
        %add3A_996 = vector.broadcast %add3A_995 : i32 to vector<16xi32>
        %add3A_997 = arith.addi %add3A_980, %add3A_996 : vector<16xi32>
        %gather3A_998 = tpu.vector_load_idx %arg14[%add3A_997] : memref<512xf32, #tpu.memory_space<vmem>>[vector<16xi32>], vector<16xf32>,
        %add3A_999 = arith.addf %add3A_989, %gather3A_998 : vector<16xf32>
        %add3A_1000 = arith.constant 1 : i32
        %add3A_1001 = vector.broadcast %add3A_1000 : i32 to vector<16xi32>
        %add3A_1002 = arith.addi %add3A_980, %add3A_1001 : vector<16xi32>
        %gather3A_1003 = tpu.vector_load_idx %arg15[%add3A_1002] : memref<512xf32, #tpu.memory_space<vmem>>[vector<16xi32>], vector<16xf32>,
        %add3A_1004 = arith.addf %add3A_994, %gather3A_1003 : vector<16xf32>
        %add3A_1005 = arith.constant 2 : i32
        %add3A_1006 = vector.broadcast %add3A_1005 : i32 to vector<16xi32>
        %add3A_1007 = arith.addi %add3A_980, %add3A_1006 : vector<16xi32>
        %gather3A_1008 = tpu.vector_load_idx %arg14[%add3A_1007] : memref<512xf32, #tpu.memory_space<vmem>>[vector<16xi32>], vector<16xf32>,
        %add3A_1009 = arith.addf %add3A_999, %gather3A_1008 : vector<16xf32>
        %add3A_1010 = arith.constant 2 : i32
        %add3A_1011 = vector.broadcast %add3A_1010 : i32 to vector<16xi32>
        %add3A_1012 = arith.addi %add3A_980, %add3A_1011 : vector<16xi32>
        %gather3A_1013 = tpu.vector_load_idx %arg15[%add3A_1012] : memref<512xf32, #tpu.memory_space<vmem>>[vector<16xi32>], vector<16xf32>,
        %add3A_1014 = arith.addf %add3A_1004, %gather3A_1013 : vector<16xf32>
        %add3A_1015 = arith.constant 3 : i32
        %add3A_1016 = vector.broadcast %add3A_1015 : i32 to vector<16xi32>
        %add3A_1017 = arith.addi %add3A_980, %add3A_1016 : vector<16xi32>
        %gather3A_1018 = tpu.vector_load_idx %arg14[%add3A_1017] : memref<512xf32, #tpu.memory_space<vmem>>[vector<16xi32>], vector<16xf32>,
        %add3A_1019 = arith.addf %add3A_1009, %gather3A_1018 : vector<16xf32>
        %add3A_1020 = arith.constant 3 : i32
        %add3A_1021 = vector.broadcast %add3A_1020 : i32 to vector<16xi32>
        %add3A_1022 = arith.addi %add3A_980, %add3A_1021 : vector<16xi32>
        %gather3A_1023 = tpu.vector_load_idx %arg15[%add3A_1022] : memref<512xf32, #tpu.memory_space<vmem>>[vector<16xi32>], vector<16xf32>,
        %add3A_1024 = arith.addf %add3A_1014, %gather3A_1023 : vector<16xf32>
        %add3A_1025 = arith.constant 4 : i32
        %add3A_1026 = vector.broadcast %add3A_1025 : i32 to vector<16xi32>
        %add3A_1027 = arith.addi %add3A_980, %add3A_1026 : vector<16xi32>
        %gather3A_1028 = tpu.vector_load_idx %arg14[%add3A_1027] : memref<512xf32, #tpu.memory_space<vmem>>[vector<16xi32>], vector<16xf32>,
        %add3A_1029 = arith.addf %add3A_1019, %gather3A_1028 : vector<16xf32>
        %add3A_1030 = arith.constant 4 : i32
        %add3A_1031 = vector.broadcast %add3A_1030 : i32 to vector<16xi32>
        %add3A_1032 = arith.addi %add3A_980, %add3A_1031 : vector<16xi32>
        %gather3A_1033 = tpu.vector_load_idx %arg15[%add3A_1032] : memref<512xf32, #tpu.memory_space<vmem>>[vector<16xi32>], vector<16xf32>,
        %add3A_1034 = arith.addf %add3A_1024, %gather3A_1033 : vector<16xf32>
        %add3A_1035 = arith.constant 5 : i32
        %add3A_1036 = vector.broadcast %add3A_1035 : i32 to vector<16xi32>
        %add3A_1037 = arith.addi %add3A_980, %add3A_1036 : vector<16xi32>
        %gather3A_1038 = tpu.vector_load_idx %arg14[%add3A_1037] : memref<512xf32, #tpu.memory_space<vmem>>[vector<16xi32>], vector<16xf32>,
        %add3A_1039 = arith.addf %add3A_1029, %gather3A_1038 : vector<16xf32>
        %add3A_1040 = arith.constant 5 : i32
        %add3A_1041 = vector.broadcast %add3A_1040 : i32 to vector<16xi32>
        %add3A_1042 = arith.addi %add3A_980, %add3A_1041 : vector<16xi32>
        %gather3A_1043 = tpu.vector_load_idx %arg15[%add3A_1042] : memref<512xf32, #tpu.memory_space<vmem>>[vector<16xi32>], vector<16xf32>,
        %add3A_1044 = arith.addf %add3A_1034, %gather3A_1043 : vector<16xf32>
        %add3A_1045 = arith.constant 6 : i32
        %add3A_1046 = vector.broadcast %add3A_1045 : i32 to vector<16xi32>
        %add3A_1047 = arith.addi %add3A_980, %add3A_1046 : vector<16xi32>
        %gather3A_1048 = tpu.vector_load_idx %arg14[%add3A_1047] : memref<512xf32, #tpu.memory_space<vmem>>[vector<16xi32>], vector<16xf32>,
        %add3A_1049 = arith.addf %add3A_1039, %gather3A_1048 : vector<16xf32>
        %add3A_1050 = arith.constant 6 : i32
        %add3A_1051 = vector.broadcast %add3A_1050 : i32 to vector<16xi32>
        %add3A_1052 = arith.addi %add3A_980, %add3A_1051 : vector<16xi32>
        %gather3A_1053 = tpu.vector_load_idx %arg15[%add3A_1052] : memref<512xf32, #tpu.memory_space<vmem>>[vector<16xi32>], vector<16xf32>,
        %add3A_1054 = arith.addf %add3A_1044, %gather3A_1053 : vector<16xf32>
        %add3A_1055 = arith.constant 7 : i32
        %add3A_1056 = vector.broadcast %add3A_1055 : i32 to vector<16xi32>
        %add3A_1057 = arith.addi %add3A_980, %add3A_1056 : vector<16xi32>
        %gather3A_1058 = tpu.vector_load_idx %arg14[%add3A_1057] : memref<512xf32, #tpu.memory_space<vmem>>[vector<16xi32>], vector<16xf32>,
        %add3A_1059 = arith.addf %add3A_1049, %gather3A_1058 : vector<16xf32>
        %add3A_1060 = arith.constant 7 : i32
        %add3A_1061 = vector.broadcast %add3A_1060 : i32 to vector<16xi32>
        %add3A_1062 = arith.addi %add3A_980, %add3A_1061 : vector<16xi32>
        %gather3A_1063 = tpu.vector_load_idx %arg15[%add3A_1062] : memref<512xf32, #tpu.memory_space<vmem>>[vector<16xi32>], vector<16xf32>,
        %add3A_1064 = arith.addf %add3A_1054, %gather3A_1063 : vector<16xf32>
        %add3A_1065 = arith.constant 8 : i32
        %add3A_1066 = vector.broadcast %add3A_1065 : i32 to vector<16xi32>
        %add3A_1067 = arith.addi %add3A_980, %add3A_1066 : vector<16xi32>
        %gather3A_1068 = tpu.vector_load_idx %arg14[%add3A_1067] : memref<512xf32, #tpu.memory_space<vmem>>[vector<16xi32>], vector<16xf32>,
        %add3A_1069 = arith.addf %add3A_1059, %gather3A_1068 : vector<16xf32>
        %add3A_1070 = arith.constant 8 : i32
        %add3A_1071 = vector.broadcast %add3A_1070 : i32 to vector<16xi32>
        %add3A_1072 = arith.addi %add3A_980, %add3A_1071 : vector<16xi32>
        %gather3A_1073 = tpu.vector_load_idx %arg15[%add3A_1072] : memref<512xf32, #tpu.memory_space<vmem>>[vector<16xi32>], vector<16xf32>,
        %add3A_1074 = arith.addf %add3A_1064, %gather3A_1073 : vector<16xf32>
        %add3A_1075 = arith.constant 9 : i32
        %add3A_1076 = vector.broadcast %add3A_1075 : i32 to vector<16xi32>
        %add3A_1077 = arith.addi %add3A_980, %add3A_1076 : vector<16xi32>
        %gather3A_1078 = tpu.vector_load_idx %arg14[%add3A_1077] : memref<512xf32, #tpu.memory_space<vmem>>[vector<16xi32>], vector<16xf32>,
        %add3A_1079 = arith.addf %add3A_1069, %gather3A_1078 : vector<16xf32>
        %add3A_1080 = arith.constant 9 : i32
        %add3A_1081 = vector.broadcast %add3A_1080 : i32 to vector<16xi32>
        %add3A_1082 = arith.addi %add3A_980, %add3A_1081 : vector<16xi32>
        %gather3A_1083 = tpu.vector_load_idx %arg15[%add3A_1082] : memref<512xf32, #tpu.memory_space<vmem>>[vector<16xi32>], vector<16xf32>,
        %add3A_1084 = arith.addf %add3A_1074, %gather3A_1083 : vector<16xf32>
        %add3A_1085 = arith.constant 10 : i32
        %add3A_1086 = vector.broadcast %add3A_1085 : i32 to vector<16xi32>
        %add3A_1087 = arith.addi %add3A_980, %add3A_1086 : vector<16xi32>
        %gather3A_1088 = tpu.vector_load_idx %arg14[%add3A_1087] : memref<512xf32, #tpu.memory_space<vmem>>[vector<16xi32>], vector<16xf32>,
        %add3A_1089 = arith.addf %add3A_1079, %gather3A_1088 : vector<16xf32>
        %add3A_1090 = arith.constant 10 : i32
        %add3A_1091 = vector.broadcast %add3A_1090 : i32 to vector<16xi32>
        %add3A_1092 = arith.addi %add3A_980, %add3A_1091 : vector<16xi32>
        %gather3A_1093 = tpu.vector_load_idx %arg15[%add3A_1092] : memref<512xf32, #tpu.memory_space<vmem>>[vector<16xi32>], vector<16xf32>,
        %add3A_1094 = arith.addf %add3A_1084, %gather3A_1093 : vector<16xf32>
        %add3A_1095 = arith.constant 11 : i32
        %add3A_1096 = vector.broadcast %add3A_1095 : i32 to vector<16xi32>
        %add3A_1097 = arith.addi %add3A_980, %add3A_1096 : vector<16xi32>
        %gather3A_1098 = tpu.vector_load_idx %arg14[%add3A_1097] : memref<512xf32, #tpu.memory_space<vmem>>[vector<16xi32>], vector<16xf32>,
        %add3A_1099 = arith.addf %add3A_1089, %gather3A_1098 : vector<16xf32>
        %add3A_1100 = arith.constant 11 : i32
        %add3A_1101 = vector.broadcast %add3A_1100 : i32 to vector<16xi32>
        %add3A_1102 = arith.addi %add3A_980, %add3A_1101 : vector<16xi32>
        %gather3A_1103 = tpu.vector_load_idx %arg15[%add3A_1102] : memref<512xf32, #tpu.memory_space<vmem>>[vector<16xi32>], vector<16xf32>,
        %add3A_1104 = arith.addf %add3A_1094, %gather3A_1103 : vector<16xf32>
        %add3A_1105 = arith.constant 12 : i32
        %add3A_1106 = vector.broadcast %add3A_1105 : i32 to vector<16xi32>
        %add3A_1107 = arith.addi %add3A_980, %add3A_1106 : vector<16xi32>
        %gather3A_1108 = tpu.vector_load_idx %arg14[%add3A_1107] : memref<512xf32, #tpu.memory_space<vmem>>[vector<16xi32>], vector<16xf32>,
        %add3A_1109 = arith.addf %add3A_1099, %gather3A_1108 : vector<16xf32>
        %add3A_1110 = arith.constant 12 : i32
        %add3A_1111 = vector.broadcast %add3A_1110 : i32 to vector<16xi32>
        %add3A_1112 = arith.addi %add3A_980, %add3A_1111 : vector<16xi32>
        %gather3A_1113 = tpu.vector_load_idx %arg15[%add3A_1112] : memref<512xf32, #tpu.memory_space<vmem>>[vector<16xi32>], vector<16xf32>,
        %add3A_1114 = arith.addf %add3A_1104, %gather3A_1113 : vector<16xf32>
        %add3A_1115 = arith.constant 13 : i32
        %add3A_1116 = vector.broadcast %add3A_1115 : i32 to vector<16xi32>
        %add3A_1117 = arith.addi %add3A_980, %add3A_1116 : vector<16xi32>
        %gather3A_1118 = tpu.vector_load_idx %arg14[%add3A_1117] : memref<512xf32, #tpu.memory_space<vmem>>[vector<16xi32>], vector<16xf32>,
        %add3A_1119 = arith.addf %add3A_1109, %gather3A_1118 : vector<16xf32>
        %add3A_1120 = arith.constant 13 : i32
        %add3A_1121 = vector.broadcast %add3A_1120 : i32 to vector<16xi32>
        %add3A_1122 = arith.addi %add3A_980, %add3A_1121 : vector<16xi32>
        %gather3A_1123 = tpu.vector_load_idx %arg15[%add3A_1122] : memref<512xf32, #tpu.memory_space<vmem>>[vector<16xi32>], vector<16xf32>,
        %add3A_1124 = arith.addf %add3A_1114, %gather3A_1123 : vector<16xf32>
        %add3A_1125 = arith.constant 14 : i32
        %add3A_1126 = vector.broadcast %add3A_1125 : i32 to vector<16xi32>
        %add3A_1127 = arith.addi %add3A_980, %add3A_1126 : vector<16xi32>
        %gather3A_1128 = tpu.vector_load_idx %arg14[%add3A_1127] : memref<512xf32, #tpu.memory_space<vmem>>[vector<16xi32>], vector<16xf32>,
        %add3A_1129 = arith.addf %add3A_1119, %gather3A_1128 : vector<16xf32>
        %add3A_1130 = arith.constant 14 : i32
        %add3A_1131 = vector.broadcast %add3A_1130 : i32 to vector<16xi32>
        %add3A_1132 = arith.addi %add3A_980, %add3A_1131 : vector<16xi32>
        %gather3A_1133 = tpu.vector_load_idx %arg15[%add3A_1132] : memref<512xf32, #tpu.memory_space<vmem>>[vector<16xi32>], vector<16xf32>,
        %add3A_1134 = arith.addf %add3A_1124, %gather3A_1133 : vector<16xf32>
        %add3A_1135 = arith.constant 15 : i32
        %add3A_1136 = vector.broadcast %add3A_1135 : i32 to vector<16xi32>
        %add3A_1137 = arith.addi %add3A_980, %add3A_1136 : vector<16xi32>
        %gather3A_1138 = tpu.vector_load_idx %arg14[%add3A_1137] : memref<512xf32, #tpu.memory_space<vmem>>[vector<16xi32>], vector<16xf32>,
        %add3A_1139 = arith.addf %add3A_1129, %gather3A_1138 : vector<16xf32>
        %add3A_1140 = arith.constant 15 : i32
        %add3A_1141 = vector.broadcast %add3A_1140 : i32 to vector<16xi32>
        %add3A_1142 = arith.addi %add3A_980, %add3A_1141 : vector<16xi32>
        %gather3A_1143 = tpu.vector_load_idx %arg15[%add3A_1142] : memref<512xf32, #tpu.memory_space<vmem>>[vector<16xi32>], vector<16xf32>,
        %add3A_1144 = arith.addf %add3A_1134, %gather3A_1143 : vector<16xf32>
        %convert_element_type3A_1145 = arith.sitofp %add3A_974 : vector<16xi32> to vector<16xf32>
        %mul3A_1146 = arith.mulf %convert_element_type3A_1145, %add3A_1144 : vector<16xf32>
        %sub3A_1147 = arith.subf %add3A_1139, %mul3A_1146 : vector<16xf32>
        %sub3A_1148 = arith.constant 2.000000e+01 : f32
        %sub3A_1149 = vector.broadcast %sub3A_1148 : f32 to vector<16xf32>
        %sub3A_1150 = arith.subf %sub3A_1149, %convert_element_type3A_1145 : vector<16xf32>
        %div3A_1151 = arith.divf %sub3A_1147, %sub3A_1150 : vector<16xf32>
        %mul3A_1152 = arith.constant 32 : i32
        %mul3A_1153 = arith.muli %scan3A_36, %mul3A_1152 : i32
        %add3A_1154 = arith.constant 16 : i32
        %add3A_1155 = arith.addi %mul3A_1153, %add3A_1154 : i32
        %swap3A_1156 = arith.index_cast %add3A_1155 : i32 to index
        %swap3A_1157 = tpu.vector_load %arg16[%swap3A_1156] {strides = array<i32>} : memref<512xf32, #tpu.memory_space<vmem>>, vector<16xf32>,
        tpu.vector_store %arg16[%swap3A_1156], %div3A_1151 {strides = array<i32>} : memref<512xf32, #tpu.memory_space<vmem>>, vector<16xf32>,
      }
    }
    %scan3A_33 = arith.constant 16 : i32
    %mul3A_34 = arith.constant 512 : i32
    %mul3A_35 = arith.muli %add3A, %mul3A_34 : i32
    "tpu.region"() ({
      %run_scoped3A = tpu.sem_alloc : memref<!tpu.dma_semaphore, #tpu.memory_space<semaphore_mem>>
      %dma_start3A_36 = tpu.memref_slice %arg6[%mul3A_35] : memref<16384xf32, #tpu.memory_space<hbm>> -> memref<512xf32, #tpu.memory_space<hbm>>
      %dma_start3A_37 = tpu.memref_slice %arg6[%mul3A_35] : memref<16384xf32, #tpu.memory_space<hbm>> -> memref<512xf32, #tpu.memory_space<hbm>>
      tpu.enqueue_dma source(%arg16 : memref<512xf32, #tpu.memory_space<vmem>>) target(%dma_start3A_37 : memref<512xf32, #tpu.memory_space<hbm>>) target_semaphore(%run_scoped3A : memref<!tpu.dma_semaphore, #tpu.memory_space<semaphore_mem>>)
      %dma_wait3A = tpu.memref_slice %arg6[%mul3A_35] : memref<16384xf32, #tpu.memory_space<hbm>> -> memref<512xf32, #tpu.memory_space<hbm>>
      %dma_wait3A_38 = tpu.memref_slice %arg6[%mul3A_35] : memref<16384xf32, #tpu.memory_space<hbm>> -> memref<512xf32, #tpu.memory_space<hbm>>
      tpu.wait_dma2 semaphore(%run_scoped3A : memref<!tpu.dma_semaphore, #tpu.memory_space<semaphore_mem>>) src(%arg16 : memref<512xf32, #tpu.memory_space<vmem>>) dst(%dma_wait3A_38 : memref<512xf32, #tpu.memory_space<hbm>>)
      tpu.yield
    }) : () -> ()
    return
  }
}

module attributes {stable_mosaic.version = 14 : i64} {
  func.func @_tc_loss_body(%arg0: memref<128x128xf32, #tpu.memory_space<vmem>>, %arg1: memref<128x128xf32, #tpu.memory_space<vmem>>, %arg2: memref<1x1xf32, #tpu.memory_space<smem>>) attributes {dimension_semantics = [], scalar_prefetch = 0 : i64, scratch_operands = 0 : i64, tpu.core_type = #tpu.core_type<tc>} {
    %get3A = arith.constant 0 : index
    %get3A_0 = arith.constant 0 : index
    %get3A_1 = vector.load %arg0[%get3A, %get3A_0] : memref<128x128xf32, #tpu.memory_space<vmem>>, vector<128x128xf32>
    %get3A_2 = arith.constant 0 : index
    %get3A_3 = arith.constant 0 : index
    %get3A_4 = vector.load %arg1[%get3A_2, %get3A_3] : memref<128x128xf32, #tpu.memory_space<vmem>>, vector<128x128xf32>
    %logistic3A = arith.negf %get3A_1 : vector<128x128xf32>
    %logistic3A_5 = math.exp %logistic3A : vector<128x128xf32>
    %logistic3A_6 = arith.constant 1.000000e+00 : f32
    %logistic3A_7 = vector.broadcast %logistic3A_6 : f32 to vector<128x128xf32>
    %logistic3A_8 = arith.addf %logistic3A_7, %logistic3A_5 : vector<128x128xf32>
    %logistic3A_9 = arith.divf %logistic3A_7, %logistic3A_8 : vector<128x128xf32>
    %add3A = arith.constant 9.99999993E-9 : f32
    %add3A_10 = vector.broadcast %add3A : f32 to vector<128x128xf32>
    %add3A_11 = arith.addf %logistic3A_9, %add3A_10 : vector<128x128xf32>
    %log3A = math.log %add3A_11 : vector<128x128xf32>
    %mul3A = arith.mulf %get3A_4, %log3A : vector<128x128xf32>
    %sub3A = arith.constant 1.000000e+00 : f32
    %sub3A_12 = vector.broadcast %sub3A : f32 to vector<128x128xf32>
    %sub3A_13 = arith.subf %sub3A_12, %get3A_4 : vector<128x128xf32>
    %sub3A_14 = arith.constant 1.000000e+00 : f32
    %sub3A_15 = vector.broadcast %sub3A_14 : f32 to vector<128x128xf32>
    %sub3A_16 = arith.subf %sub3A_15, %logistic3A_9 : vector<128x128xf32>
    %add3A_17 = arith.constant 9.99999993E-9 : f32
    %add3A_18 = vector.broadcast %add3A_17 : f32 to vector<128x128xf32>
    %add3A_19 = arith.addf %sub3A_16, %add3A_18 : vector<128x128xf32>
    %log3A_20 = math.log %add3A_19 : vector<128x128xf32>
    %mul3A_21 = arith.mulf %sub3A_13, %log3A_20 : vector<128x128xf32>
    %add3A_22 = arith.addf %mul3A, %mul3A_21 : vector<128x128xf32>
    %neg3A = arith.constant 0.000000e+00 : f32
    %neg3A_23 = vector.broadcast %neg3A : f32 to vector<128x128xf32>
    %neg3A_24 = arith.subf %neg3A_23, %add3A_22 : vector<128x128xf32>
    %reduce_sum3A = vector.shape_cast %neg3A_24 : vector<128x128xf32> to vector<1x128x128xf32>
    %reduce_sum3A_25 = arith.constant dense<0.000000e+00> : vector<1xf32>
    %reduce_sum3A_26 = vector.multi_reduction <add>, %reduce_sum3A, %reduce_sum3A_25 [1, 2] : vector<1x128x128xf32> to vector<1xf32>
    %reduce_sum3A_27 = vector.shape_cast %reduce_sum3A_26 : vector<1xf32> to vector<1x1x1xf32>
    %reduce_sum3A_28 = vector.extract %reduce_sum3A_27[0, 0, 0] : f32 from vector<1x1x1xf32>
    %mul3A_29 = arith.constant 6.10351563E-5 : f32
    %mul3A_30 = arith.mulf %reduce_sum3A_28, %mul3A_29 : f32
    %swap3A = arith.constant 0 : index
    %swap3A_31 = arith.constant 0 : index
    %swap3A_32 = memref.load %arg2[%swap3A, %swap3A_31] : memref<1x1xf32, #tpu.memory_space<smem>>
    memref.store %mul3A_30, %arg2[%swap3A, %swap3A_31] : memref<1x1xf32, #tpu.memory_space<smem>>
    return
  }
}

</mosaic_0001>

<sc_bundles>
// kernel: kernel.4.cloned.1.call-start
scs
__scs_entry_jumppad:
0x0: {  	(pc) =	sbr.rel $0x88, $3  }
0x1: {  	(tag) =	ssettag $0x0;
	lr =	simm.s32 $0x1  }
0x2: {  	[smem:$0x3F9C] =	sst lr;
	_ =	strace $0xD0000000  }
0x3: {  	_ = 	snop  }
0x4: {  	_ = 	snop  }
0x5: {  	_ = 	snop  }
0x6: {  	_ = 	snop  }
0x7: {  	_ = 	snop  }
__scs_overlays_trampoline_lowered:
0x8: {  	[smem:$0x3FAB] =	sst s0  }
0x9: {  	[smem:$0x3FAC] =	sst s1  }
0xa: {  	[smem:$0x3FAD] =	sst s2  }
0xb: {  	[smem:$0x3FAE] =	sst s3  }
0xc: {  	[smem:$0x3FAF] =	sst s4  }
0xd: {  	[smem:$0x3FB0] =	sst s5  }
0xe: {  	[smem:$0x3FB1] =	sst s6  }
0xf: {  	[smem:$0x3FB2] =	sst s7  }
0x10: {  	[smem:$0x3FB3] =	sst s8  }
0x11: {  	[smem:$0x3FB4] =	sst s9;
	s0 =	simm.s32 @!p0 $0x0  }
0x12: {  	s1 =	sld [smem:$0x3F9A];
	s0 =	simm.s32 @p0 $0x1  }
0x13: {  	[smem:$0x3FB5] =	sst s0;
	s0 =	simm.s32 @!p1 $0x0  }
0x14: {  	s2 =	sld [smem:$0x3F99];
	s0 =	simm.s32 @p1 $0x1  }
0x15: {  	[smem:$0x3FB6] =	sst s0;
	s0 =	simm.s32 @!p2 $0x0  }
0x16: {  	s3 =	sld [smem:$0x3FDB];
	s0 =	simm.s32 @p2 $0x1  }
0x17: {  	s4 =	simm.s32 $0x1BF5;
	[smem:$0x3FB8] =	sst s0  }
0x18: {  	s0 =	sld [smem:$0x3F9B];
	_ =	swait.ge [sflag:s4], $0x0  }
0x19: {  	s7 =	sld [smem:$0x3F9C]  }
0x1a: {  	s8 =	sadd.s32 $0xFFFFE003, lr  }
0x1b: {  	s9 =	sadd.s32 $0xFFFFFEF7, lr;
	s5 =	simm.s32 $0xFFFFFFFF;
	p2 =	slt.u32 s8, $0xFFFFF086  }
0x1c: {  	p1 =	slt.u32 s9, $0xF7A;
	s5 =	simm.s32 @!p2 $0x0  }
0x1d: {  	s5 =	simm.s32 @p1 $0x1;
	p0 =	seq.s32 s7, s2  }
0x1e: {  	s7 =	smul.u32 @!p0 $0xF7A, s2;
	p2 =	seq.s32 @!p0 s5, $0x0  }
0x1f: {  	s9 =	smul.u32 $0xF7A, s1;
	s8 =	simm.s32 @!p0 $0x1BF5;
	p2 =	por !p2, p0  }
0x20: {  	[sflag:s8] =	ssyncset.s32 @!p0 $0xFFFFF086;
	s6 =	sadd.s32 @!p0 s3, s7;
	s7 =	simm.s32 @!p0 $0x108  }
0x21: {  	s3 =	sadd.s32 s3, s9;
	s6 =	sadd.s32 @!p0 $0x88, s6;
	s7 =	simm.s32 @p2 $0x1082  }
0x22: {  	[simem:s7], [sflag:s8] =	dma.local @!p0 [hbm:s6], $0xF7A  }
0x23: {  	s9 =	sor.u32 $0xD0000000, s2;
	s6 =	simm.s32 $0x108;
	_ =	swait.ge @!p0 [sflag:s8], $0x0  }
0x24: {  	s3 =	sadd.s32 $0x88, s3;
	s6 =	simm.s32 @!p1 $0x1082;
	[sflag:s4] =	ssyncset.s32 $0xFFFFF086  }
0x25: {  	[simem:s6], [sflag:s4] =	dma.local [hbm:s3], $0xF7A  }
0x26: {  	[smem:$0x3F9C] =	sst s1;
	(tag) =	ssettag s2;
	_ =	strace s9  }
0x27: {  	s1 =	sld [smem:$0x3FAC]  }
0x28: {  	s2 =	sld [smem:$0x3FAD]  }
0x29: {  	s4 =	sld [smem:$0x3FAF]  }
0x2a: {  	p0 =	seq.s32 s5, $0x0;
	s5 =	sld [smem:$0x3FB0]  }
0x2b: {  	s6 =	sld [smem:$0x3FB1]  }
0x2c: {  	s7 =	sld [smem:$0x3FB2]  }
0x2d: {  	s3 =	simm.s32 $0x108;
	s8 =	sld [smem:$0x3FB3]  }
0x2e: {  	s3 =	simm.s32 @!p0 $0x1082;
	s9 =	sld [smem:$0x3FB4]  }
0x2f: {  	lr =	sadd.s32 s0, s3;
	s0 =	sld [smem:$0x3FAB]  }
0x30: {  	s3 =	sld [smem:$0x3FAE]  }
0x31: {  	[smem:$0x3FB7] =	sst s10  }
0x32: {  	s10 =	sld [smem:$0x3FB5];
	_ =	sdelay $0x3  }
0x33: {  	p0 =	seq.s32 s10, $0x1;
	s10 =	sld [smem:$0x3FB7];
	_ =	sdelay $0x3  }
0x34: {  	[smem:$0x3FB7] =	sst s10  }
0x35: {  	s10 =	sld [smem:$0x3FB6];
	_ =	sdelay $0x3  }
0x36: {  	p1 =	seq.s32 s10, $0x1;
	s10 =	sld [smem:$0x3FB7];
	_ =	sdelay $0x3  }
0x37: {  	[smem:$0x3FB7] =	sst s10  }
0x38: {  	s10 =	sld [smem:$0x3FB8]  }
0x39: {  	_ = 	snop;
	(pc) =	sbr.ind lr, $3  }
0x3a: {  	_ = 	snop  }
0x3b: {  	_ = 	snop  }
0x3c: {  	p2 =	seq.s32 s10, $0x1;
	s10 =	sld [smem:$0x3FB7]  }
0x3d: {  	_ =	shalt  }
0x3e: {  	_ =	shalt  }
0x3f: {  	_ =	shalt  }
0x40: {  	_ =	shalt  }
0x41: {  	_ =	shalt  }
0x42: {  	_ =	shalt  }
0x43: {  	_ =	shalt  }
0x44: {  	_ =	shalt  }
0x45: {  	_ =	shalt  }
0x46: {  	_ =	shalt  }
0x47: {  	_ =	shalt  }
0x48: {  	_ =	shalt  }
0x49: {  	_ =	shalt  }
0x4a: {  	_ =	shalt  }
0x4b: {  	_ =	shalt  }
0x4c: {  	_ =	shalt  }
0x4d: {  	_ =	shalt  }
0x4e: {  	_ =	shalt  }
0x4f: {  	_ =	shalt  }
0x50: {  	_ =	shalt  }
0x51: {  	_ =	shalt  }
0x52: {  	_ =	shalt  }
0x53: {  	_ =	shalt  }
0x54: {  	_ =	shalt  }
0x55: {  	_ =	shalt  }
0x56: {  	_ =	shalt  }
0x57: {  	_ =	shalt  }
0x58: {  	_ =	shalt  }
0x59: {  	_ =	shalt  }
0x5a: {  	_ =	shalt  }
0x5b: {  	_ =	shalt  }
0x5c: {  	_ =	shalt  }
0x5d: {  	_ =	shalt  }
0x5e: {  	_ =	shalt  }
0x5f: {  	_ =	shalt  }
0x60: {  	_ =	shalt  }
0x61: {  	_ =	shalt  }
0x62: {  	_ =	shalt  }
0x63: {  	_ =	shalt  }
0x64: {  	_ =	shalt  }
0x65: {  	_ =	shalt  }
0x66: {  	_ =	shalt  }
0x67: {  	_ =	shalt  }
0x68: {  	_ =	shalt  }
0x69: {  	_ =	shalt  }
0x6a: {  	_ =	shalt  }
0x6b: {  	_ =	shalt  }
0x6c: {  	_ =	shalt  }
0x6d: {  	_ =	shalt  }
0x6e: {  	_ =	shalt  }
0x6f: {  	_ =	shalt  }
0x70: {  	_ =	shalt  }
0x71: {  	_ =	shalt  }
0x72: {  	_ =	shalt  }
0x73: {  	_ =	shalt  }
0x74: {  	_ =	shalt  }
0x75: {  	_ =	shalt  }
0x76: {  	_ =	shalt  }
0x77: {  	_ =	shalt  }
0x78: {  	_ =	shalt  }
0x79: {  	_ =	shalt  }
0x7a: {  	_ =	shalt  }
0x7b: {  	_ =	shalt  }
0x7c: {  	_ =	shalt  }
0x7d: {  	_ =	shalt  }
0x7e: {  	_ =	shalt  }
0x7f: {  	_ =	shalt  }
0x80: {  	_ =	shalt  }
0x81: {  	_ =	shalt  }
0x82: {  	_ =	shalt  }
0x83: {  	_ =	shalt  }
0x84: {  	_ =	shalt  }
0x85: {  	_ =	shalt  }
0x86: {  	_ =	shalt  }
0x87: {  	_ =	shalt  }
.Lfunc_end0:
.L_simem_size_0:
called_computation_lowered:
.L_overlay_start_0:
0x88: {  	s2 =	sld [smem:$0x3FD9]  }
0x89: {  	s3 =	sld [smem:$0x3FFE];
	_ =	sdelay $0x1  }
0x8a: {  	s1 =	srdreg.scid  }
0x8b: {  	s0 =	sand.u32 $0x1, s1  }
0x8c: {  	s17 =	sshll.u32 s0, $0xA;
	s2 =	sadd.s32 s3, s2  }
0x8d: {  	s2 =	sadd.s32 s2, s17  }
0x8e: {  	[smem:$0x3FC3] =	sst s2  }
0x8f: {  	_ = 	snop  }
0x90: {  	s2 =	sld [smem:$0x3FC8];
	(tm) =	ssettm $0x1  }
0x91: {  	s18 =	sld [smem:$0x3FFB];
	_ =	sdelay $0x3  }
0x92: {  	_ =	strace s18  }
0x93: {  	s3 =	sld [smem:$0x3FFC];
	_ =	sdelay $0x3  }
0x94: {  	_ =	strace s3  }
0x95: {  	s3 =	sld [smem:$0x3FFD];
	_ =	sdelay $0x3  }
0x96: {  	_ =	strace s3  }
0x97: {  	_ =	strace $0x8FFFFFFF  }
0x98: {  	s19 =	sld [smem:$0x3FDB];
	_ =	sdelay $0x1  }
0x99: {  	s4 =	simm.s32 $_scs_section_size  }
0x9a: {  	s5 =	simm.s32 $_size__tile_overlayer_lowered;
	s6 =	simm.s32 $_tile_overlayer_lowered  }
0x9b: {  	s22 =	simm.s32 $0x1BFF;
	s21 =	sshll.u32 s6, $0x1;
	s3 =	sadd.s32 s4, s19  }
0x9c: {  	s7 =	simm.s32 $0x0;
	s20 =	sshll.u32 s5, $0x1;
	s5 =	sadd.s32 s21, s3  }
0x9d: {  	[timem:s7], [sflag:s22] =	dma.local [hbm:s5], s20  }
0x9e: {  	_ =	swait.ge [sflag:s22], s20  }
0x9f: {  	s4 =	ssub.s32 $0x0, s20;
	[sflag:s22] =	ssyncset.done $0x0  }
0xa0: {  	[sflag:s22] =	ssyncadd.s32 s4;
	_ =	sdelay $0x1  }
0xa1: {  	s23 =	simm.s32 $0x1B8B  }
0xa2: {  	_ =	swait.ge [sflag:s23], $0x1  }
0xa3: {  	[sflag:s23] =	ssyncset.done $0x0  }
0xa4: {  	s25 =	simm.s32 $0x1B8E;
	s24 =	sld [smem:$0x3FFE];
	[sflag:s23] =	ssyncadd.s32 $0xFFFFFFFF  }
0xa5: {  	s26 =	simm.s32 $execute0_lowered;
	[smem:$0x3FD2] =	sst s25  }
0xa6: {  	s5 =	sshll.u32 s26, $0x1;
	_ =	strace $0x80000046;
	[dreg:$0x1] =	wrdreg $0xFFFFFFFF  }
0xa7: {  	s28 =	simm.s32 $_size_execute0_lowered;
	s3 =	sadd.s32 s3, s5;
	[dreg:$0x0] =	wrdreg $0x0  }
0xa8: {  	s5 =	sshll.u32 s28, $0x1;
	[dreg:$0x2] =	wrdreg s3  }
0xa9: {  	[dreg:$0x3] =	wrdreg s5  }
0xaa: {  	[dreg:$0x4] =	wrdreg $0xC0  }
0xab: {  	_ =	task [dreg:s7], $0x5FFFF  }
0xac: {  	[dreg:$0x1] =	wrdreg $0xFFFFFFFF  }
0xad: {  	[dreg:$0x0] =	wrdreg $0x60  }
0xae: {  	[dreg:$0x2] =	wrdreg s24  }
0xaf: {  	[dreg:$0x3] =	wrdreg s2  }
0xb0: {  	[dreg:$0x4] =	wrdreg $0x9  }
0xb1: {  	_ =	task.clear_ibuf [dreg:s7], $0x5FFFF;
	_ =	strace $0x90000046  }
0xb2: {  	s29 =	simm.s32 $0x9;
	_ =	strace $0x80000048  }
0xb3: {  	_ =	swait.ge [sflag:s29], $0x1  }
0xb4: {  	[sflag:s29] =	ssyncadd.s32 $0xFFFFFFFF  }
0xb5: {  	_ =	strace $0x90000048  }
0xb6: {  	_ =	sfence  }
0xb7: {  	s30 =	sld [smem:$0x0];
	_ =	sdelay $0x2  }
0xb8: {  	s31 =	sshll.u32 s1, $0xD;
	s1 =	sshrl.u32 s1, $0x2  }
0xb9: {  	s3 =	sand.u32 $0x4000, s31;
	s1 =	sadd.s32 s1, s30  }
0xba: {  	s0 =	sor.u32 s3, s0;
	s1 =	sshll.u32 s1, $0x11  }
0xbb: {  	s0 =	sor.u32 s1, s0  }
0xbc: {  	s0 =	sadd.s32 $0x8F2B, s0  }
0xbd: {  	[sflag:s0] =	ssyncadd.remote.s32 $0x1  }
0xbe: {  	_ =	sfence.sel $0xFFFF  }
0xbf: {  	[dreg:$0x0] =	wrdreg $0xFFFFFFFF;
	(pc) =	sbr.abs _section_cstart, $3  }
0xc0: {  	[dreg:$0x1] =	wrdreg $0xFFFFFFFF  }
0xc1: {  	_ =	task.clear_ibuf [dreg:s7], $0x2FFFF;
	_ =	strace $0x9FFFFFFF  }
0xc2: {  	(tm) =	ssettm $0x7FFFFFFF  }
0xc3: {  	_ =	shalt  }
tec
execute0_lowered:
.L_overlay_start_1:
0x0: {  	(tag) =	ssettag $0x1  }
0x1: {  	v25 =	vlaneseq.u32  }
0x2: {  	v0 =	vmul.u32 $0x14, v25;
	_ =	sdelay $0x1  }
0x3: {  	v3 =	vor.u32 $0x1, v0  }
0x4: {  	[tilespmem:$0x1FD60] =	vst v3;
	v3 =	vor.u32 $0x2, v0  }
0x5: {  	[tilespmem:$0x1FD70] =	vst v3;
	v3 =	vor.u32 $0x3, v0  }
0x6: {  	[tilespmem:$0x1FD80] =	vst v3;
	v3 =	vadd.s32 $0x4, v0  }
0x7: {  	[tilespmem:$0x1FD90] =	vst v3;
	v3 =	vadd.s32 $0x5, v0  }
0x8: {  	[tilespmem:$0x1FDA0] =	vst v3;
	v3 =	vadd.s32 $0x6, v0  }
0x9: {  	[tilespmem:$0x1FDB0] =	vst v3;
	v3 =	vadd.s32 $0x7, v0  }
0xa: {  	[tilespmem:$0x1FDC0] =	vst v3;
	v3 =	vadd.s32 $0x8, v0  }
0xb: {  	[tilespmem:$0x1FDD0] =	vst v3;
	v3 =	vadd.s32 $0x9, v0  }
0xc: {  	[tilespmem:$0x1FDE0] =	vst v3;
	v3 =	vadd.s32 $0xA, v0  }
0xd: {  	[tilespmem:$0x1FDF0] =	vst v3;
	v3 =	vadd.s32 $0xB, v0  }
0xe: {  	s5 =	rddreg [dreg:$0x0];
	[tilespmem:$0x1FE00] =	vst v3;
	v3 =	vadd.s32 $0xC, v0  }
0xf: {  	s6 =	rddreg [dreg:$0x1];
	s2 =	simm.s32 $0x0;
	[tilespmem:$0x1FE10] =	vst v3;
	v3 =	vadd.s32 $0xD, v0  }
0x10: {  	s1 =	srdreg.scid;
	[smem:$0x7FF] =	sst s2;
	[tilespmem:$0x1FE20] =	vst v3;
	v3 =	vadd.s32 $0xE, v0  }
0x11: {  	s4 =	sand.u32 $0x1, s1;
	s1 =	rddreg [dreg:$0x2];
	_ =	strace $0x80000047;
	[tilespmem:$0x1FE30] =	vst v3  }
0x12: {  	v3 =	vadd.s32 $0xF, v0;
	[tilespmem:$0x1FE80] =	vst v0  }
0x13: {  	[tilespmem:$0x1FE40] =	vst v3;
	v3 =	vadd.s32 $0x10, v0  }
0x14: {  	[tilespmem:$0x1FE50] =	vst v3;
	v3 =	vadd.s32 $0x11, v0  }
0x15: {  	v5 =	vand.u32 $0x1, v25;
	v25 =	vmul.u32 $0x10, v25;
	[tilespmem:$0x1FE60] =	vst v3;
	v3 =	vadd.s32 $0x12, v0  }
0x16: {  	v0 =	vadd.s32 $0x13, v0;
	[tilespmem:$0x1FE70] =	vst v3  }
0x17: {  	[tilespmem:$0x1FE90] =	vst v0;
	v0 =	vor.u32 $0x1, v25  }
0x18: {  	[tilespmem:$0x1FEA0] =	vst v0;
	v0 =	vor.u32 $0x2, v25  }
0x19: {  	[tilespmem:$0x1FEB0] =	vst v0;
	v0 =	vor.u32 $0x3, v25  }
0x1a: {  	[tilespmem:$0x1FEC0] =	vst v0;
	v0 =	vor.u32 $0x4, v25  }
0x1b: {  	[tilespmem:$0x1FED0] =	vst v0;
	v0 =	vor.u32 $0x5, v25  }
0x1c: {  	[tilespmem:$0x1FEE0] =	vst v0;
	v0 =	vor.u32 $0x6, v25  }
0x1d: {  	[tilespmem:$0x1FEF0] =	vst v0;
	v0 =	vor.u32 $0x7, v25  }
0x1e: {  	[tilespmem:$0x1FF00] =	vst v0;
	v0 =	vor.u32 $0x8, v25  }
0x1f: {  	[tilespmem:$0x1FF10] =	vst v0;
	v0 =	vor.u32 $0x9, v25  }
0x20: {  	[tilespmem:$0x1FF20] =	vst v0;
	v0 =	vor.u32 $0xA, v25  }
0x21: {  	[tilespmem:$0x1FF30] =	vst v0;
	v0 =	vor.u32 $0xB, v25  }
0x22: {  	[tilespmem:$0x1FF40] =	vst v0;
	v0 =	vor.u32 $0xC, v25  }
0x23: {  	s0 =	stileid.u32;
	s12 =	simm.s32 $0x280;
	[tilespmem:$0x1FF50] =	vst v0;
	v0 =	vor.u32 $0xD, v25  }
0x24: {  	s13 =	simm.s32 $0x2A00;
	s14 =	simm.s32 $0x20;
	s15 =	simm.s32 $0x16A00;
	[tilespmem:$0x1FF60] =	vst v0;
	v0 =	vor.u32 $0xE, v25  }
0x25: {  	s16 =	simm.s32 $0x1;
	s17 =	simm.s32 $0xCA00;
	s18 =	simm.s32 $0x17200;
	[tilespmem:$0x1FF70] =	vst v0;
	v0 =	vor.u32 $0xF, v25  }
0x26: {  	s19 =	simm.s32 $0x17C00;
	s20 =	simm.s32 $0x17E00;
	s3 =	sshll.u32 s0, $0x1;
	[tilespmem:$0x1FF80] =	vst v0;
	v0 =	vor.u32 $0x100, v25  }
0x27: {  	s21 =	simm.s32 $0x18000;
	s22 =	simm.s32 $0x2;
	s7 =	sor.u32 s4, s3;
	[tilespmem:$0x1FF90] =	vst v0;
	v0 =	vor.u32 $0x101, v25  }
0x28: {  	s23 =	simm.s32 $0x0;
	s9 =	ssub.s32 $0x2, s4;
	s3 =	smul.u32 $0x500, s7;
	[tilespmem:$0x1FFA0] =	vst v0;
	v0 =	vor.u32 $0x102, v25  }
.Ltmp0:
0x29: {  	v2 =	vimm.s32 $0x0;
	v1 =	vmul.u32 $0x4, v5;
	s7 =	sshll.u32 s7, $0x6;
	s10 =	sshrl.u32 s9, $0x1;
	[tilespmem:$0x1FFB0] =	vst v0;
	v0 =	vor.u32 $0x103, v25;
	(pc) =	sbr.rel .LBB2_1-.Ltmp0, $4  }
0x2a: {  	v16 =	vmul.u32 $0xFFFFFFFC, v5;
	s4 =	sadd.s32 $0x189000, s5;
	v52 =	vor.u32 $0x107, v25;
	s11 =	sadd.s32 s7, s5;
	s9 =	ssub.s32 s9, s10;
	[tilespmem:$0x1FFC0] =	vst v0;
	v0 =	vor.u32 $0x104, v25  }
0x2b: {  	v4 =	vor.u32 $0x1, v1;
	v6 =	vor.u32 $0x2, v1;
	s6 =	sadd.s32 s6, s7;
	s10 =	simm.s32 $0x2800;
	s8 =	sadd.s32 s3, s5;
	[tilespmem:$0x1FFD0] =	vst v0;
	v0 =	vor.u32 $0x105, v25  }
0x2c: {  	v8 =	vor.u32 $0x3, v1;
	v10 =	vadd.s32 $0x4, v16;
	s3 =	sadd.s32 $0x24C600, s5;
	s7 =	sadd.s32 $0xC600, s11;
	s11 =	simm.s32 $0x17A00;
	[tilespmem:$0x1FFE0] =	vst v0;
	v0 =	vor.u32 $0x106, v25  }
0x2d: {  	v12 =	vadd.s32 $0x5, v16;
	v14 =	vadd.s32 $0x6, v16;
	v16 =	vadd.s32 $0x7, v16;
	s5 =	sadd.s32 $0x2600, s8;
	s8 =	smax.u32 s9, $0x1;
	s9 =	simm.s32 $0x3;
	[tilespmem:$0x1FFF0] =	vst v0  }
.LBB2_8:
0x2e: {  	s23 =	sadd.s32 $0x1, s23  }
0x2f: {  	p0 =	sne.s32 s23, s8  }
.Ltmp1:
0x30: {  	_ = 	snop;
	(pc) =	sbr.rel @!p0 .LBB2_9-.Ltmp1, $4  }
0x31: {  	[hbm4b:s7+s2] =	stream.linear.scatter [tilespmem:s21], [sflag:$0x3], $0x200, $0x38;
	[tilespmem:$0x18200] =	vst v63  }
0x32: {  	_ =	swait.ge [sflag:s9], $0x200  }
0x33: {  	[sflag:s9] =	ssyncset.done $0x0  }
0x34: {  	[sflag:s9] =	ssyncadd.s32 $0xFFFFFE00  }
.LBB2_1:
0x35: {  	[tilespmem:s2], [sflag:$0x3] =	stream.linear.gather [hbm4b:s5+s2], $0x2800, $0x38;
	[tilespmem:$0x18200] =	vst v63  }
0x36: {  	_ =	swait.ge [sflag:s9], $0x2800  }
0x37: {  	[sflag:s9] =	ssyncset.done $0x0  }
0x38: {  	[sflag:s9] =	ssyncadd.s32 $0xFFFFD800  }
0x39: {  	[tilespmem:s10], [sflag:$0x3] =	stream.linear.gather [hbm4b:s6+s2], $0x200, $0x38;
	[tilespmem:$0x18200] =	vst v63  }
0x3a: {  	_ =	swait.ge [sflag:s9], $0x200  }
0x3b: {  	[sflag:s9] =	ssyncset.done $0x0  }
0x3c: {  	[sflag:s9] =	ssyncadd.s32 $0xFFFFFE00  }
0x3d: {  	[tilespmem:s11], [sflag:$0x3] =	stream.linear.gather [hbm4b:s3+s2], $0x200, $0x38;
	[tilespmem:$0x18200] =	vst v63  }
0x3e: {  	_ =	swait.ge [sflag:s9], $0x200  }
0x3f: {  	[sflag:s9] =	ssyncset.done $0x0  }
0x40: {  	[sflag:s9] =	ssyncadd.s32 $0xFFFFFE00  }
0x41: {  	v53 =	vld [tilespmem:$0x17A00]  }
.Ltmp2:
0x42: {  	v54 =	vld [tilespmem:$0x17A10];
	(pc) =	sbr.rel .LBB2_2-.Ltmp2, $4  }
0x43: {  	v55 =	vld [tilespmem:$0x17A20]  }
0x44: {  	v56 =	vld [tilespmem:$0x17A30];
	[tilespmem:s13], [sflag:$0x1] =	stream.indirect.gather [hbm4b:s3+s12], $0x40, s2, s12, $0xb8  }
0x45: {  	s24 =	simm.s32 $0x0  }
0x46: {  	[tilespmem:s15], [sflag:$0x1] =	stream.indirect.gather [hbm4b:s4+s14], $0x40, s10, s14, $0xb8;
	[tilespmem:$0x18200] =	vst v63  }
.LBB2_7:
0x47: {  	v31 =	vld [tilespmem:$0x1FE80]  }
0x48: {  	v32 =	vld [tilespmem:$0x1FD60]  }
0x49: {  	v33 =	vld [tilespmem:$0x1FD70]  }
0x4a: {  	s25 =	smul.u32 $0x280, s24;
	v34 =	vld [tilespmem:$0x1FD80]  }
0x4b: {  	v35 =	vld [tilespmem:$0x1FD90]  }
0x4c: {  	v0 =	vadd.s32 s25, v31  }
0x4d: {  	v36 =	vld [tilespmem:$0x1FDA0];
	v3 =	vadd.s32 s25, v32;
	v0 =	vand.u32 $0x7FF8, v0  }
0x4e: {  	v37 =	vld [tilespmem:$0x1FDB0];
	v5 =	vadd.s32 s25, v33;
	v3 =	vand.u32 $0x7FF8, v3;
	v0 =	vor.u32 v1, v0  }
0x4f: {  	v38 =	vld [tilespmem:$0x1FDC0];
	v7 =	vadd.s32 s25, v34;
	v5 =	vand.u32 $0x7FF8, v5;
	v3 =	vor.u32 v4, v3  }
0x50: {  	v39 =	vld [tilespmem:$0x1FDD0];
	v9 =	vadd.s32 s25, v35;
	v7 =	vand.u32 $0x7FF8, v7;
	v5 =	vor.u32 v6, v5  }
0x51: {  	v40 =	vld [tilespmem:$0x1FDE0];
	v9 =	vand.u32 $0x7FF8, v9;
	v7 =	vor.u32 v8, v7  }
0x52: {  	v41 =	vld [tilespmem:$0x1FDF0];
	v9 =	vor.u32 v10, v9  }
0x53: {  	v0 =	vld.idx.msk [tilespmem:v0+s2+$0x0], $0xffff  }
0x54: {  	v11 =	vadd.s32 s25, v36;
	v3 =	vld.idx.msk [tilespmem:v3+s2+$0x0], $0xffff  }
0x55: {  	v13 =	vadd.s32 s25, v37;
	v11 =	vand.u32 $0x7FF8, v11;
	v5 =	vld.idx.msk [tilespmem:v5+s2+$0x0], $0xffff  }
0x56: {  	v15 =	vadd.s32 s25, v38;
	v13 =	vand.u32 $0x7FF8, v13;
	v11 =	vor.u32 v12, v11;
	v7 =	vld.idx.msk [tilespmem:v7+s2+$0x0], $0xffff  }
0x57: {  	v19 =	vadd.s32 s25, v41;
	v15 =	vand.u32 $0x7FF8, v15;
	v13 =	vor.u32 v14, v13;
	v9 =	vld.idx.msk [tilespmem:v9+s2+$0x0], $0xffff  }
0x58: {  	v42 =	vld [tilespmem:$0x1FE00];
	v19 =	vand.u32 $0x7FF8, v19;
	v15 =	vor.u32 v16, v15  }
0x59: {  	v30 =	vld [tilespmem:$0x1FEA0];
	v19 =	vor.u32 v6, v19;
	vm0 =	veq.s32 v0, $0x0;
	vm1 =	veq.s32 v3, $0x0  }
0x5a: {  	v60 =	vld [tilespmem:$0x1FEC0];
	vm14 =	veq.s32 v5, $0x0;
	v3 =	vsel vm0, $0x1, v2;
	v61 =	vsel vm1, $0x1, v2  }
0x5b: {  	v11 =	vld.idx.msk [tilespmem:v11+s2+$0x0], $0xffff;
	vm15 =	veq.s32 v7, $0x0;
	v62 =	vsel vm14, $0x1, v2;
	v3 =	vadd.s32 v3, v61  }
0x5c: {  	v13 =	vld.idx.msk [tilespmem:v13+s2+$0x0], $0xffff;
	vm4 =	veq.s32 v9, $0x0;
	v63 =	vsel vm15, $0x1, v2;
	v3 =	vadd.s32 v62, v3  }
0x5d: {  	v15 =	vld.idx.msk [tilespmem:v15+s2+$0x0], $0xffff;
	v51 =	vsel vm4, $0x1, v2;
	v3 =	vadd.s32 v63, v3  }
0x5e: {  	v3 =	vadd.s32 v51, v3;
	v51 =	vld [tilespmem:$0x1FEB0]  }
0x5f: {  	v19 =	vld.idx.msk [tilespmem:v19+s2+$0x0], $0xffff  }
0x60: {  	v5 =	vld.idx.msk [tilespmem:v25+s20+$0x0], $0xffff  }
0x61: {  	v7 =	vld.idx.msk [tilespmem:v25+s19+$0x0], $0xffff  }
0x62: {  	v62 =	vld [tilespmem:$0x1FED0]  }
0x63: {  	v9 =	vld.idx.msk [tilespmem:v30+s20+$0x0], $0xffff  }
0x64: {  	v17 =	vadd.s32 s25, v39;
	vm5 =	veq.s32 v11, $0x0;
	v11 =	vld.idx.msk [tilespmem:v30+s19+$0x0], $0xffff  }
0x65: {  	v17 =	vand.u32 $0x7FF8, v17;
	vm10 =	veq.s32 v19, $0x0;
	v19 =	vld [tilespmem:$0x1FEF0]  }
0x66: {  	v18 =	vadd.s32 s25, v40;
	v17 =	vor.u32 v1, v17;
	v58 =	vld.idx.msk [tilespmem:v51+s20+$0x0], $0xffff  }
0x67: {  	v18 =	vand.u32 $0x7FF8, v18;
	vm6 =	veq.s32 v13, $0x0;
	v5 =	vadd.f32 $0.0e+00, v5;
	v13 =	vld.idx.msk [tilespmem:v51+s19+$0x0], $0xffff  }
0x68: {  	v18 =	vor.u32 v4, v18;
	vm7 =	veq.s32 v15, $0x0;
	v15 =	vld.idx.msk [tilespmem:v60+s20+$0x0], $0xffff;
	v7 =	vadd.f32 $0.0e+00, v7  }
0x69: {  	v5 =	vadd.f32 v9, v5;
	v9 =	vld.idx.msk [tilespmem:v60+s19+$0x0], $0xffff  }
0x6a: {  	v20 =	vadd.s32 s25, v42;
	v7 =	vadd.f32 v11, v7;
	v11 =	vld.idx.msk [tilespmem:v62+s20+$0x0], $0xffff  }
0x6b: {  	v20 =	vand.u32 $0x7FF8, v20;
	v17 =	vld.idx.msk [tilespmem:v17+s2+$0x0], $0xffff;
	v5 =	vadd.f32 v58, v5  }
0x6c: {  	v20 =	vor.u32 v8, v20;
	v63 =	vld [tilespmem:$0x1FEE0];
	v7 =	vadd.f32 v13, v7  }
0x6d: {  	v18 =	vld.idx.msk [tilespmem:v18+s2+$0x0], $0xffff;
	v5 =	vadd.f32 v15, v5  }
0x6e: {  	v7 =	vadd.f32 v9, v7;
	v9 =	vld.idx.msk [tilespmem:v19+s20+$0x0], $0xffff  }
0x6f: {  	v5 =	vadd.f32 v11, v5;
	v11 =	vld.idx.msk [tilespmem:v19+s19+$0x0], $0xffff  }
0x70: {  	v19 =	vld [tilespmem:$0x1FF00]  }
0x71: {  	v20 =	vld.idx.msk [tilespmem:v20+s2+$0x0], $0xffff;
	v57 =	vsel vm5, $0x1, v2  }
0x72: {  	v59 =	vsel vm6, $0x1, v2;
	v3 =	vadd.s32 v57, v3  }
0x73: {  	vm8 =	veq.s32 v17, $0x0;
	v61 =	vsel vm7, $0x1, v2;
	v3 =	vadd.s32 v59, v3  }
0x74: {  	vm9 =	veq.s32 v18, $0x0;
	v17 =	vsel vm8, $0x1, v2;
	v3 =	vadd.s32 v61, v3;
	v13 =	vld.idx.msk [tilespmem:v63+s20+$0x0], $0xffff  }
0x75: {  	v3 =	vadd.s32 v17, v3;
	v17 =	vsel vm9, $0x1, v2  }
0x76: {  	vm11 =	veq.s32 v20, $0x0;
	v3 =	vadd.s32 v17, v3;
	v17 =	vsel vm10, $0x1, v2  }
0x77: {  	v3 =	vadd.s32 v17, v3;
	v17 =	vsel vm11, $0x1, v2  }
0x78: {  	v3 =	vadd.s32 v17, v3;
	v17 =	vld.idx.msk [tilespmem:v19+s20+$0x0], $0xffff  }
0x79: {  	v5 =	vadd.f32 v13, v5;
	v13 =	vld.idx.msk [tilespmem:v19+s19+$0x0], $0xffff  }
0x7a: {  	v19 =	vld [tilespmem:$0x1FF10]  }
0x7b: {  	v18 =	vld.idx.msk [tilespmem:v62+s19+$0x0], $0xffff  }
0x7c: {  	v43 =	vld [tilespmem:$0x1FE10]  }
0x7d: {  	v15 =	vld.idx.msk [tilespmem:v63+s19+$0x0], $0xffff  }
0x7e: {  	v44 =	vld [tilespmem:$0x1FE20]  }
0x7f: {  	v45 =	vld [tilespmem:$0x1FE30]  }
0x80: {  	v46 =	vld [tilespmem:$0x1FE40];
	v7 =	vadd.f32 v18, v7  }
0x81: {  	v47 =	vld [tilespmem:$0x1FE50]  }
0x82: {  	v7 =	vadd.f32 v15, v7;
	v15 =	vld.idx.msk [tilespmem:v19+s20+$0x0], $0xffff  }
0x83: {  	v5 =	vadd.f32 v9, v5;
	v9 =	vld.idx.msk [tilespmem:v19+s19+$0x0], $0xffff  }
0x84: {  	v21 =	vadd.s32 s25, v43;
	v19 =	vld [tilespmem:$0x1FF20]  }
0x85: {  	v48 =	vld [tilespmem:$0x1FE60];
	v21 =	vand.u32 $0x7FF8, v21  }
0x86: {  	v49 =	vld [tilespmem:$0x1FE70];
	v21 =	vor.u32 v10, v21;
	_ =	sdelay $0x1  }
0x87: {  	v22 =	vadd.s32 s25, v44;
	v23 =	vadd.s32 s25, v45  }
0x88: {  	v50 =	vld [tilespmem:$0x1FE90];
	v24 =	vadd.s32 s25, v46;
	v26 =	vadd.s32 s25, v47;
	v22 =	vand.u32 $0x7FF8, v22  }
0x89: {  	v27 =	vadd.s32 s25, v48;
	v23 =	vand.u32 $0x7FF8, v23;
	v22 =	vor.u32 v12, v22  }
0x8a: {  	v28 =	vadd.s32 s25, v49;
	v24 =	vand.u32 $0x7FF8, v24;
	v23 =	vor.u32 v14, v23;
	v21 =	vld.idx.msk [tilespmem:v21+s2+$0x0], $0xffff  }
0x8b: {  	v26 =	vand.u32 $0x7FF8, v26;
	v24 =	vor.u32 v16, v24;
	v7 =	vadd.f32 v11, v7;
	v11 =	vld.idx.msk [tilespmem:v19+s20+$0x0], $0xffff  }
0x8c: {  	v27 =	vand.u32 $0x7FF8, v27;
	v26 =	vor.u32 v1, v26;
	v5 =	vadd.f32 v17, v5;
	v17 =	vld.idx.msk [tilespmem:v19+s19+$0x0], $0xffff  }
0x8d: {  	v29 =	vadd.s32 s25, v50;
	v28 =	vand.u32 $0x7FF8, v28;
	v27 =	vor.u32 v4, v27;
	v19 =	vld [tilespmem:$0x1FF30]  }
0x8e: {  	v29 =	vand.u32 $0x7FF8, v29;
	v28 =	vor.u32 v6, v28;
	v22 =	vld.idx.msk [tilespmem:v22+s2+$0x0], $0xffff  }
0x8f: {  	v29 =	vor.u32 v8, v29;
	v23 =	vld.idx.msk [tilespmem:v23+s2+$0x0], $0xffff  }
0x90: {  	v24 =	vld.idx.msk [tilespmem:v24+s2+$0x0], $0xffff  }
0x91: {  	v26 =	vld.idx.msk [tilespmem:v26+s2+$0x0], $0xffff  }
0x92: {  	v27 =	vld.idx.msk [tilespmem:v27+s2+$0x0], $0xffff  }
0x93: {  	v28 =	vld.idx.msk [tilespmem:v28+s2+$0x0], $0xffff  }
0x94: {  	v0 =	vld.idx.msk [tilespmem:v29+s2+$0x0], $0xffff  }
0x95: {  	vm12 =	veq.s32 v21, $0x0;
	vm13 =	veq.s32 v22, $0x0;
	v7 =	vadd.f32 v13, v7;
	v13 =	vld.idx.msk [tilespmem:v19+s20+$0x0], $0xffff  }
0x96: {  	vm14 =	veq.s32 v23, $0x0;
	v18 =	vsel vm12, $0x1, v2;
	v5 =	vadd.f32 v15, v5;
	v15 =	vld.idx.msk [tilespmem:v19+s19+$0x0], $0xffff  }
0x97: {  	vm15 =	veq.s32 v24, $0x0;
	v3 =	vadd.s32 v18, v3;
	v18 =	vsel vm13, $0x1, v2;
	v19 =	vld [tilespmem:$0x1FF40]  }
0x98: {  	vm4 =	veq.s32 v26, $0x0;
	v3 =	vadd.s32 v18, v3;
	v18 =	vsel vm14, $0x1, v2  }
0x99: {  	vm5 =	veq.s32 v27, $0x0;
	v3 =	vadd.s32 v18, v3;
	v18 =	vsel vm15, $0x1, v2  }
0x9a: {  	vm6 =	veq.s32 v28, $0x0;
	v3 =	vadd.s32 v18, v3;
	v18 =	vsel vm4, $0x1, v2  }
0x9b: {  	v3 =	vadd.s32 v18, v3;
	v18 =	vsel vm5, $0x1, v2;
	v7 =	vadd.f32 v9, v7  }
0x9c: {  	vm7 =	veq.s32 v0, $0x0;
	v3 =	vadd.s32 v18, v3;
	v18 =	vsel vm6, $0x1, v2  }
0x9d: {  	v3 =	vadd.s32 v18, v3;
	v0 =	vadd.f32 v17, v7;
	v17 =	vsel vm7, $0x1, v2  }
0x9e: {  	v3 =	vadd.s32 v17, v3;
	v17 =	vld [tilespmem:$0x1FF60]  }
0x9f: {  	v9 =	vld.idx.msk [tilespmem:v19+s20+$0x0], $0xffff  }
0xa0: {  	v5 =	vadd.f32 v11, v5;
	v11 =	vld.idx.msk [tilespmem:v19+s19+$0x0], $0xffff  }
0xa1: {  	v19 =	vld [tilespmem:$0x1FF50];
	_ =	sdelay $0x3  }
0xa2: {  	v5 =	vadd.f32 v13, v5  }
0xa3: {  	v0 =	vadd.f32 v15, v0;
	v15 =	vld.idx.msk [tilespmem:v17+s20+$0x0], $0xffff  }
0xa4: {  	v5 =	vadd.f32 v9, v5;
	v9 =	vld.idx.msk [tilespmem:v17+s19+$0x0], $0xffff  }
0xa5: {  	v17 =	vld [tilespmem:$0x1FF70]  }
0xa6: {  	v7 =	vld.idx.msk [tilespmem:v19+s20+$0x0], $0xffff  }
0xa7: {  	v13 =	vld.idx.msk [tilespmem:v19+s19+$0x0], $0xffff  }
0xa8: {  	v19 =	vld [tilespmem:$0x1FF80];
	_ =	sdelay $0x5  }
0xa9: {  	v3 =	vcvt.s32.f32 v3;
	v0 =	vadd.f32 v11, v0;
	v11 =	vld.idx.msk [tilespmem:v17+s20+$0x0], $0xffff  }
0xaa: {  	v5 =	vadd.f32 v7, v5;
	v7 =	vld.idx.msk [tilespmem:v17+s19+$0x0], $0xffff  }
0xab: {  	v17 =	vsub.f32 $2.000000000e+01, v3;
	v18 =	vld.idx.msk [tilespmem:v19+s20+$0x0], $0xffff  }
0xac: {  	s31 =	sshll.u32 s24, $0x5;
	v5 =	vadd.f32 v15, v5  }
0xad: {  	s26 =	sor.u32 $0x10, s31;
	v0 =	vadd.f32 v13, v0;
	(erf) = vrcp.f32 v17  }
0xae: {  	s26 =	smul.u32 $0x14, s26;
	v13 =	vld.idx.msk [tilespmem:v19+s19+$0x0], $0xffff;
	v5 =	vadd.f32 v11, v5  }
0xaf: {  	v0 =	vadd.f32 v9, v0  }
0xb0: {  	v24 =	vadd.s32 s26, v46;
	v26 =	vadd.s32 s26, v47;
	v5 =	vadd.f32 v18, v5  }
0xb1: {  	v27 =	vadd.s32 s26, v48;
	v9 =	vadd.s32 s26, v34;
	v0 =	vadd.f32 v7, v0  }
0xb2: {  	v15 =	vadd.s32 s26, v38;
	v17 =	vadd.s32 s26, v39;
	v3 =	vmul.f32 v3, v5  }
0xb3: {  	v9 =	vand.u32 $0x7FFFFFF8, v9;
	v7 =	vadd.s32 s26, v33;
	v0 =	vadd.f32 v13, v0  }
0xb4: {  	v15 =	vand.u32 $0x7FFFFFF8, v15;
	v17 =	vand.u32 $0x7FFFFFF8, v17;
	v7 =	vand.u32 $0x7FFFFFF8, v7  }
0xb5: {  	v19 =	vadd.s32 s26, v41;
	v7 =	vor.u32 v6, v7;
	v0 =	vsub.f32 v0, v3  }
0xb6: {  	v46 =	vld [tilespmem:$0x1FFB0];
	v41 =	vadd.s32 s26, v43;
	v43 =	vadd.s32 s26, v45;
	v9 =	vor.u32 v8, v9;
	v3 =	vpop (erf)  }
0xb7: {  	v47 =	vld [tilespmem:$0x1FFC0];
	v15 =	vor.u32 v16, v15;
	v18 =	vadd.s32 s26, v40;
	v0 =	vmul.f32 v0, v3  }
0xb8: {  	v51 =	vld [tilespmem:$0x1FFF0];
	v17 =	vor.u32 v1, v17;
	v18 =	vand.u32 $0x7FFFFFF8, v18;
	v5 =	vadd.s32 s26, v31  }
0xb9: {  	v45 =	vadd.s32 s26, v50;
	v50 =	vld [tilespmem:$0x1FFE0];
	v18 =	vor.u32 v4, v18;
	v3 =	vand.u32 $0x7FFFFFF8, v5;
	[tilespmem:s31+$0x18000] =	vst v0  }
0xba: {  	v27 =	vand.u32 $0x7FFFFFF8, v27;
	v3 =	vor.u32 v1, v3;
	v7 =	vld.idx.msk [tilespmem:v7+s2+$0x0], $0xffff  }
0xbb: {  	v27 =	vor.u32 v4, v27;
	v5 =	vadd.s32 s26, v32;
	v9 =	vld.idx.msk [tilespmem:v9+s2+$0x0], $0xffff  }
0xbc: {  	v11 =	vadd.s32 s26, v35;
	v5 =	vand.u32 $0x7FFFFFF8, v5;
	v15 =	vld.idx.msk [tilespmem:v15+s2+$0x0], $0xffff  }
0xbd: {  	v11 =	vand.u32 $0x7FFFFFF8, v11;
	v13 =	vadd.s32 s26, v36;
	v5 =	vor.u32 v4, v5;
	v17 =	vld.idx.msk [tilespmem:v17+s2+$0x0], $0xffff  }
0xbe: {  	v0 =	vor.u32 v10, v11;
	v11 =	vand.u32 $0x7FFFFFF8, v13;
	v13 =	vadd.s32 s26, v37;
	v18 =	vld.idx.msk [tilespmem:v18+s2+$0x0], $0xffff  }
0xbf: {  	v19 =	vand.u32 $0x7FFFFFF8, v19;
	v11 =	vor.u32 v12, v11;
	v13 =	vand.u32 $0x7FFFFFF8, v13;
	v3 =	vld.idx.msk [tilespmem:v3+s2+$0x0], $0xffff  }
0xc0: {  	v40 =	vadd.s32 s26, v42;
	v13 =	vor.u32 v14, v13;
	vm10 =	veq.s32 v7, $0x0;
	v7 =	vld.idx.msk [tilespmem:v27+s2+$0x0], $0xffff  }
0xc1: {  	v19 =	vor.u32 v6, v19;
	v20 =	vand.u32 $0x7FFFFFF8, v40;
	v27 =	vld [tilespmem:$0x1FF90]  }
0xc2: {  	v26 =	vand.u32 $0x7FFFFFF8, v26;
	v20 =	vor.u32 v8, v20;
	v5 =	vld.idx.msk [tilespmem:v5+s2+$0x0], $0xffff  }
0xc3: {  	v24 =	vand.u32 $0x7FFFFFF8, v24;
	v26 =	vor.u32 v1, v26;
	v0 =	vld.idx.msk [tilespmem:v0+s2+$0x0], $0xffff  }
0xc4: {  	v24 =	vor.u32 v16, v24;
	v42 =	vadd.s32 s26, v44;
	v11 =	vld.idx.msk [tilespmem:v11+s2+$0x0], $0xffff  }
0xc5: {  	v21 =	vand.u32 $0x7FFFFFF8, v41;
	v23 =	vand.u32 $0x7FFFFFF8, v43;
	v22 =	vand.u32 $0x7FFFFFF8, v42;
	v13 =	vld.idx.msk [tilespmem:v13+s2+$0x0], $0xffff  }
0xc6: {  	v21 =	vor.u32 v10, v21;
	v23 =	vor.u32 v14, v23;
	v22 =	vor.u32 v12, v22;
	v19 =	vld.idx.msk [tilespmem:v19+s2+$0x0], $0xffff  }
0xc7: {  	v20 =	vld.idx.msk [tilespmem:v20+s2+$0x0], $0xffff;
	vm11 =	veq.s32 v9, $0x0;
	vm8 =	veq.s32 v3, $0x0;
	vm9 =	veq.s32 v5, $0x0  }
0xc8: {  	v3 =	vld.idx.msk [tilespmem:v26+s2+$0x0], $0xffff;
	v5 =	vsel vm8, $0x1, v2;
	vm12 =	veq.s32 v0, $0x0;
	v26 =	vsel vm9, $0x1, v2  }
0xc9: {  	vm13 =	veq.s32 v11, $0x0;
	v5 =	vadd.s32 v5, v26;
	v26 =	vsel vm10, $0x1, v2;
	v11 =	vld.idx.msk [tilespmem:v27+s20+$0x0], $0xffff  }
0xca: {  	vm14 =	veq.s32 v13, $0x0;
	v5 =	vadd.s32 v26, v5;
	v26 =	vsel vm11, $0x1, v2;
	v13 =	vld.idx.msk [tilespmem:v27+s19+$0x0], $0xffff  }
0xcb: {  	v5 =	vadd.s32 v26, v5;
	v26 =	vsel vm12, $0x1, v2;
	v27 =	vld [tilespmem:$0x1FFA0]  }
0xcc: {  	v21 =	vld.idx.msk [tilespmem:v21+s2+$0x0], $0xffff;
	v5 =	vadd.s32 v26, v5;
	v26 =	vsel vm13, $0x1, v2  }
0xcd: {  	v22 =	vld.idx.msk [tilespmem:v22+s2+$0x0], $0xffff;
	vm15 =	veq.s32 v15, $0x0;
	v5 =	vadd.s32 v26, v5;
	v26 =	vsel vm14, $0x1, v2  }
0xce: {  	v23 =	vld.idx.msk [tilespmem:v23+s2+$0x0], $0xffff;
	vm4 =	veq.s32 v17, $0x0;
	v5 =	vadd.s32 v26, v5;
	v26 =	vsel vm15, $0x1, v2  }
0xcf: {  	v24 =	vld.idx.msk [tilespmem:v24+s2+$0x0], $0xffff;
	vm5 =	veq.s32 v18, $0x0;
	v5 =	vadd.s32 v26, v5;
	v26 =	vsel vm4, $0x1, v2  }
0xd0: {  	v44 =	vadd.s32 s26, v49;
	v48 =	vld.idx.msk [tilespmem:v47+s20+$0x0], $0xffff;
	v5 =	vadd.s32 v26, v5;
	v26 =	vsel vm5, $0x1, v2  }
0xd1: {  	v28 =	vand.u32 $0x7FFFFFF8, v44;
	v5 =	vadd.s32 v26, v5;
	v26 =	vld [tilespmem:$0x1FFD0]  }
0xd2: {  	v28 =	vor.u32 v6, v28;
	v57 =	vld.idx.msk [tilespmem:v51+s19+$0x0], $0xffff  }
0xd3: {  	v15 =	vld.idx.msk [tilespmem:v27+s20+$0x0], $0xffff  }
0xd4: {  	v27 =	vld.idx.msk [tilespmem:v27+s19+$0x0], $0xffff  }
0xd5: {  	v17 =	vld.idx.msk [tilespmem:v46+s20+$0x0], $0xffff  }
0xd6: {  	v18 =	vld.idx.msk [tilespmem:v46+s19+$0x0], $0xffff;
	v11 =	vadd.f32 $0.0e+00, v11  }
0xd7: {  	v59 =	vor.u32 $0x10A, v25;
	v62 =	vor.u32 $0x10C, v25;
	v9 =	vld.idx.msk [tilespmem:v28+s2+$0x0], $0xffff;
	v13 =	vadd.f32 $0.0e+00, v13  }
0xd8: {  	v58 =	vor.u32 $0x109, v25;
	v29 =	vand.u32 $0x7FFFFFF8, v45;
	v11 =	vadd.f32 v15, v11;
	v15 =	vld.idx.msk [tilespmem:v47+s19+$0x0], $0xffff  }
0xd9: {  	v29 =	vor.u32 v8, v29;
	vm6 =	veq.s32 v19, $0x0;
	v13 =	vadd.f32 v27, v13;
	v49 =	vld.idx.msk [tilespmem:v26+s20+$0x0], $0xffff  }
0xda: {  	vm7 =	veq.s32 v20, $0x0;
	v19 =	vsel vm6, $0x1, v2;
	v11 =	vadd.f32 v17, v11;
	v17 =	vld.idx.msk [tilespmem:v26+s19+$0x0], $0xffff  }
0xdb: {  	vm8 =	veq.s32 v21, $0x0;
	vm9 =	veq.s32 v22, $0x0;
	v13 =	vadd.f32 v18, v13;
	v18 =	vld.idx.msk [tilespmem:v50+s20+$0x0], $0xffff  }
0xdc: {  	v21 =	vld.idx.msk [tilespmem:v50+s19+$0x0], $0xffff;
	vm10 =	veq.s32 v23, $0x0;
	v26 =	vor.u32 $0x108, v25;
	v11 =	vadd.f32 v48, v11  }
0xdd: {  	v5 =	vadd.s32 v19, v5;
	v19 =	vsel vm7, $0x1, v2;
	v13 =	vadd.f32 v15, v13;
	v15 =	vld.idx.msk [tilespmem:v51+s20+$0x0], $0xffff  }
0xde: {  	v0 =	vld.idx.msk [tilespmem:v29+s2+$0x0], $0xffff;
	v5 =	vadd.s32 v19, v5;
	v19 =	vsel vm8, $0x1, v2;
	v11 =	vadd.f32 v49, v11  }
0xdf: {  	v5 =	vadd.s32 v19, v5;
	v19 =	vsel vm9, $0x1, v2;
	v13 =	vadd.f32 v17, v13;
	v17 =	vld.idx.msk [tilespmem:v52+s20+$0x0], $0xffff  }
0xe0: {  	v5 =	vadd.s32 v19, v5;
	v19 =	vsel vm10, $0x1, v2;
	v11 =	vadd.f32 v18, v11;
	v18 =	vld.idx.msk [tilespmem:v52+s19+$0x0], $0xffff  }
0xe1: {  	v63 =	vor.u32 $0x10D, v25;
	v5 =	vadd.s32 v19, v5;
	v19 =	vld.idx.msk [tilespmem:v26+s20+$0x0], $0xffff;
	v13 =	vadd.f32 v21, v13  }
0xe2: {  	vm11 =	veq.s32 v24, $0x0;
	v24 =	vor.u32 $0x10B, v25;
	v11 =	vadd.f32 v15, v11;
	v15 =	vld.idx.msk [tilespmem:v26+s19+$0x0], $0xffff  }
0xe3: {  	v60 =	vsel vm11, $0x1, v2;
	vm12 =	veq.s32 v3, $0x0;
	v3 =	vadd.f32 v57, v13;
	v13 =	vld.idx.msk [tilespmem:v58+s20+$0x0], $0xffff  }
0xe4: {  	v61 =	vsel vm12, $0x1, v2;
	vm13 =	veq.s32 v7, $0x0;
	v11 =	vadd.f32 v17, v11;
	v17 =	vld.idx.msk [tilespmem:v58+s19+$0x0], $0xffff  }
0xe5: {  	v7 =	vld.idx.msk [tilespmem:v59+s20+$0x0], $0xffff;
	vm14 =	veq.s32 v9, $0x0;
	v5 =	vadd.s32 v60, v5;
	v3 =	vadd.f32 v18, v3  }
0xe6: {  	v5 =	vadd.s32 v61, v5;
	v18 =	vsel vm13, $0x1, v2;
	v11 =	vadd.f32 v19, v11;
	v19 =	vld.idx.msk [tilespmem:v59+s19+$0x0], $0xffff  }
0xe7: {  	vm15 =	veq.s32 v0, $0x0;
	v9 =	vld.idx.msk [tilespmem:v24+s20+$0x0], $0xffff;
	v5 =	vadd.s32 v18, v5;
	v3 =	vadd.f32 v15, v3  }
0xe8: {  	v18 =	vor.u32 $0x10E, v25;
	v15 =	vsel vm14, $0x1, v2;
	v11 =	vadd.f32 v13, v11;
	v13 =	vld.idx.msk [tilespmem:v24+s19+$0x0], $0xffff  }
0xe9: {  	v5 =	vadd.s32 v15, v5;
	v15 =	vsel vm15, $0x1, v2;
	v0 =	vadd.f32 v17, v3;
	v3 =	vld.idx.msk [tilespmem:v62+s20+$0x0], $0xffff  }
0xea: {  	v17 =	vor.u32 $0x10F, v25;
	v5 =	vadd.s32 v15, v5;
	v15 =	vld.idx.msk [tilespmem:v63+s20+$0x0], $0xffff;
	v7 =	vadd.f32 v7, v11  }
0xeb: {  	v11 =	vld.idx.msk [tilespmem:v62+s19+$0x0], $0xffff;
	v0 =	vadd.f32 v19, v0  }
0xec: {  	v7 =	vadd.f32 v9, v7;
	v9 =	vld.idx.msk [tilespmem:v63+s19+$0x0], $0xffff  }
0xed: {  	v5 =	vcvt.s32.f32 v5;
	v0 =	vadd.f32 v13, v0;
	v13 =	vld.idx.msk [tilespmem:v18+s20+$0x0], $0xffff  }
0xee: {  	v3 =	vadd.f32 v3, v7;
	v7 =	vld.idx.msk [tilespmem:v18+s19+$0x0], $0xffff  }
0xef: {  	v18 =	vsub.f32 $2.000000000e+01, v5;
	v19 =	vld.idx.msk [tilespmem:v17+s20+$0x0], $0xffff  }
0xf0: {  	v3 =	vadd.f32 v15, v3  }
0xf1: {  	v0 =	vadd.f32 v11, v0;
	(erf) = vrcp.f32 v18  }
0xf2: {  	v11 =	vld.idx.msk [tilespmem:v17+s19+$0x0], $0xffff;
	v3 =	vadd.f32 v13, v3  }
0xf3: {  	v0 =	vadd.f32 v9, v0  }
0xf4: {  	v3 =	vadd.f32 v19, v3  }
0xf5: {  	v0 =	vadd.f32 v7, v0  }
0xf6: {  	v3 =	vmul.f32 v5, v3  }
0xf7: {  	s24 =	sadd.s32 $0x1, s24;
	v0 =	vadd.f32 v11, v0  }
0xf8: {  	p0 =	sne.s32 s24, $0x10  }
.Ltmp3:
0xf9: {  	v0 =	vsub.f32 v0, v3;
	(pc) =	sbr.rel @!p0 .LBB2_8-.Ltmp3, $3  }
0xfa: {  	v3 =	vpop (erf)  }
0xfb: {  	v0 =	vmul.f32 v0, v3;
	_ =	sdelay $0x1  }
0xfc: {  	[tilespmem:s31+$0x18010] =	vst v0  }
.LBB2_2:
0xfd: {  	s25 =	sand.u32 $0x1, s24  }
0xfe: {  	p0 =	seq.s32 s25, $0x1  }
.Ltmp4:
0xff: {  	_ = 	snop;
	(pc) =	sbr.rel @p0 .LBB2_5-.Ltmp4, $1  }
0x100: {  	_ =	sdelay $0x3  }
0x101: {  	_ =	swait.ge [sflag:s16], $0xA000  }
0x102: {  	[sflag:s16] =	ssyncset.done $0x0  }
0x103: {  	s25 =	sor.u32 $0x1, s24;
	[sflag:s16] =	ssyncadd.s32 $0xFFFF6000  }
0x104: {  	s26 =	smul.u32 $0xA00, s25;
	_ =	swait.ge [sflag:s16], $0x800  }
0x105: {  	s25 =	sshll.u32 s25, $0x5;
	[sflag:s16] =	ssyncset.done $0x0  }
0x106: {  	s25 =	sand.u32 $0x3FFFFFE0, s25;
	s26 =	sshra.s32 s26, $0x2;
	[sflag:s16] =	ssyncadd.s32 $0xFFFFF800  }
0x107: {  	[tilespmem:s17], [sflag:$0x2] =	stream.indirect.gather [hbm4b:s3+s12], $0x40, s26, s12, $0xb8;
	[tilespmem:$0x18200] =	vst v63  }
0x108: {  	s25 =	sadd.s32 $0x2800, s25  }
0x109: {  	[tilespmem:s18], [sflag:$0x2] =	stream.indirect.gather [hbm4b:s4+s14], $0x40, s25, s14, $0xb8;
	[tilespmem:$0x18200] =	vst v63  }
0x10a: {  	s28 =	simm.s32 $0x2C80;
	s26 =	simm.s32 $0x16A20;
	s25 =	simm.s32 $0x0  }
.LBB2_4:
0x10b: {  	v57 =	vld [tilespmem:s28+$0xFFFFFD80]  }
0x10c: {  	v58 =	vld [tilespmem:s28+$0xFFFFFD90]  }
0x10d: {  	v59 =	vld [tilespmem:s28+$0xFFFFFDA0]  }
0x10e: {  	v60 =	vld [tilespmem:s28+$0xFFFFFDB0]  }
0x10f: {  	v61 =	vld [tilespmem:s28+$0xFFFFFDC0]  }
0x110: {  	v62 =	vld [tilespmem:s28+$0xFFFFFDD0]  }
0x111: {  	v63 =	vld [tilespmem:s28+$0xFFFFFDE0]  }
0x112: {  	v3 =	vld [tilespmem:s28+$0xFFFFFDF0]  }
0x113: {  	v5 =	vld [tilespmem:s28+$0xFFFFFE00]  }
0x114: {  	v7 =	vld [tilespmem:s28+$0xFFFFFE10]  }
0x115: {  	v0 =	vld [tilespmem:s28+$0xFFFFFE20]  }
0x116: {  	v9 =	vld [tilespmem:s28+$0xFFFFFE30]  }
0x117: {  	v11 =	vld [tilespmem:s28+$0xFFFFFE40]  }
0x118: {  	v13 =	vld [tilespmem:s28+$0xFFFFFE50]  }
0x119: {  	v15 =	vld [tilespmem:s28+$0xFFFFFE60]  }
0x11a: {  	v17 =	vld [tilespmem:s28+$0xFFFFFE70]  }
0x11b: {  	v18 =	vld [tilespmem:s28+$0xFFFFFE80]  }
0x11c: {  	v19 =	vld [tilespmem:s28+$0xFFFFFE90]  }
0x11d: {  	v20 =	vld [tilespmem:s28+$0xFFFFFEA0]  }
0x11e: {  	v21 =	vld [tilespmem:s28+$0xFFFFFEB0]  }
0x11f: {  	v22 =	vld [tilespmem:s28+$0xFFFFFEC0]  }
0x120: {  	v23 =	vld [tilespmem:s28+$0xFFFFFED0]  }
0x121: {  	v24 =	vld [tilespmem:s28+$0xFFFFFEE0]  }
0x122: {  	v26 =	vld [tilespmem:s28+$0xFFFFFEF0]  }
0x123: {  	v27 =	vld [tilespmem:s28+$0xFFFFFF00]  }
0x124: {  	v28 =	vld [tilespmem:s28+$0xFFFFFF10]  }
0x125: {  	v29 =	vld [tilespmem:s28+$0xFFFFFF20]  }
0x126: {  	v30 =	vld [tilespmem:s28+$0xFFFFFF30]  }
0x127: {  	v31 =	vld [tilespmem:s28+$0xFFFFFF40]  }
0x128: {  	v32 =	vld [tilespmem:s28+$0xFFFFFF50]  }
0x129: {  	v33 =	vld [tilespmem:s28+$0xFFFFFF60]  }
0x12a: {  	v34 =	vld [tilespmem:s28+$0xFFFFFF70]  }
0x12b: {  	v35 =	vld [tilespmem:s28+$0xFFFFFF80]  }
0x12c: {  	v36 =	vld [tilespmem:s28+$0xFFFFFF90]  }
0x12d: {  	v37 =	vld [tilespmem:s28+$0xFFFFFFA0]  }
0x12e: {  	v38 =	vld [tilespmem:s28+$0xFFFFFFB0]  }
0x12f: {  	v39 =	vld [tilespmem:s28+$0xFFFFFFC0]  }
0x130: {  	v40 =	vld [tilespmem:s28+$0xFFFFFFD0]  }
0x131: {  	v41 =	vld [tilespmem:s28+$0xFFFFFFE0]  }
0x132: {  	v42 =	vld [tilespmem:s28+$0xFFFFFFF0]  }
0x133: {  	v43 =	vld [tilespmem:s28+$0x0]  }
0x134: {  	v44 =	vld [tilespmem:s28+$0x10]  }
0x135: {  	v45 =	vld [tilespmem:s28+$0x20]  }
0x136: {  	v46 =	vld [tilespmem:s28+$0x30]  }
0x137: {  	v47 =	vld [tilespmem:s28+$0x40]  }
0x138: {  	v48 =	vld [tilespmem:s28+$0x50]  }
0x139: {  	v49 =	vld [tilespmem:s28+$0x60]  }
0x13a: {  	v50 =	vld [tilespmem:s28+$0x70]  }
0x13b: {  	v51 =	vld [tilespmem:s28+$0x80]  }
0x13c: {  	v57 =	vadd.f32 v61, v57;
	v58 =	vadd.f32 v62, v58;
	v61 =	vld [tilespmem:s28+$0x90]  }
0x13d: {  	v59 =	vadd.f32 v63, v59;
	v3 =	vadd.f32 v3, v60;
	v60 =	vld [tilespmem:s28+$0xA0]  }
0x13e: {  	v62 =	vld [tilespmem:s28+$0x150];
	v5 =	vadd.f32 v5, v57;
	v7 =	vadd.f32 v7, v58  }
0x13f: {  	v63 =	vld [tilespmem:s28+$0x160];
	v0 =	vadd.f32 v0, v59;
	v3 =	vadd.f32 v9, v3  }
0x140: {  	v57 =	vld [tilespmem:s28+$0xB0];
	v5 =	vadd.f32 v11, v5;
	v7 =	vadd.f32 v13, v7  }
0x141: {  	v9 =	vld [tilespmem:s28+$0xC0];
	v0 =	vadd.f32 v15, v0;
	v3 =	vadd.f32 v17, v3  }
0x142: {  	v58 =	vld [tilespmem:s28+$0x1E0];
	v5 =	vadd.f32 v18, v5;
	v7 =	vadd.f32 v19, v7  }
0x143: {  	v59 =	vld [tilespmem:s28+$0x1F0];
	v0 =	vadd.f32 v20, v0;
	v3 =	vadd.f32 v21, v3  }
0x144: {  	v11 =	vld [tilespmem:s28+$0xD0];
	v5 =	vadd.f32 v22, v5;
	v7 =	vadd.f32 v23, v7  }
0x145: {  	v13 =	vld [tilespmem:s28+$0xE0];
	v0 =	vadd.f32 v24, v0;
	v3 =	vadd.f32 v26, v3  }
0x146: {  	v15 =	vld [tilespmem:s28+$0xF0];
	v5 =	vadd.f32 v27, v5;
	v7 =	vadd.f32 v28, v7  }
0x147: {  	v17 =	vld [tilespmem:s28+$0x100];
	v0 =	vadd.f32 v29, v0;
	v3 =	vadd.f32 v30, v3  }
0x148: {  	v18 =	vld [tilespmem:s28+$0x110];
	v5 =	vadd.f32 v31, v5;
	v7 =	vadd.f32 v32, v7  }
0x149: {  	v19 =	vld [tilespmem:s28+$0x120];
	v0 =	vadd.f32 v33, v0;
	v3 =	vadd.f32 v34, v3  }
0x14a: {  	v20 =	vld [tilespmem:s28+$0x130];
	v5 =	vadd.f32 v35, v5;
	v7 =	vadd.f32 v36, v7  }
0x14b: {  	v21 =	vld [tilespmem:s28+$0x140];
	v0 =	vadd.f32 v37, v0;
	v3 =	vadd.f32 v38, v3  }
0x14c: {  	v24 =	vld [tilespmem:s28+$0x170];
	v5 =	vadd.f32 v39, v5;
	v7 =	vadd.f32 v40, v7  }
0x14d: {  	v26 =	vld [tilespmem:s28+$0x180];
	v0 =	vadd.f32 v41, v0;
	v3 =	vadd.f32 v42, v3  }
0x14e: {  	v27 =	vld [tilespmem:s28+$0x190];
	v5 =	vadd.f32 v43, v5;
	v7 =	vadd.f32 v44, v7  }
0x14f: {  	v42 =	vld [tilespmem:s28+$0x1A0];
	v0 =	vadd.f32 v45, v0;
	v3 =	vadd.f32 v46, v3  }
0x150: {  	v44 =	vld [tilespmem:s28+$0x1B0];
	v5 =	vadd.f32 v47, v5;
	v7 =	vadd.f32 v48, v7  }
0x151: {  	v46 =	vld [tilespmem:s28+$0x1C0];
	v0 =	vadd.f32 v49, v0;
	v3 =	vadd.f32 v50, v3  }
0x152: {  	v48 =	vld [tilespmem:s28+$0x1D0];
	v5 =	vadd.f32 v51, v5;
	v7 =	vadd.f32 v61, v7  }
0x153: {  	v0 =	vadd.f32 v60, v0;
	v3 =	vadd.f32 v57, v3;
	v60 =	vld [tilespmem:s28+$0x200]  }
0x154: {  	v61 =	vld [tilespmem:s26+$0xFFFFFFE0];
	v5 =	vadd.f32 v9, v5;
	v7 =	vadd.f32 v11, v7  }
0x155: {  	v9 =	vld [tilespmem:s28+$0x210];
	v0 =	vadd.f32 v13, v0;
	v3 =	vadd.f32 v15, v3  }
0x156: {  	v11 =	vld [tilespmem:s28+$0x220];
	v5 =	vadd.f32 v17, v5;
	v7 =	vadd.f32 v18, v7  }
0x157: {  	v13 =	vld [tilespmem:s28+$0x230];
	v0 =	vadd.f32 v19, v0;
	v3 =	vadd.f32 v20, v3  }
0x158: {  	v15 =	vld [tilespmem:s28+$0x240];
	v5 =	vadd.f32 v21, v5;
	v7 =	vadd.f32 v62, v7  }
0x159: {  	v17 =	vld [tilespmem:s28+$0x250];
	v0 =	vadd.f32 v63, v0;
	v3 =	vadd.f32 v24, v3  }
0x15a: {  	v18 =	vld [tilespmem:s28+$0x260];
	v5 =	vadd.f32 v26, v5;
	v7 =	vadd.f32 v27, v7  }
0x15b: {  	v19 =	vld [tilespmem:s28+$0x270];
	v0 =	vadd.f32 v42, v0;
	v3 =	vadd.f32 v44, v3  }
0x15c: {  	v62 =	vld [tilespmem:s26+$0xFFFFFFF0];
	v5 =	vadd.f32 v46, v5;
	v7 =	vadd.f32 v48, v7  }
0x15d: {  	v63 =	vld [tilespmem:s26+$0x0];
	v0 =	vadd.f32 v58, v0;
	v3 =	vadd.f32 v59, v3  }
0x15e: {  	v5 =	vadd.f32 v60, v5;
	v7 =	vadd.f32 v9, v7;
	v9 =	vld [tilespmem:s26+$0x10]  }
0x15f: {  	v0 =	vadd.f32 v11, v0;
	v3 =	vadd.f32 v13, v3  }
0x160: {  	v11 =	vmul.f32 v61, v53;
	v5 =	vadd.f32 v15, v5;
	v7 =	vadd.f32 v17, v7  }
0x161: {  	v13 =	vmul.f32 v62, v54;
	v0 =	vadd.f32 v18, v0;
	v3 =	vadd.f32 v19, v3  }
0x162: {  	v5 =	vmul.f32 v61, v5;
	v7 =	vmul.f32 v62, v7  }
0x163: {  	v0 =	vmul.f32 v63, v0;
	v3 =	vmul.f32 v9, v3  }
0x164: {  	v15 =	vmul.f32 v63, v55;
	v9 =	vmul.f32 v9, v56  }
0x165: {  	p0 =	seq.s32 s25, $0x7C0;
	v5 =	vadd.f32 v7, v5;
	v0 =	vadd.f32 v3, v0  }
.Ltmp5:
0x166: {  	v3 =	vadd.f32 v13, v11;
	v7 =	vadd.f32 v9, v15;
	(pc) =	sbr.rel @!p0 .LBB2_4-.Ltmp5, $4  }
0x167: {  	v0 =	vadd.f32 v0, v5  }
0x168: {  	s29 =	sshra.s32 s25, $0x2;
	v3 =	vadd.f32 v7, v3  }
0x169: {  	[tilespmem:s29+$0x17C00] =	vst v0  }
0x16a: {  	s25 =	sadd.s32 $0x40, s25;
	s28 =	sadd.s32 $0x500, s28;
	s26 =	sadd.s32 $0x40, s26;
	[tilespmem:s29+$0x17E00] =	vst v3  }
.Ltmp6:
0x16b: {  	_ = 	snop;
	(pc) =	sbr.rel .LBB2_7-.Ltmp6, $1  }
0x16c: {  	_ =	sdelay $0x3  }
.LBB2_5:
0x16d: {  	_ =	swait.ge [sflag:s22], $0xA000  }
0x16e: {  	p0 =	seq.s32 s24, $0xF;
	[sflag:s22] =	ssyncset.done $0x0  }
0x16f: {  	s25 =	sadd.s32 @!p0 $0x1, s24;
	[sflag:s22] =	ssyncadd.s32 $0xFFFF6000  }
0x170: {  	s28 =	simm.s32 @!p0 $0x280;
	s26 =	smul.u32 @!p0 $0xA00, s25;
	_ =	swait.ge [sflag:s22], $0x800  }
0x171: {  	s29 =	simm.s32 @!p0 $0x2A00;
	s25 =	sshll.u32 @!p0 s25, $0x5;
	[sflag:s22] =	ssyncset.done $0x0  }
0x172: {  	s25 =	sand.u32 @!p0 $0x3FFFFFE0, s25;
	s26 =	sshra.s32 @!p0 s26, $0x2;
	[sflag:s22] =	ssyncadd.s32 $0xFFFFF800  }
0x173: {  	[tilespmem:s29], [sflag:$0x1] =	stream.indirect.gather @!p0 [hbm4b:s3+s28], $0x40, s26, s28, $0xb8;
	[tilespmem:$0x18200] =	vst v63  }
0x174: {  	s25 =	sadd.s32 @!p0 $0x2800, s25;
	s26 =	simm.s32 @!p0 $0x20;
	s28 =	simm.s32 @!p0 $0x16A00  }
0x175: {  	[tilespmem:s28], [sflag:$0x1] =	stream.indirect.gather @!p0 [hbm4b:s4+s26], $0x40, s25, s26, $0xb8;
	[tilespmem:$0x18200] =	vst v63  }
0x176: {  	s25 =	simm.s32 $0x0;
	s26 =	simm.s32 $0x17220;
	s28 =	simm.s32 $0xCC80  }
.LBB2_6:
0x177: {  	v0 =	vld [tilespmem:s28+$0xFFFFFD80]  }
0x178: {  	v3 =	vld [tilespmem:s28+$0xFFFFFD90]  }
0x179: {  	v5 =	vld [tilespmem:s28+$0xFFFFFDA0]  }
0x17a: {  	v7 =	vld [tilespmem:s28+$0xFFFFFDB0]  }
0x17b: {  	v9 =	vld [tilespmem:s28+$0xFFFFFDC0]  }
0x17c: {  	v11 =	vld [tilespmem:s28+$0xFFFFFDD0]  }
0x17d: {  	v13 =	vld [tilespmem:s28+$0xFFFFFDE0]  }
0x17e: {  	v15 =	vld [tilespmem:s28+$0xFFFFFDF0]  }
0x17f: {  	v17 =	vld [tilespmem:s28+$0xFFFFFE00]  }
0x180: {  	v18 =	vld [tilespmem:s28+$0xFFFFFE10]  }
0x181: {  	v19 =	vld [tilespmem:s28+$0xFFFFFE20]  }
0x182: {  	v20 =	vld [tilespmem:s28+$0xFFFFFE30]  }
0x183: {  	v21 =	vld [tilespmem:s28+$0xFFFFFE40]  }
0x184: {  	v22 =	vld [tilespmem:s28+$0xFFFFFE50]  }
0x185: {  	v23 =	vld [tilespmem:s28+$0xFFFFFE60]  }
0x186: {  	v24 =	vld [tilespmem:s28+$0xFFFFFE70]  }
0x187: {  	v26 =	vld [tilespmem:s28+$0xFFFFFE80]  }
0x188: {  	v27 =	vld [tilespmem:s28+$0xFFFFFE90]  }
0x189: {  	v28 =	vld [tilespmem:s28+$0xFFFFFEA0]  }
0x18a: {  	v29 =	vld [tilespmem:s28+$0xFFFFFEB0]  }
0x18b: {  	v30 =	vld [tilespmem:s28+$0xFFFFFEC0]  }
0x18c: {  	v31 =	vld [tilespmem:s28+$0xFFFFFED0]  }
0x18d: {  	v32 =	vld [tilespmem:s28+$0xFFFFFEE0]  }
0x18e: {  	v33 =	vld [tilespmem:s28+$0xFFFFFEF0]  }
0x18f: {  	v34 =	vld [tilespmem:s28+$0xFFFFFF00]  }
0x190: {  	v35 =	vld [tilespmem:s28+$0xFFFFFF10]  }
0x191: {  	v36 =	vld [tilespmem:s28+$0xFFFFFF20]  }
0x192: {  	v37 =	vld [tilespmem:s28+$0xFFFFFF30]  }
0x193: {  	v38 =	vld [tilespmem:s28+$0xFFFFFF40]  }
0x194: {  	v39 =	vld [tilespmem:s28+$0xFFFFFF50]  }
0x195: {  	v40 =	vld [tilespmem:s28+$0xFFFFFF60]  }
0x196: {  	v41 =	vld [tilespmem:s28+$0xFFFFFF70]  }
0x197: {  	v42 =	vld [tilespmem:s28+$0xFFFFFF80]  }
0x198: {  	v43 =	vld [tilespmem:s28+$0xFFFFFF90]  }
0x199: {  	v44 =	vld [tilespmem:s28+$0xFFFFFFA0]  }
0x19a: {  	v45 =	vld [tilespmem:s28+$0xFFFFFFB0]  }
0x19b: {  	v46 =	vld [tilespmem:s28+$0xFFFFFFC0]  }
0x19c: {  	v47 =	vld [tilespmem:s28+$0xFFFFFFD0]  }
0x19d: {  	v48 =	vld [tilespmem:s28+$0xFFFFFFE0]  }
0x19e: {  	v49 =	vld [tilespmem:s28+$0xFFFFFFF0]  }
0x19f: {  	v50 =	vld [tilespmem:s28+$0x0]  }
0x1a0: {  	v51 =	vld [tilespmem:s28+$0x10]  }
0x1a1: {  	v57 =	vld [tilespmem:s28+$0x20]  }
0x1a2: {  	v58 =	vld [tilespmem:s28+$0x30]  }
0x1a3: {  	v59 =	vld [tilespmem:s28+$0x40]  }
0x1a4: {  	v60 =	vld [tilespmem:s28+$0x50]  }
0x1a5: {  	v61 =	vld [tilespmem:s28+$0x60]  }
0x1a6: {  	v62 =	vld [tilespmem:s28+$0x70]  }
0x1a7: {  	v63 =	vld [tilespmem:s28+$0x80]  }
0x1a8: {  	v0 =	vadd.f32 v9, v0;
	v3 =	vadd.f32 v11, v3;
	v9 =	vld [tilespmem:s28+$0x90]  }
0x1a9: {  	v5 =	vadd.f32 v13, v5;
	v7 =	vadd.f32 v15, v7;
	v11 =	vld [tilespmem:s28+$0xA0]  }
0x1aa: {  	v13 =	vld [tilespmem:s28+$0xB0];
	v0 =	vadd.f32 v17, v0;
	v3 =	vadd.f32 v18, v3  }
0x1ab: {  	v15 =	vld [tilespmem:s28+$0xC0];
	v5 =	vadd.f32 v19, v5;
	v7 =	vadd.f32 v20, v7  }
0x1ac: {  	v17 =	vld [tilespmem:s28+$0xD0];
	v0 =	vadd.f32 v21, v0;
	v3 =	vadd.f32 v22, v3  }
0x1ad: {  	v18 =	vld [tilespmem:s28+$0xE0];
	v5 =	vadd.f32 v23, v5;
	v7 =	vadd.f32 v24, v7  }
0x1ae: {  	v19 =	vld [tilespmem:s28+$0xF0];
	v0 =	vadd.f32 v26, v0;
	v3 =	vadd.f32 v27, v3  }
0x1af: {  	v20 =	vld [tilespmem:s28+$0x100];
	v5 =	vadd.f32 v28, v5;
	v7 =	vadd.f32 v29, v7  }
0x1b0: {  	v21 =	vld [tilespmem:s28+$0x110];
	v0 =	vadd.f32 v30, v0;
	v3 =	vadd.f32 v31, v3  }
0x1b1: {  	v22 =	vld [tilespmem:s28+$0x120];
	v5 =	vadd.f32 v32, v5;
	v7 =	vadd.f32 v33, v7  }
0x1b2: {  	v23 =	vld [tilespmem:s28+$0x130];
	v0 =	vadd.f32 v34, v0;
	v3 =	vadd.f32 v35, v3  }
0x1b3: {  	v24 =	vld [tilespmem:s28+$0x140];
	v5 =	vadd.f32 v36, v5;
	v7 =	vadd.f32 v37, v7  }
0x1b4: {  	v26 =	vld [tilespmem:s28+$0x150];
	v0 =	vadd.f32 v38, v0;
	v3 =	vadd.f32 v39, v3  }
0x1b5: {  	v27 =	vld [tilespmem:s28+$0x160];
	v5 =	vadd.f32 v40, v5;
	v7 =	vadd.f32 v41, v7  }
0x1b6: {  	v0 =	vadd.f32 v42, v0;
	v3 =	vadd.f32 v43, v3;
	v43 =	vld [tilespmem:s28+$0x170]  }
0x1b7: {  	v5 =	vadd.f32 v44, v5;
	v7 =	vadd.f32 v45, v7;
	v45 =	vld [tilespmem:s28+$0x180]  }
0x1b8: {  	v0 =	vadd.f32 v46, v0;
	v3 =	vadd.f32 v47, v3;
	v47 =	vld [tilespmem:s28+$0x190]  }
0x1b9: {  	v5 =	vadd.f32 v48, v5;
	v7 =	vadd.f32 v49, v7;
	v49 =	vld [tilespmem:s28+$0x1A0]  }
0x1ba: {  	v0 =	vadd.f32 v50, v0;
	v3 =	vadd.f32 v51, v3;
	v51 =	vld [tilespmem:s28+$0x1B0]  }
0x1bb: {  	v5 =	vadd.f32 v57, v5;
	v7 =	vadd.f32 v58, v7;
	v57 =	vld [tilespmem:s28+$0x1C0]  }
0x1bc: {  	v58 =	vld [tilespmem:s28+$0x1D0];
	v0 =	vadd.f32 v59, v0;
	v3 =	vadd.f32 v60, v3  }
0x1bd: {  	v5 =	vadd.f32 v61, v5;
	v7 =	vadd.f32 v62, v7;
	v59 =	vld [tilespmem:s28+$0x1E0]  }
0x1be: {  	v60 =	vld [tilespmem:s28+$0x260];
	v0 =	vadd.f32 v63, v0;
	v3 =	vadd.f32 v9, v3  }
0x1bf: {  	v61 =	vld [tilespmem:s28+$0x270];
	v5 =	vadd.f32 v11, v5;
	v7 =	vadd.f32 v13, v7  }
0x1c0: {  	v62 =	vld [tilespmem:s26+$0xFFFFFFE0];
	v0 =	vadd.f32 v15, v0;
	v3 =	vadd.f32 v17, v3  }
0x1c1: {  	v9 =	vld [tilespmem:s28+$0x1F0];
	v5 =	vadd.f32 v18, v5;
	v7 =	vadd.f32 v19, v7  }
0x1c2: {  	v11 =	vld [tilespmem:s28+$0x200];
	v0 =	vadd.f32 v20, v0;
	v3 =	vadd.f32 v21, v3  }
0x1c3: {  	v13 =	vld [tilespmem:s28+$0x210];
	v5 =	vadd.f32 v22, v5;
	v7 =	vadd.f32 v23, v7  }
0x1c4: {  	v15 =	vld [tilespmem:s28+$0x220];
	v0 =	vadd.f32 v24, v0;
	v3 =	vadd.f32 v26, v3  }
0x1c5: {  	v17 =	vld [tilespmem:s28+$0x230];
	v5 =	vadd.f32 v27, v5;
	v7 =	vadd.f32 v43, v7  }
0x1c6: {  	v18 =	vld [tilespmem:s28+$0x240];
	v0 =	vadd.f32 v45, v0;
	v3 =	vadd.f32 v47, v3  }
0x1c7: {  	v19 =	vld [tilespmem:s28+$0x250];
	v5 =	vadd.f32 v49, v5;
	v7 =	vadd.f32 v51, v7  }
0x1c8: {  	v63 =	vld [tilespmem:s26+$0xFFFFFFF0];
	v0 =	vadd.f32 v57, v0;
	v3 =	vadd.f32 v58, v3  }
0x1c9: {  	v5 =	vadd.f32 v59, v5;
	v7 =	vadd.f32 v9, v7;
	v9 =	vld [tilespmem:s26+$0x0]  }
0x1ca: {  	v0 =	vadd.f32 v11, v0;
	v3 =	vadd.f32 v13, v3;
	v11 =	vld [tilespmem:s26+$0x10]  }
0x1cb: {  	v5 =	vadd.f32 v15, v5;
	v7 =	vadd.f32 v17, v7  }
0x1cc: {  	v13 =	vmul.f32 v62, v53;
	v0 =	vadd.f32 v18, v0;
	v3 =	vadd.f32 v19, v3  }
0x1cd: {  	v15 =	vmul.f32 v63, v54;
	v5 =	vadd.f32 v60, v5;
	v7 =	vadd.f32 v61, v7  }
0x1ce: {  	v0 =	vmul.f32 v62, v0;
	v3 =	vmul.f32 v63, v3  }
0x1cf: {  	v5 =	vmul.f32 v9, v5;
	v7 =	vmul.f32 v11, v7  }
0x1d0: {  	v9 =	vmul.f32 v9, v55;
	v11 =	vmul.f32 v11, v56  }
0x1d1: {  	p0 =	sne.s32 s25, $0x7C0;
	v0 =	vadd.f32 v3, v0;
	v3 =	vadd.f32 v7, v5  }
.Ltmp7:
0x1d2: {  	v5 =	vadd.f32 v15, v13;
	v7 =	vadd.f32 v11, v9;
	(pc) =	sbr.rel @p0 .LBB2_6-.Ltmp7, $4  }
0x1d3: {  	v0 =	vadd.f32 v3, v0  }
0x1d4: {  	s29 =	sshra.s32 s25, $0x2;
	v3 =	vadd.f32 v7, v5  }
0x1d5: {  	[tilespmem:s29+$0x17C00] =	vst v0  }
0x1d6: {  	s25 =	sadd.s32 $0x40, s25;
	s28 =	sadd.s32 $0x500, s28;
	s26 =	sadd.s32 $0x40, s26;
	[tilespmem:s29+$0x17E00] =	vst v3  }
.Ltmp8:
0x1d7: {  	_ = 	snop;
	(pc) =	sbr.rel .LBB2_7-.Ltmp8, $1  }
0x1d8: {  	_ =	sdelay $0x3  }
.LBB2_9:
0x1d9: {  	_ =	sfence.sel $0x180000  }
0x1da: {  	[bflag:$0x0] =	sbarrier.arrive $0xFFFF  }
0x1db: {  	p0 =	sne.s32 s0, $0x0;
	_ =	strace $0x90000047  }
0x1dc: {  	s0 =	sadd.s32 @!p0 $0x100000, s1;
	[bflag:$0x2] =	sbarrier.arrive $0xFFFF  }
0x1dd: {  	[sflag:s0] =	ssyncadd.tile.s32 @!p0 $0x1;
	_ =	shalt  }
.Lfunc_end2:
_tile_overlayer_lowered:
.L_overlay_start_2:
0x1de: {  	(tag) =	ssettag $0x2  }
0x1df: {  	s0 =	rddreg [dreg:$0x0];
	s2 =	stileid.u32  }
0x1e0: {  	s1 =	rddreg [dreg:$0x1];
	p0 =	sne.s32 s2, $0x0  }
0x1e1: {  	s3 =	rddreg [dreg:$0x2];
	[bflag:$0x3] =	sbarrier.arrive $0xFFFF;
	s2 =	simm.s32 @!p0 $0x1C03  }
0x1e2: {  	[timem:s3], [sflag:s2] =	dma.local @!p0 [hbm:s0], s1  }
0x1e3: {  	s0 =	simm.s32 @!p0 $0x3  }
0x1e4: {  	_ =	swait.ge @!p0 [sflag:s0], s1  }
0x1e5: {  	s1 =	ssub.s32 @!p0 $0x0, s1;
	[sflag:s0] =	ssyncset.done @!p0 $0x0  }
0x1e6: {  	[sflag:s0] =	ssyncadd.s32 @!p0 s1  }
0x1e7: {  	[bflag:$0x3] =	sbarrier.arrive $0xFFFF  }
0x1e8: {  	_ =	shalt  }

</sc_bundles>
